<compile_context>
chip_gen: v7x
topology: tpu7x:2x2x1
jax: 0.10.2.dev20260603
libtpu: 0.0.44.dev20260713+nightly
codegen_flags: <defaults>
</compile_context>

<pallas_src>
import functools

import jax
import jax.numpy as jnp
from jax import lax
from jax.experimental import pallas as pl
from jax.experimental.pallas import tpu as pltpu
from jax.experimental.pallas import tpu_sc as plsc

_TEMP = 0.2
_NC = 2
_NS = 16
_CH = 512


def _mask_apply(x, mask_nodes, mask_token):
    N, D = x.shape
    M = mask_nodes.shape[0]
    CPR = 200
    n_copy = -(-N // CPR)
    copy_per_tile = -(-n_copy // _NS)
    MCH = 128
    n_sc = -(-M // MCH)
    sc_per_tile = -(-n_sc // _NS)
    mesh = plsc.VectorSubcoreMesh(core_axis_name="c", subcore_axis_name="s")

    @functools.partial(
        pl.kernel,
        out_type=jax.ShapeDtypeStruct((N, D), jnp.float32),
        mesh=mesh,
        scratch_types=[
            pltpu.VMEM((CPR, D), jnp.float32),
            pltpu.VMEM((MCH, D), jnp.float32),
            pltpu.VMEM((MCH,), jnp.int32),
            pltpu.VMEM((1, D), jnp.float32),
        ],
    )
    def k(x_hbm, mi_hbm, tok_hbm, xm_hbm, buf_v, trows_v, idx_v, tok_v):
        cid = lax.axis_index("c")
        sid = lax.axis_index("s")
        on0 = cid == 0
        for t in range(copy_per_tile):
            q = sid + _NS * t

            @pl.when(jnp.logical_and(on0, q < n_copy))
            def _():
                off = q * CPR
                pltpu.sync_copy(x_hbm.at[pl.ds(off, CPR)], buf_v)
                pltpu.sync_copy(buf_v, xm_hbm.at[pl.ds(off, CPR)])

        plsc.subcore_barrier()

        @pl.when(on0)
        def _():
            pltpu.sync_copy(tok_hbm, tok_v)

            def fill(j, carry):
                for kk in range(D // 16):
                    trows_v[j, pl.ds(kk * 16, 16)] = tok_v[0, pl.ds(kk * 16, 16)]
                return carry

            lax.fori_loop(0, MCH, fill, 0)
            for t in range(sc_per_tile):
                g = sid + _NS * t

                @pl.when(g < n_sc)
                def _():
                    start = jnp.minimum(g * MCH, M - MCH)
                    pltpu.sync_copy(mi_hbm.at[pl.ds(start, MCH)], idx_v)
                    pltpu.sync_copy(trows_v, xm_hbm.at[idx_v])

    return k(x, mask_nodes, mask_token)


def _edge_segsum(h, srcp, dstp, zrows, n_pad, n_ch):
    N = h.shape[0]
    D = h.shape[1]
    CH = _CH
    EPP = n_ch * CH
    RPT = (N // _NS) // 8 * 8
    TAIL = N - _NS * RPT
    dt = h.dtype
    mesh = plsc.VectorSubcoreMesh(core_axis_name="c", subcore_axis_name="s")

    @functools.partial(
        pl.kernel,
        out_type=jax.ShapeDtypeStruct((_NC, N, D), dt),
        mesh=mesh,
        compiler_params=pltpu.CompilerParams(use_tc_tiling_on_sc=False),
        scratch_types=[
            pltpu.VMEM_SHARED((N + n_pad, D), dt),
            pltpu.VMEM((CH,), jnp.int32),
            pltpu.VMEM((CH,), jnp.int32),
            pltpu.VMEM((CH,), jnp.int32),
            pltpu.VMEM((CH,), jnp.int32),
            pltpu.VMEM((CH, D), dt),
            pltpu.VMEM((CH, D), dt),
            pltpu.SemaphoreType.DMA,
            pltpu.SemaphoreType.DMA,
        ],
    )
    def k(h_hbm, src_hbm, dst_hbm, z_hbm, out_hbm, acc_sh, si_a, si_b,
          di_a, di_b, rows_a, rows_b, sem_a, sem_b):
        cid = lax.axis_index("c")
        sid = lax.axis_index("s")
        wid = sid * _NC + cid
        pltpu.sync_copy(z_hbm, acc_sh.at[pl.ds(sid * RPT, RPT)])
        if TAIL:
            @pl.when(sid == 0)
            def _():
                pltpu.sync_copy(z_hbm.at[pl.ds(0, TAIL)],
                                acc_sh.at[pl.ds(_NS * RPT, TAIL)])
        e0 = wid * EPP
        pltpu.sync_copy(src_hbm.at[pl.ds(e0, CH)], si_a)
        pltpu.async_copy(h_hbm.at[si_a], rows_a, sem_a)
        plsc.subcore_barrier()

        def body(g, carry):
            i = g * 2
            pltpu.sync_copy(src_hbm.at[pl.ds(e0 + (i + 1) * CH, CH)], si_b)
            pltpu.async_copy(h_hbm.at[si_b], rows_b, sem_b)
            pltpu.sync_copy(dst_hbm.at[pl.ds(e0 + i * CH, CH)], di_a)
            pltpu.make_async_copy(h_hbm.at[pl.ds(0, CH)], rows_a, sem_a).wait()
            pltpu.sync_copy(rows_a, acc_sh.at[di_a], add=True)

            @pl.when(i + 2 < n_ch)
            def _():
                pltpu.sync_copy(src_hbm.at[pl.ds(e0 + (i + 2) * CH, CH)], si_a)
                pltpu.async_copy(h_hbm.at[si_a], rows_a, sem_a)

            pltpu.sync_copy(dst_hbm.at[pl.ds(e0 + (i + 1) * CH, CH)], di_b)
            pltpu.make_async_copy(h_hbm.at[pl.ds(0, CH)], rows_b, sem_b).wait()
            pltpu.sync_copy(rows_b, acc_sh.at[di_b], add=True)
            return carry

        lax.fori_loop(0, n_ch // 2, body, 0)
        plsc.subcore_barrier()
        pltpu.sync_copy(
            acc_sh.at[pl.ds(sid * RPT, RPT)],
            out_hbm.at[cid, pl.ds(sid * RPT, RPT)],
        )
        if TAIL:
            @pl.when(sid == 0)
            def _():
                pltpu.sync_copy(
                    acc_sh.at[pl.ds(_NS * RPT, TAIL)],
                    out_hbm.at[cid, pl.ds(_NS * RPT, TAIL)],
                )

    return k(h, srcp, dstp, zrows)


def _cast_bf16(a):

    def body(a_ref, o_ref):
        o_ref[...] = a_ref[...].astype(jnp.bfloat16)

    return pl.pallas_call(
        body, out_shape=jax.ShapeDtypeStruct(a.shape, jnp.bfloat16))(a)


def _dense_layer(h, agg2, p, gid2):
    N, D = h.shape
    Bg = 16
    Hh = p["W1"].shape[0]

    def body(h_ref, a_ref, w1_ref, mg_ref, mb_ref, w2_ref, g_ref, b_ref, gid_ref,
             ho_ref, hobf_ref, pool_ref):
        h_ = h_ref[...]
        h2 = h_ + a_ref[0].astype(jnp.float32) + a_ref[1].astype(jnp.float32)
        y = lax.dot_general(h2, w1_ref[...], (((1,), (1,)), ((), ())),
                            preferred_element_type=jnp.float32)
        mu = jnp.mean(y, axis=0, keepdims=True)
        var = jnp.mean((y - mu) ** 2, axis=0, keepdims=True)
        y = (y - mu) * lax.rsqrt(var + 1e-5) * mg_ref[...] + mb_ref[...]
        y = jnp.maximum(y, 0.0)
        z = lax.dot_general(y, w2_ref[...], (((1,), (1,)), ((), ())),
                            preferred_element_type=jnp.float32)
        mu2 = jnp.mean(z, axis=0, keepdims=True)
        var2 = jnp.mean((z - mu2) ** 2, axis=0, keepdims=True)
        z = (z - mu2) * lax.rsqrt(var2 + 1e-5) * g_ref[...] + b_ref[...]
        hn = jnp.maximum(z, 0.0)
        ho_ref[...] = hn
        hobf_ref[...] = hn.astype(jnp.bfloat16)
        oh = (gid_ref[...] == lax.broadcasted_iota(jnp.int32, (1, Bg), 1)).astype(
            jnp.float32)
        pool_ref[...] = lax.dot_general(oh, hn, (((0,), (0,)), ((), ())),
                                        preferred_element_type=jnp.float32)

    return pl.pallas_call(
        body,
        out_shape=(
            jax.ShapeDtypeStruct((N, p["W2"].shape[0]), jnp.float32),
            jax.ShapeDtypeStruct((N, p["W2"].shape[0]), jnp.bfloat16),
            jax.ShapeDtypeStruct((Bg, p["W2"].shape[0]), jnp.float32),
        ),
    )(h, agg2, p["W1"], p["mbn_g"].reshape(1, Hh), p["mbn_b"].reshape(1, Hh),
      p["W2"], p["bn_g"].reshape(1, -1), p["bn_b"].reshape(1, -1), gid2)


def _head(ch, gh, pp):

    def body(ch_ref, gh_ref, w1_ref, b1_ref, w2_ref, b2_ref, out_ref):
        def proj(z):
            z1 = lax.dot_general(z, w1_ref[...], (((1,), (1,)), ((), ())),
                                 preferred_element_type=jnp.float32) + b1_ref[...]
            z1 = jnp.maximum(z1, 0.0)
            return lax.dot_general(z1, w2_ref[...], (((1,), (1,)), ((), ())),
                                   preferred_element_type=jnp.float32) + b2_ref[...]

        c_h = proj(ch_ref[...])
        c_m = proj(gh_ref[...])
        na = jnp.sqrt(jnp.sum(c_h * c_h, axis=1, keepdims=True))
        nb = jnp.sqrt(jnp.sum(c_m * c_m, axis=1, keepdims=True))
        outer = lax.dot_general(na, nb, (((1,), (1,)), ((), ())),
                                preferred_element_type=jnp.float32)
        sim = jnp.exp(
            lax.dot_general(c_h, c_m, (((1,), (1,)), ((), ())),
                            preferred_element_type=jnp.float32) / outer / _TEMP)
        Bg = sim.shape[0]
        eye = (lax.broadcasted_iota(jnp.int32, (Bg, Bg), 0)
               == lax.broadcasted_iota(jnp.int32, (Bg, Bg), 1)).astype(jnp.float32)
        pos = jnp.sum(sim * eye, axis=1, keepdims=True)
        tot = jnp.sum(sim, axis=1, keepdims=True)
        lvec = jnp.log(pos / (tot - pos))
        out_ref[...] = -jnp.mean(lvec) * jnp.ones((1, 1), jnp.float32)

    return pl.pallas_call(
        body,
        out_shape=jax.ShapeDtypeStruct((1, 1), jnp.float32),
    )(ch, gh, pp["W1"], pp["b1"].reshape(1, -1), pp["W2"], pp["b2"].reshape(1, -1))


def kernel(x, edge_index, graph_ids, mask_nodes, enc_params, con_params,
           proj_params, mask_token):
    N, D = x.shape
    src = edge_index[0].astype(jnp.int32)
    dst = edge_index[1].astype(jnp.int32)
    mask_nodes = mask_nodes.astype(jnp.int32)
    gid2 = graph_ids.astype(jnp.int32).reshape(N, 1)
    zrows = jnp.zeros(((N // _NS) // 8 * 8, D), jnp.bfloat16)

    E = src.shape[0]
    NW = _NC * _NS
    EP = E // NW
    CH = _CH
    NCH = (-(-EP // CH) + 1) // 2 * 2
    n_pad = NCH * CH - EP
    src_r = src.reshape(NW, EP)
    dst_r = dst.reshape(NW, EP)
    if n_pad:
        pad_s = jnp.zeros((NW, n_pad), jnp.int32)
        pad_d = jnp.broadcast_to(N + jnp.arange(n_pad, dtype=jnp.int32),
                                 (NW, n_pad))
        src_r = jnp.concatenate([src_r, pad_s], axis=1)
        dst_r = jnp.concatenate([dst_r, pad_d], axis=1)
    srcp = src_r.reshape(NW * NCH * CH)
    dstp = dst_r.reshape(NW * NCH * CH)
    n_pad_rows = max(n_pad, 8)

    xm = _mask_apply(x, mask_nodes, mask_token)

    def encoder(h0, params):
        h = h0
        hb = _cast_bf16(h0)
        pools = []
        for p in params:
            agg2 = _edge_segsum(hb, srcp, dstp, zrows, n_pad_rows, NCH)
            h, hb, pool = _dense_layer(h, agg2, p, gid2)
            pools.append(pool)
        return h, jnp.concatenate(pools, axis=1)

    _, gh = encoder(xm, enc_params)
    _, ch = encoder(x, con_params)
    out = _head(ch, gh, proj_params)
    return out[0, 0]

# --- scband reference (transcript-rebuilt; emitter-appended) ---
"""Pipeline reference for scband-cmae-72894184947729 (READ-ONLY COPY).

The authoritative reference and input builder live on the scoring server;
editing this copy changes nothing except your own understanding.
"""

import jax, jax.numpy as jnp
import numpy as np

N = 10000
E = 320000
D = 128
H = 128
O = 128
L = 2
B = 16
T = 0.2
RATE = 0.5


def _make_params(key, in_dim, out_dim, hidden, layers):
    ps = []
    for l in range(layers):
        d_in = in_dim if l == 0 else out_dim
        key, k1, k2 = jax.random.split(key, 3)
        ps.append({
            'W1': jax.random.normal(k1, (hidden, d_in), jnp.float32) / np.sqrt(d_in),
            'mbn_g': jnp.ones((hidden,), jnp.float32),
            'mbn_b': jnp.zeros((hidden,), jnp.float32),
            'W2': jax.random.normal(k2, (out_dim, hidden), jnp.float32) / np.sqrt(hidden),
            'bn_g': jnp.ones((out_dim,), jnp.float32),
            'bn_b': jnp.zeros((out_dim,), jnp.float32),
        })
    return ps


def setup_inputs(seed: int = 0):
    key = jax.random.key(seed)
    ks = jax.random.split(key, 8)
    x = jax.random.normal(ks[0], (N, D), jnp.float32)
    edge_index = jax.random.randint(ks[1], (2, E), 0, N)
    graph_ids = jnp.sort(jax.random.randint(ks[2], (N,), 0, B))
    mask_nodes = jax.random.permutation(ks[3], N)[: int(RATE * N)]
    enc_params = _make_params(ks[4], D, O, H, L)
    con_params = _make_params(ks[5], D, O, H, L)
    proj_params = {
        'W1': jax.random.normal(ks[6], (64 * L, O * L), jnp.float32) / np.sqrt(O * L),
        'b1': jnp.zeros((64 * L,), jnp.float32),
        'W2': jax.random.normal(ks[7], (128, 64 * L), jnp.float32) / np.sqrt(64 * L),
        'b2': jnp.zeros((128,), jnp.float32),
    }
    mask_token = jnp.zeros((1, D), jnp.float32)
    return dict(x=x, edge_index=edge_index, graph_ids=graph_ids, mask_nodes=mask_nodes,
                enc_params=enc_params, con_params=con_params, proj_params=proj_params,
                mask_token=mask_token)


def _bn(h, g, b):
    mu = jnp.mean(h, axis=0)
    var = jnp.var(h, axis=0)
    return (h - mu) / jnp.sqrt(var + 1e-5) * g + b


def _encoder(x, src, dst, graph_ids, params):
    h = x
    outs = []
    for p in params:
        agg = jax.ops.segment_sum(h[src], dst, num_segments=N)
        h2 = h + agg
        h2 = jax.nn.relu(_bn(h2 @ p['W1'].T, p['mbn_g'], p['mbn_b'])) @ p['W2'].T
        h = jax.nn.relu(_bn(h2, p['bn_g'], p['bn_b']))
        outs.append(jax.ops.segment_sum(h, graph_ids, num_segments=B))
    return h, jnp.concatenate(outs, axis=1)


def _proj(z, p):
    return jax.nn.relu(z @ p['W1'].T + p['b1']) @ p['W2'].T + p['b2']


def _cl_loss(xq, xk, t):
    xa = jnp.linalg.norm(xq, axis=1)
    ya = jnp.linalg.norm(xk, axis=1)
    sim = jnp.exp((xq @ xk.T) / jnp.outer(xa, ya) / t)
    pos = jnp.diag(sim)
    return -jnp.mean(jnp.log(pos / (jnp.sum(sim, axis=1) - pos)))


def reference(x, edge_index, graph_ids, mask_nodes, enc_params, con_params, proj_params, mask_token):
    src = edge_index[0]
    dst = edge_index[1]
    xm = x.at[mask_nodes].set(0.0)
    xm = xm.at[mask_nodes].add(jnp.broadcast_to(mask_token, (mask_nodes.shape[0], x.shape[1])))
    h, gh = _encoder(xm, src, dst, graph_ids, enc_params)
    _, ch = _encoder(x, src, dst, graph_ids, con_params)
    c_h = _proj(ch, proj_params)
    c_m = _proj(gh, proj_params)
    return _cl_loss(c_h, c_m, T)

if __name__ == "__main__":
    import jax
    _d = setup_inputs()
    print(jax.jit(kernel)(*tuple(_d.values())))

</pallas_src>

<mosaic_0001>
#map = affine_map<(d0, d1) -> (0, 0)>
#map1 = affine_map<(d0, d1) -> (0)>
module attributes {stable_mosaic.version = 14 : i64} {
  func.func @k(%arg0: i32, %arg1: i32, %arg2: memref<10000x128xf32, #tpu.memory_space<hbm>>, %arg3: memref<5000xi32, #tpu.memory_space<hbm>>, %arg4: memref<1x128xf32, #tpu.memory_space<hbm>>, %arg5: memref<10000x128xf32, #tpu.memory_space<hbm>>, %arg6: memref<200x128xf32, #tpu.memory_space<vmem>>, %arg7: memref<128x128xf32, #tpu.memory_space<vmem>>, %arg8: memref<128xi32, #tpu.memory_space<vmem>>, %arg9: memref<1x128xf32, #tpu.memory_space<vmem>>) attributes {dimension_semantics = [#tpu.dimension_semantics<core_parallel>, #tpu.dimension_semantics<subcore_parallel>], iteration_bounds = array<i64: 2, 16>, scalar_prefetch = 0 : i64, scratch_operands = 4 : i64, tpu.core_type = #tpu.core_type<sc_vector_subcore>, window_params = [{transform_indices = #map}, {transform_indices = #map1}, {transform_indices = #map}, {transform_indices = #map}]} {
    %eq3A = arith.constant 0 : i32
    %eq3A_0 = arith.cmpi eq, %arg0, %eq3A : i32
    %add3A = arith.constant 0 : i32
    %add3A_1 = arith.addi %arg1, %add3A : i32
    %lt3A = arith.constant 50 : i32
    %lt3A_2 = arith.cmpi slt, %add3A_1, %lt3A : i32
    %and3A = arith.andi %eq3A_0, %lt3A_2 : i1
    %convert_element_type3A = arith.extui %and3A : i1 to i32
    %cond3A = arith.constant 0 : i32
    %cond3A_3 = arith.cmpi ne, %convert_element_type3A, %cond3A : i32
    scf.if %cond3A_3 {
      %mul3A = arith.constant 200 : i32
      %mul3A_31 = arith.muli %add3A_1, %mul3A : i32
      "tpu.region"() ({
        %run_scoped3A = tpu.sem_alloc : memref<!tpu.dma_semaphore, #tpu.memory_space<semaphore_mem>>
        %dma_start3A = arith.constant 0 : i32
        %dma_start3A_32 = tpu.memref_slice %arg2[%mul3A_31, %dma_start3A] : memref<10000x128xf32, #tpu.memory_space<hbm>> -> memref<200x128xf32, #tpu.memory_space<hbm>>
        %dma_start3A_33 = arith.constant 0 : i32
        %dma_start3A_34 = tpu.memref_slice %arg2[%mul3A_31, %dma_start3A_33] : memref<10000x128xf32, #tpu.memory_space<hbm>> -> memref<200x128xf32, #tpu.memory_space<hbm>>
        tpu.enqueue_dma source(%dma_start3A_34 : memref<200x128xf32, #tpu.memory_space<hbm>>) target(%arg6 : memref<200x128xf32, #tpu.memory_space<vmem>>) target_semaphore(%run_scoped3A : memref<!tpu.dma_semaphore, #tpu.memory_space<semaphore_mem>>)
        %dma_wait3A = arith.constant 0 : i32
        %dma_wait3A_35 = tpu.memref_slice %arg2[%mul3A_31, %dma_wait3A] : memref<10000x128xf32, #tpu.memory_space<hbm>> -> memref<200x128xf32, #tpu.memory_space<hbm>>
        %dma_wait3A_36 = arith.constant 0 : i32
        %dma_wait3A_37 = tpu.memref_slice %arg2[%mul3A_31, %dma_wait3A_36] : memref<10000x128xf32, #tpu.memory_space<hbm>> -> memref<200x128xf32, #tpu.memory_space<hbm>>
        tpu.wait_dma2 semaphore(%run_scoped3A : memref<!tpu.dma_semaphore, #tpu.memory_space<semaphore_mem>>) src(%dma_wait3A_37 : memref<200x128xf32, #tpu.memory_space<hbm>>) dst(%arg6 : memref<200x128xf32, #tpu.memory_space<vmem>>)
        tpu.yield
      }) : () -> ()
      "tpu.region"() ({
        %run_scoped3A = tpu.sem_alloc : memref<!tpu.dma_semaphore, #tpu.memory_space<semaphore_mem>>
        %dma_start3A = arith.constant 0 : i32
        %dma_start3A_32 = tpu.memref_slice %arg5[%mul3A_31, %dma_start3A] : memref<10000x128xf32, #tpu.memory_space<hbm>> -> memref<200x128xf32, #tpu.memory_space<hbm>>
        %dma_start3A_33 = arith.constant 0 : i32
        %dma_start3A_34 = tpu.memref_slice %arg5[%mul3A_31, %dma_start3A_33] : memref<10000x128xf32, #tpu.memory_space<hbm>> -> memref<200x128xf32, #tpu.memory_space<hbm>>
        tpu.enqueue_dma source(%arg6 : memref<200x128xf32, #tpu.memory_space<vmem>>) target(%dma_start3A_34 : memref<200x128xf32, #tpu.memory_space<hbm>>) target_semaphore(%run_scoped3A : memref<!tpu.dma_semaphore, #tpu.memory_space<semaphore_mem>>)
        %dma_wait3A = arith.constant 0 : i32
        %dma_wait3A_35 = tpu.memref_slice %arg5[%mul3A_31, %dma_wait3A] : memref<10000x128xf32, #tpu.memory_space<hbm>> -> memref<200x128xf32, #tpu.memory_space<hbm>>
        %dma_wait3A_36 = arith.constant 0 : i32
        %dma_wait3A_37 = tpu.memref_slice %arg5[%mul3A_31, %dma_wait3A_36] : memref<10000x128xf32, #tpu.memory_space<hbm>> -> memref<200x128xf32, #tpu.memory_space<hbm>>
        tpu.wait_dma2 semaphore(%run_scoped3A : memref<!tpu.dma_semaphore, #tpu.memory_space<semaphore_mem>>) src(%arg6 : memref<200x128xf32, #tpu.memory_space<vmem>>) dst(%dma_wait3A_37 : memref<200x128xf32, #tpu.memory_space<hbm>>)
        tpu.yield
      }) : () -> ()
    } else {
    }
    %add3A_4 = arith.constant 16 : i32
    %add3A_5 = arith.addi %arg1, %add3A_4 : i32
    %lt3A_6 = arith.constant 50 : i32
    %lt3A_7 = arith.cmpi slt, %add3A_5, %lt3A_6 : i32
    %and3A_8 = arith.andi %eq3A_0, %lt3A_7 : i1
    %convert_element_type3A_9 = arith.extui %and3A_8 : i1 to i32
    %cond3A_10 = arith.constant 0 : i32
    %cond3A_11 = arith.cmpi ne, %convert_element_type3A_9, %cond3A_10 : i32
    scf.if %cond3A_11 {
      %mul3A = arith.constant 200 : i32
      %mul3A_31 = arith.muli %add3A_5, %mul3A : i32
      "tpu.region"() ({
        %run_scoped3A = tpu.sem_alloc : memref<!tpu.dma_semaphore, #tpu.memory_space<semaphore_mem>>
        %dma_start3A = arith.constant 0 : i32
        %dma_start3A_32 = tpu.memref_slice %arg2[%mul3A_31, %dma_start3A] : memref<10000x128xf32, #tpu.memory_space<hbm>> -> memref<200x128xf32, #tpu.memory_space<hbm>>
        %dma_start3A_33 = arith.constant 0 : i32
        %dma_start3A_34 = tpu.memref_slice %arg2[%mul3A_31, %dma_start3A_33] : memref<10000x128xf32, #tpu.memory_space<hbm>> -> memref<200x128xf32, #tpu.memory_space<hbm>>
        tpu.enqueue_dma source(%dma_start3A_34 : memref<200x128xf32, #tpu.memory_space<hbm>>) target(%arg6 : memref<200x128xf32, #tpu.memory_space<vmem>>) target_semaphore(%run_scoped3A : memref<!tpu.dma_semaphore, #tpu.memory_space<semaphore_mem>>)
        %dma_wait3A = arith.constant 0 : i32
        %dma_wait3A_35 = tpu.memref_slice %arg2[%mul3A_31, %dma_wait3A] : memref<10000x128xf32, #tpu.memory_space<hbm>> -> memref<200x128xf32, #tpu.memory_space<hbm>>
        %dma_wait3A_36 = arith.constant 0 : i32
        %dma_wait3A_37 = tpu.memref_slice %arg2[%mul3A_31, %dma_wait3A_36] : memref<10000x128xf32, #tpu.memory_space<hbm>> -> memref<200x128xf32, #tpu.memory_space<hbm>>
        tpu.wait_dma2 semaphore(%run_scoped3A : memref<!tpu.dma_semaphore, #tpu.memory_space<semaphore_mem>>) src(%dma_wait3A_37 : memref<200x128xf32, #tpu.memory_space<hbm>>) dst(%arg6 : memref<200x128xf32, #tpu.memory_space<vmem>>)
        tpu.yield
      }) : () -> ()
      "tpu.region"() ({
        %run_scoped3A = tpu.sem_alloc : memref<!tpu.dma_semaphore, #tpu.memory_space<semaphore_mem>>
        %dma_start3A = arith.constant 0 : i32
        %dma_start3A_32 = tpu.memref_slice %arg5[%mul3A_31, %dma_start3A] : memref<10000x128xf32, #tpu.memory_space<hbm>> -> memref<200x128xf32, #tpu.memory_space<hbm>>
        %dma_start3A_33 = arith.constant 0 : i32
        %dma_start3A_34 = tpu.memref_slice %arg5[%mul3A_31, %dma_start3A_33] : memref<10000x128xf32, #tpu.memory_space<hbm>> -> memref<200x128xf32, #tpu.memory_space<hbm>>
        tpu.enqueue_dma source(%arg6 : memref<200x128xf32, #tpu.memory_space<vmem>>) target(%dma_start3A_34 : memref<200x128xf32, #tpu.memory_space<hbm>>) target_semaphore(%run_scoped3A : memref<!tpu.dma_semaphore, #tpu.memory_space<semaphore_mem>>)
        %dma_wait3A = arith.constant 0 : i32
        %dma_wait3A_35 = tpu.memref_slice %arg5[%mul3A_31, %dma_wait3A] : memref<10000x128xf32, #tpu.memory_space<hbm>> -> memref<200x128xf32, #tpu.memory_space<hbm>>
        %dma_wait3A_36 = arith.constant 0 : i32
        %dma_wait3A_37 = tpu.memref_slice %arg5[%mul3A_31, %dma_wait3A_36] : memref<10000x128xf32, #tpu.memory_space<hbm>> -> memref<200x128xf32, #tpu.memory_space<hbm>>
        tpu.wait_dma2 semaphore(%run_scoped3A : memref<!tpu.dma_semaphore, #tpu.memory_space<semaphore_mem>>) src(%arg6 : memref<200x128xf32, #tpu.memory_space<vmem>>) dst(%dma_wait3A_37 : memref<200x128xf32, #tpu.memory_space<hbm>>)
        tpu.yield
      }) : () -> ()
    } else {
    }
    %add3A_12 = arith.constant 32 : i32
    %add3A_13 = arith.addi %arg1, %add3A_12 : i32
    %lt3A_14 = arith.constant 50 : i32
    %lt3A_15 = arith.cmpi slt, %add3A_13, %lt3A_14 : i32
    %and3A_16 = arith.andi %eq3A_0, %lt3A_15 : i1
    %convert_element_type3A_17 = arith.extui %and3A_16 : i1 to i32
    %cond3A_18 = arith.constant 0 : i32
    %cond3A_19 = arith.cmpi ne, %convert_element_type3A_17, %cond3A_18 : i32
    scf.if %cond3A_19 {
      %mul3A = arith.constant 200 : i32
      %mul3A_31 = arith.muli %add3A_13, %mul3A : i32
      "tpu.region"() ({
        %run_scoped3A = tpu.sem_alloc : memref<!tpu.dma_semaphore, #tpu.memory_space<semaphore_mem>>
        %dma_start3A = arith.constant 0 : i32
        %dma_start3A_32 = tpu.memref_slice %arg2[%mul3A_31, %dma_start3A] : memref<10000x128xf32, #tpu.memory_space<hbm>> -> memref<200x128xf32, #tpu.memory_space<hbm>>
        %dma_start3A_33 = arith.constant 0 : i32
        %dma_start3A_34 = tpu.memref_slice %arg2[%mul3A_31, %dma_start3A_33] : memref<10000x128xf32, #tpu.memory_space<hbm>> -> memref<200x128xf32, #tpu.memory_space<hbm>>
        tpu.enqueue_dma source(%dma_start3A_34 : memref<200x128xf32, #tpu.memory_space<hbm>>) target(%arg6 : memref<200x128xf32, #tpu.memory_space<vmem>>) target_semaphore(%run_scoped3A : memref<!tpu.dma_semaphore, #tpu.memory_space<semaphore_mem>>)
        %dma_wait3A = arith.constant 0 : i32
        %dma_wait3A_35 = tpu.memref_slice %arg2[%mul3A_31, %dma_wait3A] : memref<10000x128xf32, #tpu.memory_space<hbm>> -> memref<200x128xf32, #tpu.memory_space<hbm>>
        %dma_wait3A_36 = arith.constant 0 : i32
        %dma_wait3A_37 = tpu.memref_slice %arg2[%mul3A_31, %dma_wait3A_36] : memref<10000x128xf32, #tpu.memory_space<hbm>> -> memref<200x128xf32, #tpu.memory_space<hbm>>
        tpu.wait_dma2 semaphore(%run_scoped3A : memref<!tpu.dma_semaphore, #tpu.memory_space<semaphore_mem>>) src(%dma_wait3A_37 : memref<200x128xf32, #tpu.memory_space<hbm>>) dst(%arg6 : memref<200x128xf32, #tpu.memory_space<vmem>>)
        tpu.yield
      }) : () -> ()
      "tpu.region"() ({
        %run_scoped3A = tpu.sem_alloc : memref<!tpu.dma_semaphore, #tpu.memory_space<semaphore_mem>>
        %dma_start3A = arith.constant 0 : i32
        %dma_start3A_32 = tpu.memref_slice %arg5[%mul3A_31, %dma_start3A] : memref<10000x128xf32, #tpu.memory_space<hbm>> -> memref<200x128xf32, #tpu.memory_space<hbm>>
        %dma_start3A_33 = arith.constant 0 : i32
        %dma_start3A_34 = tpu.memref_slice %arg5[%mul3A_31, %dma_start3A_33] : memref<10000x128xf32, #tpu.memory_space<hbm>> -> memref<200x128xf32, #tpu.memory_space<hbm>>
        tpu.enqueue_dma source(%arg6 : memref<200x128xf32, #tpu.memory_space<vmem>>) target(%dma_start3A_34 : memref<200x128xf32, #tpu.memory_space<hbm>>) target_semaphore(%run_scoped3A : memref<!tpu.dma_semaphore, #tpu.memory_space<semaphore_mem>>)
        %dma_wait3A = arith.constant 0 : i32
        %dma_wait3A_35 = tpu.memref_slice %arg5[%mul3A_31, %dma_wait3A] : memref<10000x128xf32, #tpu.memory_space<hbm>> -> memref<200x128xf32, #tpu.memory_space<hbm>>
        %dma_wait3A_36 = arith.constant 0 : i32
        %dma_wait3A_37 = tpu.memref_slice %arg5[%mul3A_31, %dma_wait3A_36] : memref<10000x128xf32, #tpu.memory_space<hbm>> -> memref<200x128xf32, #tpu.memory_space<hbm>>
        tpu.wait_dma2 semaphore(%run_scoped3A : memref<!tpu.dma_semaphore, #tpu.memory_space<semaphore_mem>>) src(%arg6 : memref<200x128xf32, #tpu.memory_space<vmem>>) dst(%dma_wait3A_37 : memref<200x128xf32, #tpu.memory_space<hbm>>)
        tpu.yield
      }) : () -> ()
    } else {
    }
    %add3A_20 = arith.constant 48 : i32
    %add3A_21 = arith.addi %arg1, %add3A_20 : i32
    %lt3A_22 = arith.constant 50 : i32
    %lt3A_23 = arith.cmpi slt, %add3A_21, %lt3A_22 : i32
    %and3A_24 = arith.andi %eq3A_0, %lt3A_23 : i1
    %convert_element_type3A_25 = arith.extui %and3A_24 : i1 to i32
    %cond3A_26 = arith.constant 0 : i32
    %cond3A_27 = arith.cmpi ne, %convert_element_type3A_25, %cond3A_26 : i32
    scf.if %cond3A_27 {
      %mul3A = arith.constant 200 : i32
      %mul3A_31 = arith.muli %add3A_21, %mul3A : i32
      "tpu.region"() ({
        %run_scoped3A = tpu.sem_alloc : memref<!tpu.dma_semaphore, #tpu.memory_space<semaphore_mem>>
        %dma_start3A = arith.constant 0 : i32
        %dma_start3A_32 = tpu.memref_slice %arg2[%mul3A_31, %dma_start3A] : memref<10000x128xf32, #tpu.memory_space<hbm>> -> memref<200x128xf32, #tpu.memory_space<hbm>>
        %dma_start3A_33 = arith.constant 0 : i32
        %dma_start3A_34 = tpu.memref_slice %arg2[%mul3A_31, %dma_start3A_33] : memref<10000x128xf32, #tpu.memory_space<hbm>> -> memref<200x128xf32, #tpu.memory_space<hbm>>
        tpu.enqueue_dma source(%dma_start3A_34 : memref<200x128xf32, #tpu.memory_space<hbm>>) target(%arg6 : memref<200x128xf32, #tpu.memory_space<vmem>>) target_semaphore(%run_scoped3A : memref<!tpu.dma_semaphore, #tpu.memory_space<semaphore_mem>>)
        %dma_wait3A = arith.constant 0 : i32
        %dma_wait3A_35 = tpu.memref_slice %arg2[%mul3A_31, %dma_wait3A] : memref<10000x128xf32, #tpu.memory_space<hbm>> -> memref<200x128xf32, #tpu.memory_space<hbm>>
        %dma_wait3A_36 = arith.constant 0 : i32
        %dma_wait3A_37 = tpu.memref_slice %arg2[%mul3A_31, %dma_wait3A_36] : memref<10000x128xf32, #tpu.memory_space<hbm>> -> memref<200x128xf32, #tpu.memory_space<hbm>>
        tpu.wait_dma2 semaphore(%run_scoped3A : memref<!tpu.dma_semaphore, #tpu.memory_space<semaphore_mem>>) src(%dma_wait3A_37 : memref<200x128xf32, #tpu.memory_space<hbm>>) dst(%arg6 : memref<200x128xf32, #tpu.memory_space<vmem>>)
        tpu.yield
      }) : () -> ()
      "tpu.region"() ({
        %run_scoped3A = tpu.sem_alloc : memref<!tpu.dma_semaphore, #tpu.memory_space<semaphore_mem>>
        %dma_start3A = arith.constant 0 : i32
        %dma_start3A_32 = tpu.memref_slice %arg5[%mul3A_31, %dma_start3A] : memref<10000x128xf32, #tpu.memory_space<hbm>> -> memref<200x128xf32, #tpu.memory_space<hbm>>
        %dma_start3A_33 = arith.constant 0 : i32
        %dma_start3A_34 = tpu.memref_slice %arg5[%mul3A_31, %dma_start3A_33] : memref<10000x128xf32, #tpu.memory_space<hbm>> -> memref<200x128xf32, #tpu.memory_space<hbm>>
        tpu.enqueue_dma source(%arg6 : memref<200x128xf32, #tpu.memory_space<vmem>>) target(%dma_start3A_34 : memref<200x128xf32, #tpu.memory_space<hbm>>) target_semaphore(%run_scoped3A : memref<!tpu.dma_semaphore, #tpu.memory_space<semaphore_mem>>)
        %dma_wait3A = arith.constant 0 : i32
        %dma_wait3A_35 = tpu.memref_slice %arg5[%mul3A_31, %dma_wait3A] : memref<10000x128xf32, #tpu.memory_space<hbm>> -> memref<200x128xf32, #tpu.memory_space<hbm>>
        %dma_wait3A_36 = arith.constant 0 : i32
        %dma_wait3A_37 = tpu.memref_slice %arg5[%mul3A_31, %dma_wait3A_36] : memref<10000x128xf32, #tpu.memory_space<hbm>> -> memref<200x128xf32, #tpu.memory_space<hbm>>
        tpu.wait_dma2 semaphore(%run_scoped3A : memref<!tpu.dma_semaphore, #tpu.memory_space<semaphore_mem>>) src(%arg6 : memref<200x128xf32, #tpu.memory_space<vmem>>) dst(%dma_wait3A_37 : memref<200x128xf32, #tpu.memory_space<hbm>>)
        tpu.yield
      }) : () -> ()
    } else {
    }
    %barrier3A = arith.constant 0 : index
    tpu.barrier barrier_id(%barrier3A)
    %convert_element_type3A_28 = arith.extui %eq3A_0 : i1 to i32
    %cond3A_29 = arith.constant 0 : i32
    %cond3A_30 = arith.cmpi ne, %convert_element_type3A_28, %cond3A_29 : i32
    scf.if %cond3A_30 {
      "tpu.region"() ({
        %run_scoped3A = tpu.sem_alloc : memref<!tpu.dma_semaphore, #tpu.memory_space<semaphore_mem>>
        tpu.enqueue_dma source(%arg4 : memref<1x128xf32, #tpu.memory_space<hbm>>) target(%arg9 : memref<1x128xf32, #tpu.memory_space<vmem>>) target_semaphore(%run_scoped3A : memref<!tpu.dma_semaphore, #tpu.memory_space<semaphore_mem>>)
        tpu.wait_dma2 semaphore(%run_scoped3A : memref<!tpu.dma_semaphore, #tpu.memory_space<semaphore_mem>>) src(%arg4 : memref<1x128xf32, #tpu.memory_space<hbm>>) dst(%arg9 : memref<1x128xf32, #tpu.memory_space<vmem>>)
        tpu.yield
      }) : () -> ()
      %scan3A = arith.constant 0 : i32
      %scan3A_31 = arith.constant 0 : i32
      %scan3A_32 = arith.constant 128 : i32
      %scan3A_33 = arith.addi %scan3A_31, %scan3A_32 : i32
      %scan3A_34 = arith.constant 1 : i32
      scf.for %scan3A_57 = %scan3A_31 to %scan3A_33 step %scan3A_34  : i32 {
        %get3A = arith.constant 0 : i32
        %get3A_58 = arith.index_cast %get3A : i32 to index
        %get3A_59 = arith.constant 0 : index
        %get3A_60 = tpu.vector_load %arg9[%get3A_58, %get3A_59] {strides = array<i32>} : memref<1x128xf32, #tpu.memory_space<vmem>>, vector<1x16xf32>,
        %get3A_61 = vector.shape_cast %get3A_60 : vector<1x16xf32> to vector<16xf32>
        %swap3A = arith.index_cast %scan3A_57 : i32 to index
        %swap3A_62 = arith.constant 0 : index
        %swap3A_63 = tpu.vector_load %arg7[%swap3A, %swap3A_62] {strides = array<i32>} : memref<128x128xf32, #tpu.memory_space<vmem>>, vector<1x16xf32>,
        %swap3A_64 = vector.shape_cast %swap3A_63 : vector<1x16xf32> to vector<16xf32>
        %swap3A_65 = vector.shape_cast %get3A_61 : vector<16xf32> to vector<1x16xf32>
        tpu.vector_store %arg7[%swap3A, %swap3A_62], %swap3A_65 {strides = array<i32>} : memref<128x128xf32, #tpu.memory_space<vmem>>, vector<1x16xf32>,
        %get3A_66 = arith.constant 0 : i32
        %get3A_67 = arith.index_cast %get3A_66 : i32 to index
        %get3A_68 = arith.constant 16 : index
        %get3A_69 = tpu.vector_load %arg9[%get3A_67, %get3A_68] {strides = array<i32>} : memref<1x128xf32, #tpu.memory_space<vmem>>, vector<1x16xf32>,
        %get3A_70 = vector.shape_cast %get3A_69 : vector<1x16xf32> to vector<16xf32>
        %swap3A_71 = arith.index_cast %scan3A_57 : i32 to index
        %swap3A_72 = arith.constant 16 : index
        %swap3A_73 = tpu.vector_load %arg7[%swap3A_71, %swap3A_72] {strides = array<i32>} : memref<128x128xf32, #tpu.memory_space<vmem>>, vector<1x16xf32>,
        %swap3A_74 = vector.shape_cast %swap3A_73 : vector<1x16xf32> to vector<16xf32>
        %swap3A_75 = vector.shape_cast %get3A_70 : vector<16xf32> to vector<1x16xf32>
        tpu.vector_store %arg7[%swap3A_71, %swap3A_72], %swap3A_75 {strides = array<i32>} : memref<128x128xf32, #tpu.memory_space<vmem>>, vector<1x16xf32>,
        %get3A_76 = arith.constant 0 : i32
        %get3A_77 = arith.index_cast %get3A_76 : i32 to index
        %get3A_78 = arith.constant 32 : index
        %get3A_79 = tpu.vector_load %arg9[%get3A_77, %get3A_78] {strides = array<i32>} : memref<1x128xf32, #tpu.memory_space<vmem>>, vector<1x16xf32>,
        %get3A_80 = vector.shape_cast %get3A_79 : vector<1x16xf32> to vector<16xf32>
        %swap3A_81 = arith.index_cast %scan3A_57 : i32 to index
        %swap3A_82 = arith.constant 32 : index
        %swap3A_83 = tpu.vector_load %arg7[%swap3A_81, %swap3A_82] {strides = array<i32>} : memref<128x128xf32, #tpu.memory_space<vmem>>, vector<1x16xf32>,
        %swap3A_84 = vector.shape_cast %swap3A_83 : vector<1x16xf32> to vector<16xf32>
        %swap3A_85 = vector.shape_cast %get3A_80 : vector<16xf32> to vector<1x16xf32>
        tpu.vector_store %arg7[%swap3A_81, %swap3A_82], %swap3A_85 {strides = array<i32>} : memref<128x128xf32, #tpu.memory_space<vmem>>, vector<1x16xf32>,
        %get3A_86 = arith.constant 0 : i32
        %get3A_87 = arith.index_cast %get3A_86 : i32 to index
        %get3A_88 = arith.constant 48 : index
        %get3A_89 = tpu.vector_load %arg9[%get3A_87, %get3A_88] {strides = array<i32>} : memref<1x128xf32, #tpu.memory_space<vmem>>, vector<1x16xf32>,
        %get3A_90 = vector.shape_cast %get3A_89 : vector<1x16xf32> to vector<16xf32>
        %swap3A_91 = arith.index_cast %scan3A_57 : i32 to index
        %swap3A_92 = arith.constant 48 : index
        %swap3A_93 = tpu.vector_load %arg7[%swap3A_91, %swap3A_92] {strides = array<i32>} : memref<128x128xf32, #tpu.memory_space<vmem>>, vector<1x16xf32>,
        %swap3A_94 = vector.shape_cast %swap3A_93 : vector<1x16xf32> to vector<16xf32>
        %swap3A_95 = vector.shape_cast %get3A_90 : vector<16xf32> to vector<1x16xf32>
        tpu.vector_store %arg7[%swap3A_91, %swap3A_92], %swap3A_95 {strides = array<i32>} : memref<128x128xf32, #tpu.memory_space<vmem>>, vector<1x16xf32>,
        %get3A_96 = arith.constant 0 : i32
        %get3A_97 = arith.index_cast %get3A_96 : i32 to index
        %get3A_98 = arith.constant 64 : index
        %get3A_99 = tpu.vector_load %arg9[%get3A_97, %get3A_98] {strides = array<i32>} : memref<1x128xf32, #tpu.memory_space<vmem>>, vector<1x16xf32>,
        %get3A_100 = vector.shape_cast %get3A_99 : vector<1x16xf32> to vector<16xf32>
        %swap3A_101 = arith.index_cast %scan3A_57 : i32 to index
        %swap3A_102 = arith.constant 64 : index
        %swap3A_103 = tpu.vector_load %arg7[%swap3A_101, %swap3A_102] {strides = array<i32>} : memref<128x128xf32, #tpu.memory_space<vmem>>, vector<1x16xf32>,
        %swap3A_104 = vector.shape_cast %swap3A_103 : vector<1x16xf32> to vector<16xf32>
        %swap3A_105 = vector.shape_cast %get3A_100 : vector<16xf32> to vector<1x16xf32>
        tpu.vector_store %arg7[%swap3A_101, %swap3A_102], %swap3A_105 {strides = array<i32>} : memref<128x128xf32, #tpu.memory_space<vmem>>, vector<1x16xf32>,
        %get3A_106 = arith.constant 0 : i32
        %get3A_107 = arith.index_cast %get3A_106 : i32 to index
        %get3A_108 = arith.constant 80 : index
        %get3A_109 = tpu.vector_load %arg9[%get3A_107, %get3A_108] {strides = array<i32>} : memref<1x128xf32, #tpu.memory_space<vmem>>, vector<1x16xf32>,
        %get3A_110 = vector.shape_cast %get3A_109 : vector<1x16xf32> to vector<16xf32>
        %swap3A_111 = arith.index_cast %scan3A_57 : i32 to index
        %swap3A_112 = arith.constant 80 : index
        %swap3A_113 = tpu.vector_load %arg7[%swap3A_111, %swap3A_112] {strides = array<i32>} : memref<128x128xf32, #tpu.memory_space<vmem>>, vector<1x16xf32>,
        %swap3A_114 = vector.shape_cast %swap3A_113 : vector<1x16xf32> to vector<16xf32>
        %swap3A_115 = vector.shape_cast %get3A_110 : vector<16xf32> to vector<1x16xf32>
        tpu.vector_store %arg7[%swap3A_111, %swap3A_112], %swap3A_115 {strides = array<i32>} : memref<128x128xf32, #tpu.memory_space<vmem>>, vector<1x16xf32>,
        %get3A_116 = arith.constant 0 : i32
        %get3A_117 = arith.index_cast %get3A_116 : i32 to index
        %get3A_118 = arith.constant 96 : index
        %get3A_119 = tpu.vector_load %arg9[%get3A_117, %get3A_118] {strides = array<i32>} : memref<1x128xf32, #tpu.memory_space<vmem>>, vector<1x16xf32>,
        %get3A_120 = vector.shape_cast %get3A_119 : vector<1x16xf32> to vector<16xf32>
        %swap3A_121 = arith.index_cast %scan3A_57 : i32 to index
        %swap3A_122 = arith.constant 96 : index
        %swap3A_123 = tpu.vector_load %arg7[%swap3A_121, %swap3A_122] {strides = array<i32>} : memref<128x128xf32, #tpu.memory_space<vmem>>, vector<1x16xf32>,
        %swap3A_124 = vector.shape_cast %swap3A_123 : vector<1x16xf32> to vector<16xf32>
        %swap3A_125 = vector.shape_cast %get3A_120 : vector<16xf32> to vector<1x16xf32>
        tpu.vector_store %arg7[%swap3A_121, %swap3A_122], %swap3A_125 {strides = array<i32>} : memref<128x128xf32, #tpu.memory_space<vmem>>, vector<1x16xf32>,
        %get3A_126 = arith.constant 0 : i32
        %get3A_127 = arith.index_cast %get3A_126 : i32 to index
        %get3A_128 = arith.constant 112 : index
        %get3A_129 = tpu.vector_load %arg9[%get3A_127, %get3A_128] {strides = array<i32>} : memref<1x128xf32, #tpu.memory_space<vmem>>, vector<1x16xf32>,
        %get3A_130 = vector.shape_cast %get3A_129 : vector<1x16xf32> to vector<16xf32>
        %swap3A_131 = arith.index_cast %scan3A_57 : i32 to index
        %swap3A_132 = arith.constant 112 : index
        %swap3A_133 = tpu.vector_load %arg7[%swap3A_131, %swap3A_132] {strides = array<i32>} : memref<128x128xf32, #tpu.memory_space<vmem>>, vector<1x16xf32>,
        %swap3A_134 = vector.shape_cast %swap3A_133 : vector<1x16xf32> to vector<16xf32>
        %swap3A_135 = vector.shape_cast %get3A_130 : vector<16xf32> to vector<1x16xf32>
        tpu.vector_store %arg7[%swap3A_131, %swap3A_132], %swap3A_135 {strides = array<i32>} : memref<128x128xf32, #tpu.memory_space<vmem>>, vector<1x16xf32>,
      }
      %scan3A_35 = arith.constant 128 : i32
      %add3A_36 = arith.constant 0 : i32
      %add3A_37 = arith.addi %arg1, %add3A_36 : i32
      %lt3A_38 = arith.constant 40 : i32
      %lt3A_39 = arith.cmpi slt, %add3A_37, %lt3A_38 : i32
      %convert_element_type3A_40 = arith.extui %lt3A_39 : i1 to i32
      %cond3A_41 = arith.constant 0 : i32
      %cond3A_42 = arith.cmpi ne, %convert_element_type3A_40, %cond3A_41 : i32
      scf.if %cond3A_42 {
        %mul3A = arith.constant 128 : i32
        %mul3A_57 = arith.muli %add3A_37, %mul3A : i32
        %min3A = arith.constant 4872 : i32
        %min3A_58 = arith.minsi %mul3A_57, %min3A : i32
        "tpu.region"() ({
          %run_scoped3A = tpu.sem_alloc : memref<!tpu.dma_semaphore, #tpu.memory_space<semaphore_mem>>
          %dma_start3A = tpu.memref_slice %arg3[%min3A_58] : memref<5000xi32, #tpu.memory_space<hbm>> -> memref<128xi32, #tpu.memory_space<hbm>>
          %dma_start3A_59 = tpu.memref_slice %arg3[%min3A_58] : memref<5000xi32, #tpu.memory_space<hbm>> -> memref<128xi32, #tpu.memory_space<hbm>>
          tpu.enqueue_dma source(%dma_start3A_59 : memref<128xi32, #tpu.memory_space<hbm>>) target(%arg8 : memref<128xi32, #tpu.memory_space<vmem>>) target_semaphore(%run_scoped3A : memref<!tpu.dma_semaphore, #tpu.memory_space<semaphore_mem>>)
          %dma_wait3A = tpu.memref_slice %arg3[%min3A_58] : memref<5000xi32, #tpu.memory_space<hbm>> -> memref<128xi32, #tpu.memory_space<hbm>>
          %dma_wait3A_60 = tpu.memref_slice %arg3[%min3A_58] : memref<5000xi32, #tpu.memory_space<hbm>> -> memref<128xi32, #tpu.memory_space<hbm>>
          tpu.wait_dma2 semaphore(%run_scoped3A : memref<!tpu.dma_semaphore, #tpu.memory_space<semaphore_mem>>) src(%dma_wait3A_60 : memref<128xi32, #tpu.memory_space<hbm>>) dst(%arg8 : memref<128xi32, #tpu.memory_space<vmem>>)
          tpu.yield
        }) : () -> ()
        "tpu.region"() ({
          %run_scoped3A = tpu.sem_alloc : memref<!tpu.dma_semaphore, #tpu.memory_space<semaphore_mem>>
          %dma_start3A = arith.constant 0 : i32
          %dma_start3A_59 = arith.constant 0 : i32
          %dma_start3A_60 = tpu.memref_slice %arg5[%dma_start3A, %dma_start3A_59] : memref<10000x128xf32, #tpu.memory_space<hbm>> -> memref<10000x128xf32, #tpu.memory_space<hbm>>
          tpu.enqueue_indirect_dma source(%arg7 : memref<128x128xf32, #tpu.memory_space<vmem>>) target(%dma_start3A_60 : memref<10000x128xf32, #tpu.memory_space<hbm>>) offsets(%arg8 : memref<128xi32, #tpu.memory_space<vmem>>) semaphore(%run_scoped3A : memref<!tpu.dma_semaphore, #tpu.memory_space<semaphore_mem>>)
          %dma_wait3A = arith.constant 0 : i32
          %dma_wait3A_61 = arith.constant 0 : i32
          %dma_wait3A_62 = tpu.memref_slice %arg5[%dma_wait3A, %dma_wait3A_61] : memref<10000x128xf32, #tpu.memory_space<hbm>> -> memref<10000x128xf32, #tpu.memory_space<hbm>>
          tpu.wait_indirect_dma semaphore(%run_scoped3A : memref<!tpu.dma_semaphore, #tpu.memory_space<semaphore_mem>>) src(%arg7 : memref<128x128xf32, #tpu.memory_space<vmem>>) dst(%dma_wait3A_62 : memref<10000x128xf32, #tpu.memory_space<hbm>>)
          tpu.yield
        }) : () -> ()
      } else {
      }
      %add3A_43 = arith.constant 16 : i32
      %add3A_44 = arith.addi %arg1, %add3A_43 : i32
      %lt3A_45 = arith.constant 40 : i32
      %lt3A_46 = arith.cmpi slt, %add3A_44, %lt3A_45 : i32
      %convert_element_type3A_47 = arith.extui %lt3A_46 : i1 to i32
      %cond3A_48 = arith.constant 0 : i32
      %cond3A_49 = arith.cmpi ne, %convert_element_type3A_47, %cond3A_48 : i32
      scf.if %cond3A_49 {
        %mul3A = arith.constant 128 : i32
        %mul3A_57 = arith.muli %add3A_44, %mul3A : i32
        %min3A = arith.constant 4872 : i32
        %min3A_58 = arith.minsi %mul3A_57, %min3A : i32
        "tpu.region"() ({
          %run_scoped3A = tpu.sem_alloc : memref<!tpu.dma_semaphore, #tpu.memory_space<semaphore_mem>>
          %dma_start3A = tpu.memref_slice %arg3[%min3A_58] : memref<5000xi32, #tpu.memory_space<hbm>> -> memref<128xi32, #tpu.memory_space<hbm>>
          %dma_start3A_59 = tpu.memref_slice %arg3[%min3A_58] : memref<5000xi32, #tpu.memory_space<hbm>> -> memref<128xi32, #tpu.memory_space<hbm>>
          tpu.enqueue_dma source(%dma_start3A_59 : memref<128xi32, #tpu.memory_space<hbm>>) target(%arg8 : memref<128xi32, #tpu.memory_space<vmem>>) target_semaphore(%run_scoped3A : memref<!tpu.dma_semaphore, #tpu.memory_space<semaphore_mem>>)
          %dma_wait3A = tpu.memref_slice %arg3[%min3A_58] : memref<5000xi32, #tpu.memory_space<hbm>> -> memref<128xi32, #tpu.memory_space<hbm>>
          %dma_wait3A_60 = tpu.memref_slice %arg3[%min3A_58] : memref<5000xi32, #tpu.memory_space<hbm>> -> memref<128xi32, #tpu.memory_space<hbm>>
          tpu.wait_dma2 semaphore(%run_scoped3A : memref<!tpu.dma_semaphore, #tpu.memory_space<semaphore_mem>>) src(%dma_wait3A_60 : memref<128xi32, #tpu.memory_space<hbm>>) dst(%arg8 : memref<128xi32, #tpu.memory_space<vmem>>)
          tpu.yield
        }) : () -> ()
        "tpu.region"() ({
          %run_scoped3A = tpu.sem_alloc : memref<!tpu.dma_semaphore, #tpu.memory_space<semaphore_mem>>
          %dma_start3A = arith.constant 0 : i32
          %dma_start3A_59 = arith.constant 0 : i32
          %dma_start3A_60 = tpu.memref_slice %arg5[%dma_start3A, %dma_start3A_59] : memref<10000x128xf32, #tpu.memory_space<hbm>> -> memref<10000x128xf32, #tpu.memory_space<hbm>>
          tpu.enqueue_indirect_dma source(%arg7 : memref<128x128xf32, #tpu.memory_space<vmem>>) target(%dma_start3A_60 : memref<10000x128xf32, #tpu.memory_space<hbm>>) offsets(%arg8 : memref<128xi32, #tpu.memory_space<vmem>>) semaphore(%run_scoped3A : memref<!tpu.dma_semaphore, #tpu.memory_space<semaphore_mem>>)
          %dma_wait3A = arith.constant 0 : i32
          %dma_wait3A_61 = arith.constant 0 : i32
          %dma_wait3A_62 = tpu.memref_slice %arg5[%dma_wait3A, %dma_wait3A_61] : memref<10000x128xf32, #tpu.memory_space<hbm>> -> memref<10000x128xf32, #tpu.memory_space<hbm>>
          tpu.wait_indirect_dma semaphore(%run_scoped3A : memref<!tpu.dma_semaphore, #tpu.memory_space<semaphore_mem>>) src(%arg7 : memref<128x128xf32, #tpu.memory_space<vmem>>) dst(%dma_wait3A_62 : memref<10000x128xf32, #tpu.memory_space<hbm>>)
          tpu.yield
        }) : () -> ()
      } else {
      }
      %add3A_50 = arith.constant 32 : i32
      %add3A_51 = arith.addi %arg1, %add3A_50 : i32
      %lt3A_52 = arith.constant 40 : i32
      %lt3A_53 = arith.cmpi slt, %add3A_51, %lt3A_52 : i32
      %convert_element_type3A_54 = arith.extui %lt3A_53 : i1 to i32
      %cond3A_55 = arith.constant 0 : i32
      %cond3A_56 = arith.cmpi ne, %convert_element_type3A_54, %cond3A_55 : i32
      scf.if %cond3A_56 {
        %mul3A = arith.constant 128 : i32
        %mul3A_57 = arith.muli %add3A_51, %mul3A : i32
        %min3A = arith.constant 4872 : i32
        %min3A_58 = arith.minsi %mul3A_57, %min3A : i32
        "tpu.region"() ({
          %run_scoped3A = tpu.sem_alloc : memref<!tpu.dma_semaphore, #tpu.memory_space<semaphore_mem>>
          %dma_start3A = tpu.memref_slice %arg3[%min3A_58] : memref<5000xi32, #tpu.memory_space<hbm>> -> memref<128xi32, #tpu.memory_space<hbm>>
          %dma_start3A_59 = tpu.memref_slice %arg3[%min3A_58] : memref<5000xi32, #tpu.memory_space<hbm>> -> memref<128xi32, #tpu.memory_space<hbm>>
          tpu.enqueue_dma source(%dma_start3A_59 : memref<128xi32, #tpu.memory_space<hbm>>) target(%arg8 : memref<128xi32, #tpu.memory_space<vmem>>) target_semaphore(%run_scoped3A : memref<!tpu.dma_semaphore, #tpu.memory_space<semaphore_mem>>)
          %dma_wait3A = tpu.memref_slice %arg3[%min3A_58] : memref<5000xi32, #tpu.memory_space<hbm>> -> memref<128xi32, #tpu.memory_space<hbm>>
          %dma_wait3A_60 = tpu.memref_slice %arg3[%min3A_58] : memref<5000xi32, #tpu.memory_space<hbm>> -> memref<128xi32, #tpu.memory_space<hbm>>
          tpu.wait_dma2 semaphore(%run_scoped3A : memref<!tpu.dma_semaphore, #tpu.memory_space<semaphore_mem>>) src(%dma_wait3A_60 : memref<128xi32, #tpu.memory_space<hbm>>) dst(%arg8 : memref<128xi32, #tpu.memory_space<vmem>>)
          tpu.yield
        }) : () -> ()
        "tpu.region"() ({
          %run_scoped3A = tpu.sem_alloc : memref<!tpu.dma_semaphore, #tpu.memory_space<semaphore_mem>>
          %dma_start3A = arith.constant 0 : i32
          %dma_start3A_59 = arith.constant 0 : i32
          %dma_start3A_60 = tpu.memref_slice %arg5[%dma_start3A, %dma_start3A_59] : memref<10000x128xf32, #tpu.memory_space<hbm>> -> memref<10000x128xf32, #tpu.memory_space<hbm>>
          tpu.enqueue_indirect_dma source(%arg7 : memref<128x128xf32, #tpu.memory_space<vmem>>) target(%dma_start3A_60 : memref<10000x128xf32, #tpu.memory_space<hbm>>) offsets(%arg8 : memref<128xi32, #tpu.memory_space<vmem>>) semaphore(%run_scoped3A : memref<!tpu.dma_semaphore, #tpu.memory_space<semaphore_mem>>)
          %dma_wait3A = arith.constant 0 : i32
          %dma_wait3A_61 = arith.constant 0 : i32
          %dma_wait3A_62 = tpu.memref_slice %arg5[%dma_wait3A, %dma_wait3A_61] : memref<10000x128xf32, #tpu.memory_space<hbm>> -> memref<10000x128xf32, #tpu.memory_space<hbm>>
          tpu.wait_indirect_dma semaphore(%run_scoped3A : memref<!tpu.dma_semaphore, #tpu.memory_space<semaphore_mem>>) src(%arg7 : memref<128x128xf32, #tpu.memory_space<vmem>>) dst(%dma_wait3A_62 : memref<10000x128xf32, #tpu.memory_space<hbm>>)
          tpu.yield
        }) : () -> ()
      } else {
      }
    } else {
    }
    return
  }
}

#map = affine_map<(d0, d1) -> (0, 0)>
#map1 = affine_map<(d0, d1) -> (0)>
#map2 = affine_map<(d0, d1) -> (0, 0, 0)>
module attributes {stable_mosaic.version = 14 : i64} {
  func.func @k(%arg0: i32, %arg1: i32, %arg2: memref<10000x128xbf16, #tpu.memory_space<hbm>>, %arg3: memref<327680xi32, #tpu.memory_space<hbm>>, %arg4: memref<327680xi32, #tpu.memory_space<hbm>>, %arg5: memref<624x128xbf16, #tpu.memory_space<hbm>>, %arg6: memref<2x10000x128xbf16, #tpu.memory_space<hbm>>, %arg7: memref<10240x128xbf16, #tpu.memory_space<vmem_shared>>, %arg8: memref<512xi32, #tpu.memory_space<vmem>>, %arg9: memref<512xi32, #tpu.memory_space<vmem>>, %arg10: memref<512xi32, #tpu.memory_space<vmem>>, %arg11: memref<512xi32, #tpu.memory_space<vmem>>, %arg12: memref<512x128xbf16, #tpu.memory_space<vmem>>, %arg13: memref<512x128xbf16, #tpu.memory_space<vmem>>, %arg14: memref<!tpu.dma_semaphore, #tpu.memory_space<semaphore_mem>>, %arg15: memref<!tpu.dma_semaphore, #tpu.memory_space<semaphore_mem>>) attributes {dimension_semantics = [#tpu.dimension_semantics<core_parallel>, #tpu.dimension_semantics<subcore_parallel>], iteration_bounds = array<i64: 2, 16>, scalar_prefetch = 0 : i64, scratch_operands = 9 : i64, tpu.core_type = #tpu.core_type<sc_vector_subcore>, window_params = [{transform_indices = #map}, {transform_indices = #map1}, {transform_indices = #map1}, {transform_indices = #map}, {transform_indices = #map2}]} {
    %mul3A = arith.constant 2 : i32
    %mul3A_0 = arith.muli %arg1, %mul3A : i32
    %add3A = arith.addi %mul3A_0, %arg0 : i32
    %mul3A_1 = arith.constant 624 : i32
    %mul3A_2 = arith.muli %arg1, %mul3A_1 : i32
    "tpu.region"() ({
      %run_scoped3A = tpu.sem_alloc : memref<!tpu.dma_semaphore, #tpu.memory_space<semaphore_mem>>
      %dma_start3A_24 = arith.constant 0 : i32
      %dma_start3A_25 = tpu.memref_slice %arg7[%mul3A_2, %dma_start3A_24] : memref<10240x128xbf16, #tpu.memory_space<vmem_shared>> -> memref<624x128xbf16, #tpu.memory_space<vmem_shared>>
      tpu.enqueue_dma source(%arg5 : memref<624x128xbf16, #tpu.memory_space<hbm>>) target(%dma_start3A_25 : memref<624x128xbf16, #tpu.memory_space<vmem_shared>>) target_semaphore(%run_scoped3A : memref<!tpu.dma_semaphore, #tpu.memory_space<semaphore_mem>>)
      %dma_wait3A = arith.constant 0 : i32
      %dma_wait3A_26 = tpu.memref_slice %arg7[%mul3A_2, %dma_wait3A] : memref<10240x128xbf16, #tpu.memory_space<vmem_shared>> -> memref<624x128xbf16, #tpu.memory_space<vmem_shared>>
      tpu.wait_dma2 semaphore(%run_scoped3A : memref<!tpu.dma_semaphore, #tpu.memory_space<semaphore_mem>>) src(%arg5 : memref<624x128xbf16, #tpu.memory_space<hbm>>) dst(%dma_wait3A_26 : memref<624x128xbf16, #tpu.memory_space<vmem_shared>>)
      tpu.yield
    }) : () -> ()
    %eq3A = arith.constant 0 : i32
    %eq3A_3 = arith.cmpi eq, %arg1, %eq3A : i32
    %convert_element_type3A = arith.extui %eq3A_3 : i1 to i32
    %cond3A = arith.constant 0 : i32
    %cond3A_4 = arith.cmpi ne, %convert_element_type3A, %cond3A : i32
    scf.if %cond3A_4 {
      "tpu.region"() ({
        %run_scoped3A = tpu.sem_alloc : memref<!tpu.dma_semaphore, #tpu.memory_space<semaphore_mem>>
        %dma_start3A_24 = arith.constant 9984 : i32
        %dma_start3A_25 = arith.constant 0 : i32
        %dma_start3A_26 = tpu.memref_slice %arg7[%dma_start3A_24, %dma_start3A_25] : memref<10240x128xbf16, #tpu.memory_space<vmem_shared>> -> memref<16x128xbf16, #tpu.memory_space<vmem_shared>>
        %dma_start3A_27 = arith.constant 0 : i32
        %dma_start3A_28 = arith.constant 0 : i32
        %dma_start3A_29 = tpu.memref_slice %arg5[%dma_start3A_27, %dma_start3A_28] : memref<624x128xbf16, #tpu.memory_space<hbm>> -> memref<16x128xbf16, #tpu.memory_space<hbm>>
        tpu.enqueue_dma source(%dma_start3A_29 : memref<16x128xbf16, #tpu.memory_space<hbm>>) target(%dma_start3A_26 : memref<16x128xbf16, #tpu.memory_space<vmem_shared>>) target_semaphore(%run_scoped3A : memref<!tpu.dma_semaphore, #tpu.memory_space<semaphore_mem>>)
        %dma_wait3A = arith.constant 9984 : i32
        %dma_wait3A_30 = arith.constant 0 : i32
        %dma_wait3A_31 = tpu.memref_slice %arg7[%dma_wait3A, %dma_wait3A_30] : memref<10240x128xbf16, #tpu.memory_space<vmem_shared>> -> memref<16x128xbf16, #tpu.memory_space<vmem_shared>>
        %dma_wait3A_32 = arith.constant 0 : i32
        %dma_wait3A_33 = arith.constant 0 : i32
        %dma_wait3A_34 = tpu.memref_slice %arg5[%dma_wait3A_32, %dma_wait3A_33] : memref<624x128xbf16, #tpu.memory_space<hbm>> -> memref<16x128xbf16, #tpu.memory_space<hbm>>
        tpu.wait_dma2 semaphore(%run_scoped3A : memref<!tpu.dma_semaphore, #tpu.memory_space<semaphore_mem>>) src(%dma_wait3A_34 : memref<16x128xbf16, #tpu.memory_space<hbm>>) dst(%dma_wait3A_31 : memref<16x128xbf16, #tpu.memory_space<vmem_shared>>)
        tpu.yield
      }) : () -> ()
    } else {
    }
    %mul3A_5 = arith.constant 10240 : i32
    %mul3A_6 = arith.muli %add3A, %mul3A_5 : i32
    "tpu.region"() ({
      %run_scoped3A = tpu.sem_alloc : memref<!tpu.dma_semaphore, #tpu.memory_space<semaphore_mem>>
      %dma_start3A_24 = tpu.memref_slice %arg3[%mul3A_6] : memref<327680xi32, #tpu.memory_space<hbm>> -> memref<512xi32, #tpu.memory_space<hbm>>
      %dma_start3A_25 = tpu.memref_slice %arg3[%mul3A_6] : memref<327680xi32, #tpu.memory_space<hbm>> -> memref<512xi32, #tpu.memory_space<hbm>>
      tpu.enqueue_dma source(%dma_start3A_25 : memref<512xi32, #tpu.memory_space<hbm>>) target(%arg8 : memref<512xi32, #tpu.memory_space<vmem>>) target_semaphore(%run_scoped3A : memref<!tpu.dma_semaphore, #tpu.memory_space<semaphore_mem>>)
      %dma_wait3A = tpu.memref_slice %arg3[%mul3A_6] : memref<327680xi32, #tpu.memory_space<hbm>> -> memref<512xi32, #tpu.memory_space<hbm>>
      %dma_wait3A_26 = tpu.memref_slice %arg3[%mul3A_6] : memref<327680xi32, #tpu.memory_space<hbm>> -> memref<512xi32, #tpu.memory_space<hbm>>
      tpu.wait_dma2 semaphore(%run_scoped3A : memref<!tpu.dma_semaphore, #tpu.memory_space<semaphore_mem>>) src(%dma_wait3A_26 : memref<512xi32, #tpu.memory_space<hbm>>) dst(%arg8 : memref<512xi32, #tpu.memory_space<vmem>>)
      tpu.yield
    }) : () -> ()
    %dma_start3A = arith.constant 0 : i32
    %dma_start3A_7 = arith.constant 0 : i32
    %dma_start3A_8 = tpu.memref_slice %arg2[%dma_start3A, %dma_start3A_7] : memref<10000x128xbf16, #tpu.memory_space<hbm>> -> memref<10000x128xbf16, #tpu.memory_space<hbm>>
    tpu.enqueue_indirect_dma source(%dma_start3A_8 : memref<10000x128xbf16, #tpu.memory_space<hbm>>) target(%arg12 : memref<512x128xbf16, #tpu.memory_space<vmem>>) offsets(%arg8 : memref<512xi32, #tpu.memory_space<vmem>>) semaphore(%arg14 : memref<!tpu.dma_semaphore, #tpu.memory_space<semaphore_mem>>)
    %barrier3A = arith.constant 0 : index
    tpu.barrier barrier_id(%barrier3A)
    %scan3A = arith.constant 0 : i32
    %scan3A_9 = arith.constant 0 : i32
    %scan3A_10 = arith.constant 10 : i32
    %scan3A_11 = arith.addi %scan3A_9, %scan3A_10 : i32
    %scan3A_12 = arith.constant 1 : i32
    scf.for %scan3A_24 = %scan3A_9 to %scan3A_11 step %scan3A_12  : i32 {
      %mul3A_25 = arith.constant 2 : i32
      %mul3A_26 = arith.muli %scan3A_24, %mul3A_25 : i32
      %add3A_27 = arith.constant 1 : i32
      %add3A_28 = arith.addi %mul3A_26, %add3A_27 : i32
      %mul3A_29 = arith.constant 512 : i32
      %mul3A_30 = arith.muli %add3A_28, %mul3A_29 : i32
      %add3A_31 = arith.addi %mul3A_6, %mul3A_30 : i32
      "tpu.region"() ({
        %run_scoped3A = tpu.sem_alloc : memref<!tpu.dma_semaphore, #tpu.memory_space<semaphore_mem>>
        %dma_start3A_60 = tpu.memref_slice %arg3[%add3A_31] : memref<327680xi32, #tpu.memory_space<hbm>> -> memref<512xi32, #tpu.memory_space<hbm>>
        %dma_start3A_61 = tpu.memref_slice %arg3[%add3A_31] : memref<327680xi32, #tpu.memory_space<hbm>> -> memref<512xi32, #tpu.memory_space<hbm>>
        tpu.enqueue_dma source(%dma_start3A_61 : memref<512xi32, #tpu.memory_space<hbm>>) target(%arg9 : memref<512xi32, #tpu.memory_space<vmem>>) target_semaphore(%run_scoped3A : memref<!tpu.dma_semaphore, #tpu.memory_space<semaphore_mem>>)
        %dma_wait3A_62 = tpu.memref_slice %arg3[%add3A_31] : memref<327680xi32, #tpu.memory_space<hbm>> -> memref<512xi32, #tpu.memory_space<hbm>>
        %dma_wait3A_63 = tpu.memref_slice %arg3[%add3A_31] : memref<327680xi32, #tpu.memory_space<hbm>> -> memref<512xi32, #tpu.memory_space<hbm>>
        tpu.wait_dma2 semaphore(%run_scoped3A : memref<!tpu.dma_semaphore, #tpu.memory_space<semaphore_mem>>) src(%dma_wait3A_63 : memref<512xi32, #tpu.memory_space<hbm>>) dst(%arg9 : memref<512xi32, #tpu.memory_space<vmem>>)
        tpu.yield
      }) : () -> ()
      %dma_start3A_32 = arith.constant 0 : i32
      %dma_start3A_33 = arith.constant 0 : i32
      %dma_start3A_34 = tpu.memref_slice %arg2[%dma_start3A_32, %dma_start3A_33] : memref<10000x128xbf16, #tpu.memory_space<hbm>> -> memref<10000x128xbf16, #tpu.memory_space<hbm>>
      tpu.enqueue_indirect_dma source(%dma_start3A_34 : memref<10000x128xbf16, #tpu.memory_space<hbm>>) target(%arg13 : memref<512x128xbf16, #tpu.memory_space<vmem>>) offsets(%arg9 : memref<512xi32, #tpu.memory_space<vmem>>) semaphore(%arg15 : memref<!tpu.dma_semaphore, #tpu.memory_space<semaphore_mem>>)
      %mul3A_35 = arith.constant 512 : i32
      %mul3A_36 = arith.muli %mul3A_26, %mul3A_35 : i32
      %add3A_37 = arith.addi %mul3A_6, %mul3A_36 : i32
      "tpu.region"() ({
        %run_scoped3A = tpu.sem_alloc : memref<!tpu.dma_semaphore, #tpu.memory_space<semaphore_mem>>
        %dma_start3A_60 = tpu.memref_slice %arg4[%add3A_37] : memref<327680xi32, #tpu.memory_space<hbm>> -> memref<512xi32, #tpu.memory_space<hbm>>
        %dma_start3A_61 = tpu.memref_slice %arg4[%add3A_37] : memref<327680xi32, #tpu.memory_space<hbm>> -> memref<512xi32, #tpu.memory_space<hbm>>
        tpu.enqueue_dma source(%dma_start3A_61 : memref<512xi32, #tpu.memory_space<hbm>>) target(%arg10 : memref<512xi32, #tpu.memory_space<vmem>>) target_semaphore(%run_scoped3A : memref<!tpu.dma_semaphore, #tpu.memory_space<semaphore_mem>>)
        %dma_wait3A_62 = tpu.memref_slice %arg4[%add3A_37] : memref<327680xi32, #tpu.memory_space<hbm>> -> memref<512xi32, #tpu.memory_space<hbm>>
        %dma_wait3A_63 = tpu.memref_slice %arg4[%add3A_37] : memref<327680xi32, #tpu.memory_space<hbm>> -> memref<512xi32, #tpu.memory_space<hbm>>
        tpu.wait_dma2 semaphore(%run_scoped3A : memref<!tpu.dma_semaphore, #tpu.memory_space<semaphore_mem>>) src(%dma_wait3A_63 : memref<512xi32, #tpu.memory_space<hbm>>) dst(%arg10 : memref<512xi32, #tpu.memory_space<vmem>>)
        tpu.yield
      }) : () -> ()
      %dma_wait3A = arith.constant 0 : i32
      %dma_wait3A_38 = arith.constant 0 : i32
      %dma_wait3A_39 = tpu.memref_slice %arg2[%dma_wait3A, %dma_wait3A_38] : memref<10000x128xbf16, #tpu.memory_space<hbm>> -> memref<512x128xbf16, #tpu.memory_space<hbm>>
      %dma_wait3A_40 = arith.constant 0 : i32
      %dma_wait3A_41 = arith.constant 0 : i32
      %dma_wait3A_42 = tpu.memref_slice %arg2[%dma_wait3A_40, %dma_wait3A_41] : memref<10000x128xbf16, #tpu.memory_space<hbm>> -> memref<512x128xbf16, #tpu.memory_space<hbm>>
      tpu.wait_dma2 semaphore(%arg14 : memref<!tpu.dma_semaphore, #tpu.memory_space<semaphore_mem>>) src(%dma_wait3A_42 : memref<512x128xbf16, #tpu.memory_space<hbm>>) dst(%arg12 : memref<512x128xbf16, #tpu.memory_space<vmem>>)
      "tpu.region"() ({
        %run_scoped3A = tpu.sem_alloc : memref<!tpu.dma_semaphore, #tpu.memory_space<semaphore_mem>>
        %dma_start3A_60 = arith.constant 0 : i32
        %dma_start3A_61 = arith.constant 0 : i32
        %dma_start3A_62 = tpu.memref_slice %arg7[%dma_start3A_60, %dma_start3A_61] : memref<10240x128xbf16, #tpu.memory_space<vmem_shared>> -> memref<10240x128xbf16, #tpu.memory_space<vmem_shared>>
        tpu.enqueue_indirect_dma source(%arg12 : memref<512x128xbf16, #tpu.memory_space<vmem>>) target(%dma_start3A_62 : memref<10240x128xbf16, #tpu.memory_space<vmem_shared>>) offsets(%arg10 : memref<512xi32, #tpu.memory_space<vmem>>) semaphore(%run_scoped3A : memref<!tpu.dma_semaphore, #tpu.memory_space<semaphore_mem>>) {add = true}
        %dma_wait3A_63 = arith.constant 0 : i32
        %dma_wait3A_64 = arith.constant 0 : i32
        %dma_wait3A_65 = tpu.memref_slice %arg7[%dma_wait3A_63, %dma_wait3A_64] : memref<10240x128xbf16, #tpu.memory_space<vmem_shared>> -> memref<10240x128xbf16, #tpu.memory_space<vmem_shared>>
        tpu.wait_indirect_dma semaphore(%run_scoped3A : memref<!tpu.dma_semaphore, #tpu.memory_space<semaphore_mem>>) src(%arg12 : memref<512x128xbf16, #tpu.memory_space<vmem>>) dst(%dma_wait3A_65 : memref<10240x128xbf16, #tpu.memory_space<vmem_shared>>)
        tpu.yield
      }) : () -> ()
      %add3A_43 = arith.constant 2 : i32
      %add3A_44 = arith.addi %mul3A_26, %add3A_43 : i32
      %lt3A = arith.constant 20 : i32
      %lt3A_45 = arith.cmpi slt, %add3A_44, %lt3A : i32
      %convert_element_type3A_46 = arith.extui %lt3A_45 : i1 to i32
      %cond3A_47 = arith.constant 0 : i32
      %cond3A_48 = arith.cmpi ne, %convert_element_type3A_46, %cond3A_47 : i32
      scf.if %cond3A_48 {
        %add3A_60 = arith.constant 2 : i32
        %add3A_61 = arith.addi %mul3A_26, %add3A_60 : i32
        %mul3A_62 = arith.constant 512 : i32
        %mul3A_63 = arith.muli %add3A_61, %mul3A_62 : i32
        %add3A_64 = arith.addi %mul3A_6, %mul3A_63 : i32
        "tpu.region"() ({
          %run_scoped3A = tpu.sem_alloc : memref<!tpu.dma_semaphore, #tpu.memory_space<semaphore_mem>>
          %dma_start3A_68 = tpu.memref_slice %arg3[%add3A_64] : memref<327680xi32, #tpu.memory_space<hbm>> -> memref<512xi32, #tpu.memory_space<hbm>>
          %dma_start3A_69 = tpu.memref_slice %arg3[%add3A_64] : memref<327680xi32, #tpu.memory_space<hbm>> -> memref<512xi32, #tpu.memory_space<hbm>>
          tpu.enqueue_dma source(%dma_start3A_69 : memref<512xi32, #tpu.memory_space<hbm>>) target(%arg8 : memref<512xi32, #tpu.memory_space<vmem>>) target_semaphore(%run_scoped3A : memref<!tpu.dma_semaphore, #tpu.memory_space<semaphore_mem>>)
          %dma_wait3A_70 = tpu.memref_slice %arg3[%add3A_64] : memref<327680xi32, #tpu.memory_space<hbm>> -> memref<512xi32, #tpu.memory_space<hbm>>
          %dma_wait3A_71 = tpu.memref_slice %arg3[%add3A_64] : memref<327680xi32, #tpu.memory_space<hbm>> -> memref<512xi32, #tpu.memory_space<hbm>>
          tpu.wait_dma2 semaphore(%run_scoped3A : memref<!tpu.dma_semaphore, #tpu.memory_space<semaphore_mem>>) src(%dma_wait3A_71 : memref<512xi32, #tpu.memory_space<hbm>>) dst(%arg8 : memref<512xi32, #tpu.memory_space<vmem>>)
          tpu.yield
        }) : () -> ()
        %dma_start3A_65 = arith.constant 0 : i32
        %dma_start3A_66 = arith.constant 0 : i32
        %dma_start3A_67 = tpu.memref_slice %arg2[%dma_start3A_65, %dma_start3A_66] : memref<10000x128xbf16, #tpu.memory_space<hbm>> -> memref<10000x128xbf16, #tpu.memory_space<hbm>>
        tpu.enqueue_indirect_dma source(%dma_start3A_67 : memref<10000x128xbf16, #tpu.memory_space<hbm>>) target(%arg12 : memref<512x128xbf16, #tpu.memory_space<vmem>>) offsets(%arg8 : memref<512xi32, #tpu.memory_space<vmem>>) semaphore(%arg14 : memref<!tpu.dma_semaphore, #tpu.memory_space<semaphore_mem>>)
      } else {
      }
      %add3A_49 = arith.constant 1 : i32
      %add3A_50 = arith.addi %mul3A_26, %add3A_49 : i32
      %mul3A_51 = arith.constant 512 : i32
      %mul3A_52 = arith.muli %add3A_50, %mul3A_51 : i32
      %add3A_53 = arith.addi %mul3A_6, %mul3A_52 : i32
      "tpu.region"() ({
        %run_scoped3A = tpu.sem_alloc : memref<!tpu.dma_semaphore, #tpu.memory_space<semaphore_mem>>
        %dma_start3A_60 = tpu.memref_slice %arg4[%add3A_53] : memref<327680xi32, #tpu.memory_space<hbm>> -> memref<512xi32, #tpu.memory_space<hbm>>
        %dma_start3A_61 = tpu.memref_slice %arg4[%add3A_53] : memref<327680xi32, #tpu.memory_space<hbm>> -> memref<512xi32, #tpu.memory_space<hbm>>
        tpu.enqueue_dma source(%dma_start3A_61 : memref<512xi32, #tpu.memory_space<hbm>>) target(%arg11 : memref<512xi32, #tpu.memory_space<vmem>>) target_semaphore(%run_scoped3A : memref<!tpu.dma_semaphore, #tpu.memory_space<semaphore_mem>>)
        %dma_wait3A_62 = tpu.memref_slice %arg4[%add3A_53] : memref<327680xi32, #tpu.memory_space<hbm>> -> memref<512xi32, #tpu.memory_space<hbm>>
        %dma_wait3A_63 = tpu.memref_slice %arg4[%add3A_53] : memref<327680xi32, #tpu.memory_space<hbm>> -> memref<512xi32, #tpu.memory_space<hbm>>
        tpu.wait_dma2 semaphore(%run_scoped3A : memref<!tpu.dma_semaphore, #tpu.memory_space<semaphore_mem>>) src(%dma_wait3A_63 : memref<512xi32, #tpu.memory_space<hbm>>) dst(%arg11 : memref<512xi32, #tpu.memory_space<vmem>>)
        tpu.yield
      }) : () -> ()
      %dma_wait3A_54 = arith.constant 0 : i32
      %dma_wait3A_55 = arith.constant 0 : i32
      %dma_wait3A_56 = tpu.memref_slice %arg2[%dma_wait3A_54, %dma_wait3A_55] : memref<10000x128xbf16, #tpu.memory_space<hbm>> -> memref<512x128xbf16, #tpu.memory_space<hbm>>
      %dma_wait3A_57 = arith.constant 0 : i32
      %dma_wait3A_58 = arith.constant 0 : i32
      %dma_wait3A_59 = tpu.memref_slice %arg2[%dma_wait3A_57, %dma_wait3A_58] : memref<10000x128xbf16, #tpu.memory_space<hbm>> -> memref<512x128xbf16, #tpu.memory_space<hbm>>
      tpu.wait_dma2 semaphore(%arg15 : memref<!tpu.dma_semaphore, #tpu.memory_space<semaphore_mem>>) src(%dma_wait3A_59 : memref<512x128xbf16, #tpu.memory_space<hbm>>) dst(%arg13 : memref<512x128xbf16, #tpu.memory_space<vmem>>)
      "tpu.region"() ({
        %run_scoped3A = tpu.sem_alloc : memref<!tpu.dma_semaphore, #tpu.memory_space<semaphore_mem>>
        %dma_start3A_60 = arith.constant 0 : i32
        %dma_start3A_61 = arith.constant 0 : i32
        %dma_start3A_62 = tpu.memref_slice %arg7[%dma_start3A_60, %dma_start3A_61] : memref<10240x128xbf16, #tpu.memory_space<vmem_shared>> -> memref<10240x128xbf16, #tpu.memory_space<vmem_shared>>
        tpu.enqueue_indirect_dma source(%arg13 : memref<512x128xbf16, #tpu.memory_space<vmem>>) target(%dma_start3A_62 : memref<10240x128xbf16, #tpu.memory_space<vmem_shared>>) offsets(%arg11 : memref<512xi32, #tpu.memory_space<vmem>>) semaphore(%run_scoped3A : memref<!tpu.dma_semaphore, #tpu.memory_space<semaphore_mem>>) {add = true}
        %dma_wait3A_63 = arith.constant 0 : i32
        %dma_wait3A_64 = arith.constant 0 : i32
        %dma_wait3A_65 = tpu.memref_slice %arg7[%dma_wait3A_63, %dma_wait3A_64] : memref<10240x128xbf16, #tpu.memory_space<vmem_shared>> -> memref<10240x128xbf16, #tpu.memory_space<vmem_shared>>
        tpu.wait_indirect_dma semaphore(%run_scoped3A : memref<!tpu.dma_semaphore, #tpu.memory_space<semaphore_mem>>) src(%arg13 : memref<512x128xbf16, #tpu.memory_space<vmem>>) dst(%dma_wait3A_65 : memref<10240x128xbf16, #tpu.memory_space<vmem_shared>>)
        tpu.yield
      }) : () -> ()
    }
    %scan3A_13 = arith.constant 10 : i32
    %barrier3A_14 = arith.constant 0 : index
    tpu.barrier barrier_id(%barrier3A_14)
    %mul3A_15 = arith.constant 624 : i32
    %mul3A_16 = arith.muli %arg1, %mul3A_15 : i32
    %mul3A_17 = arith.constant 624 : i32
    %mul3A_18 = arith.muli %arg1, %mul3A_17 : i32
    "tpu.region"() ({
      %run_scoped3A = tpu.sem_alloc : memref<!tpu.dma_semaphore, #tpu.memory_space<semaphore_mem>>
      %dma_start3A_24 = arith.constant 0 : i32
      %dma_start3A_25 = tpu.memref_slice %arg6[%arg0, %mul3A_18, %dma_start3A_24] : memref<2x10000x128xbf16, #tpu.memory_space<hbm>> -> memref<1x624x128xbf16, #tpu.memory_space<hbm>>
      %dma_start3A_26 = tpu.memref_squeeze %dma_start3A_25 : memref<1x624x128xbf16, #tpu.memory_space<hbm>> -> memref<624x128xbf16, #tpu.memory_space<hbm>>
      %dma_start3A_27 = arith.constant 0 : i32
      %dma_start3A_28 = tpu.memref_slice %arg7[%mul3A_16, %dma_start3A_27] : memref<10240x128xbf16, #tpu.memory_space<vmem_shared>> -> memref<624x128xbf16, #tpu.memory_space<vmem_shared>>
      tpu.enqueue_dma source(%dma_start3A_28 : memref<624x128xbf16, #tpu.memory_space<vmem_shared>>) target(%dma_start3A_26 : memref<624x128xbf16, #tpu.memory_space<hbm>>) target_semaphore(%run_scoped3A : memref<!tpu.dma_semaphore, #tpu.memory_space<semaphore_mem>>)
      %dma_wait3A = arith.constant 0 : i32
      %dma_wait3A_29 = tpu.memref_slice %arg6[%arg0, %mul3A_18, %dma_wait3A] : memref<2x10000x128xbf16, #tpu.memory_space<hbm>> -> memref<1x624x128xbf16, #tpu.memory_space<hbm>>
      %dma_wait3A_30 = tpu.memref_squeeze %dma_wait3A_29 : memref<1x624x128xbf16, #tpu.memory_space<hbm>> -> memref<624x128xbf16, #tpu.memory_space<hbm>>
      %dma_wait3A_31 = arith.constant 0 : i32
      %dma_wait3A_32 = tpu.memref_slice %arg7[%mul3A_16, %dma_wait3A_31] : memref<10240x128xbf16, #tpu.memory_space<vmem_shared>> -> memref<624x128xbf16, #tpu.memory_space<vmem_shared>>
      tpu.wait_dma2 semaphore(%run_scoped3A : memref<!tpu.dma_semaphore, #tpu.memory_space<semaphore_mem>>) src(%dma_wait3A_32 : memref<624x128xbf16, #tpu.memory_space<vmem_shared>>) dst(%dma_wait3A_30 : memref<624x128xbf16, #tpu.memory_space<hbm>>)
      tpu.yield
    }) : () -> ()
    %eq3A_19 = arith.constant 0 : i32
    %eq3A_20 = arith.cmpi eq, %arg1, %eq3A_19 : i32
    %convert_element_type3A_21 = arith.extui %eq3A_20 : i1 to i32
    %cond3A_22 = arith.constant 0 : i32
    %cond3A_23 = arith.cmpi ne, %convert_element_type3A_21, %cond3A_22 : i32
    scf.if %cond3A_23 {
      "tpu.region"() ({
        %run_scoped3A = tpu.sem_alloc : memref<!tpu.dma_semaphore, #tpu.memory_space<semaphore_mem>>
        %dma_start3A_24 = arith.constant 9984 : i32
        %dma_start3A_25 = arith.constant 0 : i32
        %dma_start3A_26 = tpu.memref_slice %arg6[%arg0, %dma_start3A_24, %dma_start3A_25] : memref<2x10000x128xbf16, #tpu.memory_space<hbm>> -> memref<1x16x128xbf16, #tpu.memory_space<hbm>>
        %dma_start3A_27 = tpu.memref_squeeze %dma_start3A_26 : memref<1x16x128xbf16, #tpu.memory_space<hbm>> -> memref<16x128xbf16, #tpu.memory_space<hbm>>
        %dma_start3A_28 = arith.constant 9984 : i32
        %dma_start3A_29 = arith.constant 0 : i32
        %dma_start3A_30 = tpu.memref_slice %arg7[%dma_start3A_28, %dma_start3A_29] : memref<10240x128xbf16, #tpu.memory_space<vmem_shared>> -> memref<16x128xbf16, #tpu.memory_space<vmem_shared>>
        tpu.enqueue_dma source(%dma_start3A_30 : memref<16x128xbf16, #tpu.memory_space<vmem_shared>>) target(%dma_start3A_27 : memref<16x128xbf16, #tpu.memory_space<hbm>>) target_semaphore(%run_scoped3A : memref<!tpu.dma_semaphore, #tpu.memory_space<semaphore_mem>>)
        %dma_wait3A = arith.constant 9984 : i32
        %dma_wait3A_31 = arith.constant 0 : i32
        %dma_wait3A_32 = tpu.memref_slice %arg6[%arg0, %dma_wait3A, %dma_wait3A_31] : memref<2x10000x128xbf16, #tpu.memory_space<hbm>> -> memref<1x16x128xbf16, #tpu.memory_space<hbm>>
        %dma_wait3A_33 = tpu.memref_squeeze %dma_wait3A_32 : memref<1x16x128xbf16, #tpu.memory_space<hbm>> -> memref<16x128xbf16, #tpu.memory_space<hbm>>
        %dma_wait3A_34 = arith.constant 9984 : i32
        %dma_wait3A_35 = arith.constant 0 : i32
        %dma_wait3A_36 = tpu.memref_slice %arg7[%dma_wait3A_34, %dma_wait3A_35] : memref<10240x128xbf16, #tpu.memory_space<vmem_shared>> -> memref<16x128xbf16, #tpu.memory_space<vmem_shared>>
        tpu.wait_dma2 semaphore(%run_scoped3A : memref<!tpu.dma_semaphore, #tpu.memory_space<semaphore_mem>>) src(%dma_wait3A_36 : memref<16x128xbf16, #tpu.memory_space<vmem_shared>>) dst(%dma_wait3A_33 : memref<16x128xbf16, #tpu.memory_space<hbm>>)
        tpu.yield
      }) : () -> ()
    } else {
    }
    return
  }
}

#map = affine_map<(d0, d1) -> (0, 0)>
#map1 = affine_map<(d0, d1) -> (0)>
#map2 = affine_map<(d0, d1) -> (0, 0, 0)>
module attributes {stable_mosaic.version = 14 : i64} {
  func.func @k(%arg0: i32, %arg1: i32, %arg2: memref<10000x128xbf16, #tpu.memory_space<hbm>>, %arg3: memref<327680xi32, #tpu.memory_space<hbm>>, %arg4: memref<327680xi32, #tpu.memory_space<hbm>>, %arg5: memref<624x128xbf16, #tpu.memory_space<hbm>>, %arg6: memref<2x10000x128xbf16, #tpu.memory_space<hbm>>, %arg7: memref<10240x128xbf16, #tpu.memory_space<vmem_shared>>, %arg8: memref<512xi32, #tpu.memory_space<vmem>>, %arg9: memref<512xi32, #tpu.memory_space<vmem>>, %arg10: memref<512xi32, #tpu.memory_space<vmem>>, %arg11: memref<512xi32, #tpu.memory_space<vmem>>, %arg12: memref<512x128xbf16, #tpu.memory_space<vmem>>, %arg13: memref<512x128xbf16, #tpu.memory_space<vmem>>, %arg14: memref<!tpu.dma_semaphore, #tpu.memory_space<semaphore_mem>>, %arg15: memref<!tpu.dma_semaphore, #tpu.memory_space<semaphore_mem>>) attributes {dimension_semantics = [#tpu.dimension_semantics<core_parallel>, #tpu.dimension_semantics<subcore_parallel>], iteration_bounds = array<i64: 2, 16>, scalar_prefetch = 0 : i64, scratch_operands = 9 : i64, tpu.core_type = #tpu.core_type<sc_vector_subcore>, window_params = [{transform_indices = #map}, {transform_indices = #map1}, {transform_indices = #map1}, {transform_indices = #map}, {transform_indices = #map2}]} {
    %mul3A = arith.constant 2 : i32
    %mul3A_0 = arith.muli %arg1, %mul3A : i32
    %add3A = arith.addi %mul3A_0, %arg0 : i32
    %mul3A_1 = arith.constant 624 : i32
    %mul3A_2 = arith.muli %arg1, %mul3A_1 : i32
    "tpu.region"() ({
      %run_scoped3A = tpu.sem_alloc : memref<!tpu.dma_semaphore, #tpu.memory_space<semaphore_mem>>
      %dma_start3A_24 = arith.constant 0 : i32
      %dma_start3A_25 = tpu.memref_slice %arg7[%mul3A_2, %dma_start3A_24] : memref<10240x128xbf16, #tpu.memory_space<vmem_shared>> -> memref<624x128xbf16, #tpu.memory_space<vmem_shared>>
      tpu.enqueue_dma source(%arg5 : memref<624x128xbf16, #tpu.memory_space<hbm>>) target(%dma_start3A_25 : memref<624x128xbf16, #tpu.memory_space<vmem_shared>>) target_semaphore(%run_scoped3A : memref<!tpu.dma_semaphore, #tpu.memory_space<semaphore_mem>>)
      %dma_wait3A = arith.constant 0 : i32
      %dma_wait3A_26 = tpu.memref_slice %arg7[%mul3A_2, %dma_wait3A] : memref<10240x128xbf16, #tpu.memory_space<vmem_shared>> -> memref<624x128xbf16, #tpu.memory_space<vmem_shared>>
      tpu.wait_dma2 semaphore(%run_scoped3A : memref<!tpu.dma_semaphore, #tpu.memory_space<semaphore_mem>>) src(%arg5 : memref<624x128xbf16, #tpu.memory_space<hbm>>) dst(%dma_wait3A_26 : memref<624x128xbf16, #tpu.memory_space<vmem_shared>>)
      tpu.yield
    }) : () -> ()
    %eq3A = arith.constant 0 : i32
    %eq3A_3 = arith.cmpi eq, %arg1, %eq3A : i32
    %convert_element_type3A = arith.extui %eq3A_3 : i1 to i32
    %cond3A = arith.constant 0 : i32
    %cond3A_4 = arith.cmpi ne, %convert_element_type3A, %cond3A : i32
    scf.if %cond3A_4 {
      "tpu.region"() ({
        %run_scoped3A = tpu.sem_alloc : memref<!tpu.dma_semaphore, #tpu.memory_space<semaphore_mem>>
        %dma_start3A_24 = arith.constant 9984 : i32
        %dma_start3A_25 = arith.constant 0 : i32
        %dma_start3A_26 = tpu.memref_slice %arg7[%dma_start3A_24, %dma_start3A_25] : memref<10240x128xbf16, #tpu.memory_space<vmem_shared>> -> memref<16x128xbf16, #tpu.memory_space<vmem_shared>>
        %dma_start3A_27 = arith.constant 0 : i32
        %dma_start3A_28 = arith.constant 0 : i32
        %dma_start3A_29 = tpu.memref_slice %arg5[%dma_start3A_27, %dma_start3A_28] : memref<624x128xbf16, #tpu.memory_space<hbm>> -> memref<16x128xbf16, #tpu.memory_space<hbm>>
        tpu.enqueue_dma source(%dma_start3A_29 : memref<16x128xbf16, #tpu.memory_space<hbm>>) target(%dma_start3A_26 : memref<16x128xbf16, #tpu.memory_space<vmem_shared>>) target_semaphore(%run_scoped3A : memref<!tpu.dma_semaphore, #tpu.memory_space<semaphore_mem>>)
        %dma_wait3A = arith.constant 9984 : i32
        %dma_wait3A_30 = arith.constant 0 : i32
        %dma_wait3A_31 = tpu.memref_slice %arg7[%dma_wait3A, %dma_wait3A_30] : memref<10240x128xbf16, #tpu.memory_space<vmem_shared>> -> memref<16x128xbf16, #tpu.memory_space<vmem_shared>>
        %dma_wait3A_32 = arith.constant 0 : i32
        %dma_wait3A_33 = arith.constant 0 : i32
        %dma_wait3A_34 = tpu.memref_slice %arg5[%dma_wait3A_32, %dma_wait3A_33] : memref<624x128xbf16, #tpu.memory_space<hbm>> -> memref<16x128xbf16, #tpu.memory_space<hbm>>
        tpu.wait_dma2 semaphore(%run_scoped3A : memref<!tpu.dma_semaphore, #tpu.memory_space<semaphore_mem>>) src(%dma_wait3A_34 : memref<16x128xbf16, #tpu.memory_space<hbm>>) dst(%dma_wait3A_31 : memref<16x128xbf16, #tpu.memory_space<vmem_shared>>)
        tpu.yield
      }) : () -> ()
    } else {
    }
    %mul3A_5 = arith.constant 10240 : i32
    %mul3A_6 = arith.muli %add3A, %mul3A_5 : i32
    "tpu.region"() ({
      %run_scoped3A = tpu.sem_alloc : memref<!tpu.dma_semaphore, #tpu.memory_space<semaphore_mem>>
      %dma_start3A_24 = tpu.memref_slice %arg3[%mul3A_6] : memref<327680xi32, #tpu.memory_space<hbm>> -> memref<512xi32, #tpu.memory_space<hbm>>
      %dma_start3A_25 = tpu.memref_slice %arg3[%mul3A_6] : memref<327680xi32, #tpu.memory_space<hbm>> -> memref<512xi32, #tpu.memory_space<hbm>>
      tpu.enqueue_dma source(%dma_start3A_25 : memref<512xi32, #tpu.memory_space<hbm>>) target(%arg8 : memref<512xi32, #tpu.memory_space<vmem>>) target_semaphore(%run_scoped3A : memref<!tpu.dma_semaphore, #tpu.memory_space<semaphore_mem>>)
      %dma_wait3A = tpu.memref_slice %arg3[%mul3A_6] : memref<327680xi32, #tpu.memory_space<hbm>> -> memref<512xi32, #tpu.memory_space<hbm>>
      %dma_wait3A_26 = tpu.memref_slice %arg3[%mul3A_6] : memref<327680xi32, #tpu.memory_space<hbm>> -> memref<512xi32, #tpu.memory_space<hbm>>
      tpu.wait_dma2 semaphore(%run_scoped3A : memref<!tpu.dma_semaphore, #tpu.memory_space<semaphore_mem>>) src(%dma_wait3A_26 : memref<512xi32, #tpu.memory_space<hbm>>) dst(%arg8 : memref<512xi32, #tpu.memory_space<vmem>>)
      tpu.yield
    }) : () -> ()
    %dma_start3A = arith.constant 0 : i32
    %dma_start3A_7 = arith.constant 0 : i32
    %dma_start3A_8 = tpu.memref_slice %arg2[%dma_start3A, %dma_start3A_7] : memref<10000x128xbf16, #tpu.memory_space<hbm>> -> memref<10000x128xbf16, #tpu.memory_space<hbm>>
    tpu.enqueue_indirect_dma source(%dma_start3A_8 : memref<10000x128xbf16, #tpu.memory_space<hbm>>) target(%arg12 : memref<512x128xbf16, #tpu.memory_space<vmem>>) offsets(%arg8 : memref<512xi32, #tpu.memory_space<vmem>>) semaphore(%arg14 : memref<!tpu.dma_semaphore, #tpu.memory_space<semaphore_mem>>)
    %barrier3A = arith.constant 0 : index
    tpu.barrier barrier_id(%barrier3A)
    %scan3A = arith.constant 0 : i32
    %scan3A_9 = arith.constant 0 : i32
    %scan3A_10 = arith.constant 10 : i32
    %scan3A_11 = arith.addi %scan3A_9, %scan3A_10 : i32
    %scan3A_12 = arith.constant 1 : i32
    scf.for %scan3A_24 = %scan3A_9 to %scan3A_11 step %scan3A_12  : i32 {
      %mul3A_25 = arith.constant 2 : i32
      %mul3A_26 = arith.muli %scan3A_24, %mul3A_25 : i32
      %add3A_27 = arith.constant 1 : i32
      %add3A_28 = arith.addi %mul3A_26, %add3A_27 : i32
      %mul3A_29 = arith.constant 512 : i32
      %mul3A_30 = arith.muli %add3A_28, %mul3A_29 : i32
      %add3A_31 = arith.addi %mul3A_6, %mul3A_30 : i32
      "tpu.region"() ({
        %run_scoped3A = tpu.sem_alloc : memref<!tpu.dma_semaphore, #tpu.memory_space<semaphore_mem>>
        %dma_start3A_60 = tpu.memref_slice %arg3[%add3A_31] : memref<327680xi32, #tpu.memory_space<hbm>> -> memref<512xi32, #tpu.memory_space<hbm>>
        %dma_start3A_61 = tpu.memref_slice %arg3[%add3A_31] : memref<327680xi32, #tpu.memory_space<hbm>> -> memref<512xi32, #tpu.memory_space<hbm>>
        tpu.enqueue_dma source(%dma_start3A_61 : memref<512xi32, #tpu.memory_space<hbm>>) target(%arg9 : memref<512xi32, #tpu.memory_space<vmem>>) target_semaphore(%run_scoped3A : memref<!tpu.dma_semaphore, #tpu.memory_space<semaphore_mem>>)
        %dma_wait3A_62 = tpu.memref_slice %arg3[%add3A_31] : memref<327680xi32, #tpu.memory_space<hbm>> -> memref<512xi32, #tpu.memory_space<hbm>>
        %dma_wait3A_63 = tpu.memref_slice %arg3[%add3A_31] : memref<327680xi32, #tpu.memory_space<hbm>> -> memref<512xi32, #tpu.memory_space<hbm>>
        tpu.wait_dma2 semaphore(%run_scoped3A : memref<!tpu.dma_semaphore, #tpu.memory_space<semaphore_mem>>) src(%dma_wait3A_63 : memref<512xi32, #tpu.memory_space<hbm>>) dst(%arg9 : memref<512xi32, #tpu.memory_space<vmem>>)
        tpu.yield
      }) : () -> ()
      %dma_start3A_32 = arith.constant 0 : i32
      %dma_start3A_33 = arith.constant 0 : i32
      %dma_start3A_34 = tpu.memref_slice %arg2[%dma_start3A_32, %dma_start3A_33] : memref<10000x128xbf16, #tpu.memory_space<hbm>> -> memref<10000x128xbf16, #tpu.memory_space<hbm>>
      tpu.enqueue_indirect_dma source(%dma_start3A_34 : memref<10000x128xbf16, #tpu.memory_space<hbm>>) target(%arg13 : memref<512x128xbf16, #tpu.memory_space<vmem>>) offsets(%arg9 : memref<512xi32, #tpu.memory_space<vmem>>) semaphore(%arg15 : memref<!tpu.dma_semaphore, #tpu.memory_space<semaphore_mem>>)
      %mul3A_35 = arith.constant 512 : i32
      %mul3A_36 = arith.muli %mul3A_26, %mul3A_35 : i32
      %add3A_37 = arith.addi %mul3A_6, %mul3A_36 : i32
      "tpu.region"() ({
        %run_scoped3A = tpu.sem_alloc : memref<!tpu.dma_semaphore, #tpu.memory_space<semaphore_mem>>
        %dma_start3A_60 = tpu.memref_slice %arg4[%add3A_37] : memref<327680xi32, #tpu.memory_space<hbm>> -> memref<512xi32, #tpu.memory_space<hbm>>
        %dma_start3A_61 = tpu.memref_slice %arg4[%add3A_37] : memref<327680xi32, #tpu.memory_space<hbm>> -> memref<512xi32, #tpu.memory_space<hbm>>
        tpu.enqueue_dma source(%dma_start3A_61 : memref<512xi32, #tpu.memory_space<hbm>>) target(%arg10 : memref<512xi32, #tpu.memory_space<vmem>>) target_semaphore(%run_scoped3A : memref<!tpu.dma_semaphore, #tpu.memory_space<semaphore_mem>>)
        %dma_wait3A_62 = tpu.memref_slice %arg4[%add3A_37] : memref<327680xi32, #tpu.memory_space<hbm>> -> memref<512xi32, #tpu.memory_space<hbm>>
        %dma_wait3A_63 = tpu.memref_slice %arg4[%add3A_37] : memref<327680xi32, #tpu.memory_space<hbm>> -> memref<512xi32, #tpu.memory_space<hbm>>
        tpu.wait_dma2 semaphore(%run_scoped3A : memref<!tpu.dma_semaphore, #tpu.memory_space<semaphore_mem>>) src(%dma_wait3A_63 : memref<512xi32, #tpu.memory_space<hbm>>) dst(%arg10 : memref<512xi32, #tpu.memory_space<vmem>>)
        tpu.yield
      }) : () -> ()
      %dma_wait3A = arith.constant 0 : i32
      %dma_wait3A_38 = arith.constant 0 : i32
      %dma_wait3A_39 = tpu.memref_slice %arg2[%dma_wait3A, %dma_wait3A_38] : memref<10000x128xbf16, #tpu.memory_space<hbm>> -> memref<512x128xbf16, #tpu.memory_space<hbm>>
      %dma_wait3A_40 = arith.constant 0 : i32
      %dma_wait3A_41 = arith.constant 0 : i32
      %dma_wait3A_42 = tpu.memref_slice %arg2[%dma_wait3A_40, %dma_wait3A_41] : memref<10000x128xbf16, #tpu.memory_space<hbm>> -> memref<512x128xbf16, #tpu.memory_space<hbm>>
      tpu.wait_dma2 semaphore(%arg14 : memref<!tpu.dma_semaphore, #tpu.memory_space<semaphore_mem>>) src(%dma_wait3A_42 : memref<512x128xbf16, #tpu.memory_space<hbm>>) dst(%arg12 : memref<512x128xbf16, #tpu.memory_space<vmem>>)
      "tpu.region"() ({
        %run_scoped3A = tpu.sem_alloc : memref<!tpu.dma_semaphore, #tpu.memory_space<semaphore_mem>>
        %dma_start3A_60 = arith.constant 0 : i32
        %dma_start3A_61 = arith.constant 0 : i32
        %dma_start3A_62 = tpu.memref_slice %arg7[%dma_start3A_60, %dma_start3A_61] : memref<10240x128xbf16, #tpu.memory_space<vmem_shared>> -> memref<10240x128xbf16, #tpu.memory_space<vmem_shared>>
        tpu.enqueue_indirect_dma source(%arg12 : memref<512x128xbf16, #tpu.memory_space<vmem>>) target(%dma_start3A_62 : memref<10240x128xbf16, #tpu.memory_space<vmem_shared>>) offsets(%arg10 : memref<512xi32, #tpu.memory_space<vmem>>) semaphore(%run_scoped3A : memref<!tpu.dma_semaphore, #tpu.memory_space<semaphore_mem>>) {add = true}
        %dma_wait3A_63 = arith.constant 0 : i32
        %dma_wait3A_64 = arith.constant 0 : i32
        %dma_wait3A_65 = tpu.memref_slice %arg7[%dma_wait3A_63, %dma_wait3A_64] : memref<10240x128xbf16, #tpu.memory_space<vmem_shared>> -> memref<10240x128xbf16, #tpu.memory_space<vmem_shared>>
        tpu.wait_indirect_dma semaphore(%run_scoped3A : memref<!tpu.dma_semaphore, #tpu.memory_space<semaphore_mem>>) src(%arg12 : memref<512x128xbf16, #tpu.memory_space<vmem>>) dst(%dma_wait3A_65 : memref<10240x128xbf16, #tpu.memory_space<vmem_shared>>)
        tpu.yield
      }) : () -> ()
      %add3A_43 = arith.constant 2 : i32
      %add3A_44 = arith.addi %mul3A_26, %add3A_43 : i32
      %lt3A = arith.constant 20 : i32
      %lt3A_45 = arith.cmpi slt, %add3A_44, %lt3A : i32
      %convert_element_type3A_46 = arith.extui %lt3A_45 : i1 to i32
      %cond3A_47 = arith.constant 0 : i32
      %cond3A_48 = arith.cmpi ne, %convert_element_type3A_46, %cond3A_47 : i32
      scf.if %cond3A_48 {
        %add3A_60 = arith.constant 2 : i32
        %add3A_61 = arith.addi %mul3A_26, %add3A_60 : i32
        %mul3A_62 = arith.constant 512 : i32
        %mul3A_63 = arith.muli %add3A_61, %mul3A_62 : i32
        %add3A_64 = arith.addi %mul3A_6, %mul3A_63 : i32
        "tpu.region"() ({
          %run_scoped3A = tpu.sem_alloc : memref<!tpu.dma_semaphore, #tpu.memory_space<semaphore_mem>>
          %dma_start3A_68 = tpu.memref_slice %arg3[%add3A_64] : memref<327680xi32, #tpu.memory_space<hbm>> -> memref<512xi32, #tpu.memory_space<hbm>>
          %dma_start3A_69 = tpu.memref_slice %arg3[%add3A_64] : memref<327680xi32, #tpu.memory_space<hbm>> -> memref<512xi32, #tpu.memory_space<hbm>>
          tpu.enqueue_dma source(%dma_start3A_69 : memref<512xi32, #tpu.memory_space<hbm>>) target(%arg8 : memref<512xi32, #tpu.memory_space<vmem>>) target_semaphore(%run_scoped3A : memref<!tpu.dma_semaphore, #tpu.memory_space<semaphore_mem>>)
          %dma_wait3A_70 = tpu.memref_slice %arg3[%add3A_64] : memref<327680xi32, #tpu.memory_space<hbm>> -> memref<512xi32, #tpu.memory_space<hbm>>
          %dma_wait3A_71 = tpu.memref_slice %arg3[%add3A_64] : memref<327680xi32, #tpu.memory_space<hbm>> -> memref<512xi32, #tpu.memory_space<hbm>>
          tpu.wait_dma2 semaphore(%run_scoped3A : memref<!tpu.dma_semaphore, #tpu.memory_space<semaphore_mem>>) src(%dma_wait3A_71 : memref<512xi32, #tpu.memory_space<hbm>>) dst(%arg8 : memref<512xi32, #tpu.memory_space<vmem>>)
          tpu.yield
        }) : () -> ()
        %dma_start3A_65 = arith.constant 0 : i32
        %dma_start3A_66 = arith.constant 0 : i32
        %dma_start3A_67 = tpu.memref_slice %arg2[%dma_start3A_65, %dma_start3A_66] : memref<10000x128xbf16, #tpu.memory_space<hbm>> -> memref<10000x128xbf16, #tpu.memory_space<hbm>>
        tpu.enqueue_indirect_dma source(%dma_start3A_67 : memref<10000x128xbf16, #tpu.memory_space<hbm>>) target(%arg12 : memref<512x128xbf16, #tpu.memory_space<vmem>>) offsets(%arg8 : memref<512xi32, #tpu.memory_space<vmem>>) semaphore(%arg14 : memref<!tpu.dma_semaphore, #tpu.memory_space<semaphore_mem>>)
      } else {
      }
      %add3A_49 = arith.constant 1 : i32
      %add3A_50 = arith.addi %mul3A_26, %add3A_49 : i32
      %mul3A_51 = arith.constant 512 : i32
      %mul3A_52 = arith.muli %add3A_50, %mul3A_51 : i32
      %add3A_53 = arith.addi %mul3A_6, %mul3A_52 : i32
      "tpu.region"() ({
        %run_scoped3A = tpu.sem_alloc : memref<!tpu.dma_semaphore, #tpu.memory_space<semaphore_mem>>
        %dma_start3A_60 = tpu.memref_slice %arg4[%add3A_53] : memref<327680xi32, #tpu.memory_space<hbm>> -> memref<512xi32, #tpu.memory_space<hbm>>
        %dma_start3A_61 = tpu.memref_slice %arg4[%add3A_53] : memref<327680xi32, #tpu.memory_space<hbm>> -> memref<512xi32, #tpu.memory_space<hbm>>
        tpu.enqueue_dma source(%dma_start3A_61 : memref<512xi32, #tpu.memory_space<hbm>>) target(%arg11 : memref<512xi32, #tpu.memory_space<vmem>>) target_semaphore(%run_scoped3A : memref<!tpu.dma_semaphore, #tpu.memory_space<semaphore_mem>>)
        %dma_wait3A_62 = tpu.memref_slice %arg4[%add3A_53] : memref<327680xi32, #tpu.memory_space<hbm>> -> memref<512xi32, #tpu.memory_space<hbm>>
        %dma_wait3A_63 = tpu.memref_slice %arg4[%add3A_53] : memref<327680xi32, #tpu.memory_space<hbm>> -> memref<512xi32, #tpu.memory_space<hbm>>
        tpu.wait_dma2 semaphore(%run_scoped3A : memref<!tpu.dma_semaphore, #tpu.memory_space<semaphore_mem>>) src(%dma_wait3A_63 : memref<512xi32, #tpu.memory_space<hbm>>) dst(%arg11 : memref<512xi32, #tpu.memory_space<vmem>>)
        tpu.yield
      }) : () -> ()
      %dma_wait3A_54 = arith.constant 0 : i32
      %dma_wait3A_55 = arith.constant 0 : i32
      %dma_wait3A_56 = tpu.memref_slice %arg2[%dma_wait3A_54, %dma_wait3A_55] : memref<10000x128xbf16, #tpu.memory_space<hbm>> -> memref<512x128xbf16, #tpu.memory_space<hbm>>
      %dma_wait3A_57 = arith.constant 0 : i32
      %dma_wait3A_58 = arith.constant 0 : i32
      %dma_wait3A_59 = tpu.memref_slice %arg2[%dma_wait3A_57, %dma_wait3A_58] : memref<10000x128xbf16, #tpu.memory_space<hbm>> -> memref<512x128xbf16, #tpu.memory_space<hbm>>
      tpu.wait_dma2 semaphore(%arg15 : memref<!tpu.dma_semaphore, #tpu.memory_space<semaphore_mem>>) src(%dma_wait3A_59 : memref<512x128xbf16, #tpu.memory_space<hbm>>) dst(%arg13 : memref<512x128xbf16, #tpu.memory_space<vmem>>)
      "tpu.region"() ({
        %run_scoped3A = tpu.sem_alloc : memref<!tpu.dma_semaphore, #tpu.memory_space<semaphore_mem>>
        %dma_start3A_60 = arith.constant 0 : i32
        %dma_start3A_61 = arith.constant 0 : i32
        %dma_start3A_62 = tpu.memref_slice %arg7[%dma_start3A_60, %dma_start3A_61] : memref<10240x128xbf16, #tpu.memory_space<vmem_shared>> -> memref<10240x128xbf16, #tpu.memory_space<vmem_shared>>
        tpu.enqueue_indirect_dma source(%arg13 : memref<512x128xbf16, #tpu.memory_space<vmem>>) target(%dma_start3A_62 : memref<10240x128xbf16, #tpu.memory_space<vmem_shared>>) offsets(%arg11 : memref<512xi32, #tpu.memory_space<vmem>>) semaphore(%run_scoped3A : memref<!tpu.dma_semaphore, #tpu.memory_space<semaphore_mem>>) {add = true}
        %dma_wait3A_63 = arith.constant 0 : i32
        %dma_wait3A_64 = arith.constant 0 : i32
        %dma_wait3A_65 = tpu.memref_slice %arg7[%dma_wait3A_63, %dma_wait3A_64] : memref<10240x128xbf16, #tpu.memory_space<vmem_shared>> -> memref<10240x128xbf16, #tpu.memory_space<vmem_shared>>
        tpu.wait_indirect_dma semaphore(%run_scoped3A : memref<!tpu.dma_semaphore, #tpu.memory_space<semaphore_mem>>) src(%arg13 : memref<512x128xbf16, #tpu.memory_space<vmem>>) dst(%dma_wait3A_65 : memref<10240x128xbf16, #tpu.memory_space<vmem_shared>>)
        tpu.yield
      }) : () -> ()
    }
    %scan3A_13 = arith.constant 10 : i32
    %barrier3A_14 = arith.constant 0 : index
    tpu.barrier barrier_id(%barrier3A_14)
    %mul3A_15 = arith.constant 624 : i32
    %mul3A_16 = arith.muli %arg1, %mul3A_15 : i32
    %mul3A_17 = arith.constant 624 : i32
    %mul3A_18 = arith.muli %arg1, %mul3A_17 : i32
    "tpu.region"() ({
      %run_scoped3A = tpu.sem_alloc : memref<!tpu.dma_semaphore, #tpu.memory_space<semaphore_mem>>
      %dma_start3A_24 = arith.constant 0 : i32
      %dma_start3A_25 = tpu.memref_slice %arg6[%arg0, %mul3A_18, %dma_start3A_24] : memref<2x10000x128xbf16, #tpu.memory_space<hbm>> -> memref<1x624x128xbf16, #tpu.memory_space<hbm>>
      %dma_start3A_26 = tpu.memref_squeeze %dma_start3A_25 : memref<1x624x128xbf16, #tpu.memory_space<hbm>> -> memref<624x128xbf16, #tpu.memory_space<hbm>>
      %dma_start3A_27 = arith.constant 0 : i32
      %dma_start3A_28 = tpu.memref_slice %arg7[%mul3A_16, %dma_start3A_27] : memref<10240x128xbf16, #tpu.memory_space<vmem_shared>> -> memref<624x128xbf16, #tpu.memory_space<vmem_shared>>
      tpu.enqueue_dma source(%dma_start3A_28 : memref<624x128xbf16, #tpu.memory_space<vmem_shared>>) target(%dma_start3A_26 : memref<624x128xbf16, #tpu.memory_space<hbm>>) target_semaphore(%run_scoped3A : memref<!tpu.dma_semaphore, #tpu.memory_space<semaphore_mem>>)
      %dma_wait3A = arith.constant 0 : i32
      %dma_wait3A_29 = tpu.memref_slice %arg6[%arg0, %mul3A_18, %dma_wait3A] : memref<2x10000x128xbf16, #tpu.memory_space<hbm>> -> memref<1x624x128xbf16, #tpu.memory_space<hbm>>
      %dma_wait3A_30 = tpu.memref_squeeze %dma_wait3A_29 : memref<1x624x128xbf16, #tpu.memory_space<hbm>> -> memref<624x128xbf16, #tpu.memory_space<hbm>>
      %dma_wait3A_31 = arith.constant 0 : i32
      %dma_wait3A_32 = tpu.memref_slice %arg7[%mul3A_16, %dma_wait3A_31] : memref<10240x128xbf16, #tpu.memory_space<vmem_shared>> -> memref<624x128xbf16, #tpu.memory_space<vmem_shared>>
      tpu.wait_dma2 semaphore(%run_scoped3A : memref<!tpu.dma_semaphore, #tpu.memory_space<semaphore_mem>>) src(%dma_wait3A_32 : memref<624x128xbf16, #tpu.memory_space<vmem_shared>>) dst(%dma_wait3A_30 : memref<624x128xbf16, #tpu.memory_space<hbm>>)
      tpu.yield
    }) : () -> ()
    %eq3A_19 = arith.constant 0 : i32
    %eq3A_20 = arith.cmpi eq, %arg1, %eq3A_19 : i32
    %convert_element_type3A_21 = arith.extui %eq3A_20 : i1 to i32
    %cond3A_22 = arith.constant 0 : i32
    %cond3A_23 = arith.cmpi ne, %convert_element_type3A_21, %cond3A_22 : i32
    scf.if %cond3A_23 {
      "tpu.region"() ({
        %run_scoped3A = tpu.sem_alloc : memref<!tpu.dma_semaphore, #tpu.memory_space<semaphore_mem>>
        %dma_start3A_24 = arith.constant 9984 : i32
        %dma_start3A_25 = arith.constant 0 : i32
        %dma_start3A_26 = tpu.memref_slice %arg6[%arg0, %dma_start3A_24, %dma_start3A_25] : memref<2x10000x128xbf16, #tpu.memory_space<hbm>> -> memref<1x16x128xbf16, #tpu.memory_space<hbm>>
        %dma_start3A_27 = tpu.memref_squeeze %dma_start3A_26 : memref<1x16x128xbf16, #tpu.memory_space<hbm>> -> memref<16x128xbf16, #tpu.memory_space<hbm>>
        %dma_start3A_28 = arith.constant 9984 : i32
        %dma_start3A_29 = arith.constant 0 : i32
        %dma_start3A_30 = tpu.memref_slice %arg7[%dma_start3A_28, %dma_start3A_29] : memref<10240x128xbf16, #tpu.memory_space<vmem_shared>> -> memref<16x128xbf16, #tpu.memory_space<vmem_shared>>
        tpu.enqueue_dma source(%dma_start3A_30 : memref<16x128xbf16, #tpu.memory_space<vmem_shared>>) target(%dma_start3A_27 : memref<16x128xbf16, #tpu.memory_space<hbm>>) target_semaphore(%run_scoped3A : memref<!tpu.dma_semaphore, #tpu.memory_space<semaphore_mem>>)
        %dma_wait3A = arith.constant 9984 : i32
        %dma_wait3A_31 = arith.constant 0 : i32
        %dma_wait3A_32 = tpu.memref_slice %arg6[%arg0, %dma_wait3A, %dma_wait3A_31] : memref<2x10000x128xbf16, #tpu.memory_space<hbm>> -> memref<1x16x128xbf16, #tpu.memory_space<hbm>>
        %dma_wait3A_33 = tpu.memref_squeeze %dma_wait3A_32 : memref<1x16x128xbf16, #tpu.memory_space<hbm>> -> memref<16x128xbf16, #tpu.memory_space<hbm>>
        %dma_wait3A_34 = arith.constant 9984 : i32
        %dma_wait3A_35 = arith.constant 0 : i32
        %dma_wait3A_36 = tpu.memref_slice %arg7[%dma_wait3A_34, %dma_wait3A_35] : memref<10240x128xbf16, #tpu.memory_space<vmem_shared>> -> memref<16x128xbf16, #tpu.memory_space<vmem_shared>>
        tpu.wait_dma2 semaphore(%run_scoped3A : memref<!tpu.dma_semaphore, #tpu.memory_space<semaphore_mem>>) src(%dma_wait3A_36 : memref<16x128xbf16, #tpu.memory_space<vmem_shared>>) dst(%dma_wait3A_33 : memref<16x128xbf16, #tpu.memory_space<hbm>>)
        tpu.yield
      }) : () -> ()
    } else {
    }
    return
  }
}

#map = affine_map<(d0, d1) -> (0, 0)>
#map1 = affine_map<(d0, d1) -> (0)>
#map2 = affine_map<(d0, d1) -> (0, 0, 0)>
module attributes {stable_mosaic.version = 14 : i64} {
  func.func @k(%arg0: i32, %arg1: i32, %arg2: memref<10000x128xbf16, #tpu.memory_space<hbm>>, %arg3: memref<327680xi32, #tpu.memory_space<hbm>>, %arg4: memref<327680xi32, #tpu.memory_space<hbm>>, %arg5: memref<624x128xbf16, #tpu.memory_space<hbm>>, %arg6: memref<2x10000x128xbf16, #tpu.memory_space<hbm>>, %arg7: memref<10240x128xbf16, #tpu.memory_space<vmem_shared>>, %arg8: memref<512xi32, #tpu.memory_space<vmem>>, %arg9: memref<512xi32, #tpu.memory_space<vmem>>, %arg10: memref<512xi32, #tpu.memory_space<vmem>>, %arg11: memref<512xi32, #tpu.memory_space<vmem>>, %arg12: memref<512x128xbf16, #tpu.memory_space<vmem>>, %arg13: memref<512x128xbf16, #tpu.memory_space<vmem>>, %arg14: memref<!tpu.dma_semaphore, #tpu.memory_space<semaphore_mem>>, %arg15: memref<!tpu.dma_semaphore, #tpu.memory_space<semaphore_mem>>) attributes {dimension_semantics = [#tpu.dimension_semantics<core_parallel>, #tpu.dimension_semantics<subcore_parallel>], iteration_bounds = array<i64: 2, 16>, scalar_prefetch = 0 : i64, scratch_operands = 9 : i64, tpu.core_type = #tpu.core_type<sc_vector_subcore>, window_params = [{transform_indices = #map}, {transform_indices = #map1}, {transform_indices = #map1}, {transform_indices = #map}, {transform_indices = #map2}]} {
    %mul3A = arith.constant 2 : i32
    %mul3A_0 = arith.muli %arg1, %mul3A : i32
    %add3A = arith.addi %mul3A_0, %arg0 : i32
    %mul3A_1 = arith.constant 624 : i32
    %mul3A_2 = arith.muli %arg1, %mul3A_1 : i32
    "tpu.region"() ({
      %run_scoped3A = tpu.sem_alloc : memref<!tpu.dma_semaphore, #tpu.memory_space<semaphore_mem>>
      %dma_start3A_24 = arith.constant 0 : i32
      %dma_start3A_25 = tpu.memref_slice %arg7[%mul3A_2, %dma_start3A_24] : memref<10240x128xbf16, #tpu.memory_space<vmem_shared>> -> memref<624x128xbf16, #tpu.memory_space<vmem_shared>>
      tpu.enqueue_dma source(%arg5 : memref<624x128xbf16, #tpu.memory_space<hbm>>) target(%dma_start3A_25 : memref<624x128xbf16, #tpu.memory_space<vmem_shared>>) target_semaphore(%run_scoped3A : memref<!tpu.dma_semaphore, #tpu.memory_space<semaphore_mem>>)
      %dma_wait3A = arith.constant 0 : i32
      %dma_wait3A_26 = tpu.memref_slice %arg7[%mul3A_2, %dma_wait3A] : memref<10240x128xbf16, #tpu.memory_space<vmem_shared>> -> memref<624x128xbf16, #tpu.memory_space<vmem_shared>>
      tpu.wait_dma2 semaphore(%run_scoped3A : memref<!tpu.dma_semaphore, #tpu.memory_space<semaphore_mem>>) src(%arg5 : memref<624x128xbf16, #tpu.memory_space<hbm>>) dst(%dma_wait3A_26 : memref<624x128xbf16, #tpu.memory_space<vmem_shared>>)
      tpu.yield
    }) : () -> ()
    %eq3A = arith.constant 0 : i32
    %eq3A_3 = arith.cmpi eq, %arg1, %eq3A : i32
    %convert_element_type3A = arith.extui %eq3A_3 : i1 to i32
    %cond3A = arith.constant 0 : i32
    %cond3A_4 = arith.cmpi ne, %convert_element_type3A, %cond3A : i32
    scf.if %cond3A_4 {
      "tpu.region"() ({
        %run_scoped3A = tpu.sem_alloc : memref<!tpu.dma_semaphore, #tpu.memory_space<semaphore_mem>>
        %dma_start3A_24 = arith.constant 9984 : i32
        %dma_start3A_25 = arith.constant 0 : i32
        %dma_start3A_26 = tpu.memref_slice %arg7[%dma_start3A_24, %dma_start3A_25] : memref<10240x128xbf16, #tpu.memory_space<vmem_shared>> -> memref<16x128xbf16, #tpu.memory_space<vmem_shared>>
        %dma_start3A_27 = arith.constant 0 : i32
        %dma_start3A_28 = arith.constant 0 : i32
        %dma_start3A_29 = tpu.memref_slice %arg5[%dma_start3A_27, %dma_start3A_28] : memref<624x128xbf16, #tpu.memory_space<hbm>> -> memref<16x128xbf16, #tpu.memory_space<hbm>>
        tpu.enqueue_dma source(%dma_start3A_29 : memref<16x128xbf16, #tpu.memory_space<hbm>>) target(%dma_start3A_26 : memref<16x128xbf16, #tpu.memory_space<vmem_shared>>) target_semaphore(%run_scoped3A : memref<!tpu.dma_semaphore, #tpu.memory_space<semaphore_mem>>)
        %dma_wait3A = arith.constant 9984 : i32
        %dma_wait3A_30 = arith.constant 0 : i32
        %dma_wait3A_31 = tpu.memref_slice %arg7[%dma_wait3A, %dma_wait3A_30] : memref<10240x128xbf16, #tpu.memory_space<vmem_shared>> -> memref<16x128xbf16, #tpu.memory_space<vmem_shared>>
        %dma_wait3A_32 = arith.constant 0 : i32
        %dma_wait3A_33 = arith.constant 0 : i32
        %dma_wait3A_34 = tpu.memref_slice %arg5[%dma_wait3A_32, %dma_wait3A_33] : memref<624x128xbf16, #tpu.memory_space<hbm>> -> memref<16x128xbf16, #tpu.memory_space<hbm>>
        tpu.wait_dma2 semaphore(%run_scoped3A : memref<!tpu.dma_semaphore, #tpu.memory_space<semaphore_mem>>) src(%dma_wait3A_34 : memref<16x128xbf16, #tpu.memory_space<hbm>>) dst(%dma_wait3A_31 : memref<16x128xbf16, #tpu.memory_space<vmem_shared>>)
        tpu.yield
      }) : () -> ()
    } else {
    }
    %mul3A_5 = arith.constant 10240 : i32
    %mul3A_6 = arith.muli %add3A, %mul3A_5 : i32
    "tpu.region"() ({
      %run_scoped3A = tpu.sem_alloc : memref<!tpu.dma_semaphore, #tpu.memory_space<semaphore_mem>>
      %dma_start3A_24 = tpu.memref_slice %arg3[%mul3A_6] : memref<327680xi32, #tpu.memory_space<hbm>> -> memref<512xi32, #tpu.memory_space<hbm>>
      %dma_start3A_25 = tpu.memref_slice %arg3[%mul3A_6] : memref<327680xi32, #tpu.memory_space<hbm>> -> memref<512xi32, #tpu.memory_space<hbm>>
      tpu.enqueue_dma source(%dma_start3A_25 : memref<512xi32, #tpu.memory_space<hbm>>) target(%arg8 : memref<512xi32, #tpu.memory_space<vmem>>) target_semaphore(%run_scoped3A : memref<!tpu.dma_semaphore, #tpu.memory_space<semaphore_mem>>)
      %dma_wait3A = tpu.memref_slice %arg3[%mul3A_6] : memref<327680xi32, #tpu.memory_space<hbm>> -> memref<512xi32, #tpu.memory_space<hbm>>
      %dma_wait3A_26 = tpu.memref_slice %arg3[%mul3A_6] : memref<327680xi32, #tpu.memory_space<hbm>> -> memref<512xi32, #tpu.memory_space<hbm>>
      tpu.wait_dma2 semaphore(%run_scoped3A : memref<!tpu.dma_semaphore, #tpu.memory_space<semaphore_mem>>) src(%dma_wait3A_26 : memref<512xi32, #tpu.memory_space<hbm>>) dst(%arg8 : memref<512xi32, #tpu.memory_space<vmem>>)
      tpu.yield
    }) : () -> ()
    %dma_start3A = arith.constant 0 : i32
    %dma_start3A_7 = arith.constant 0 : i32
    %dma_start3A_8 = tpu.memref_slice %arg2[%dma_start3A, %dma_start3A_7] : memref<10000x128xbf16, #tpu.memory_space<hbm>> -> memref<10000x128xbf16, #tpu.memory_space<hbm>>
    tpu.enqueue_indirect_dma source(%dma_start3A_8 : memref<10000x128xbf16, #tpu.memory_space<hbm>>) target(%arg12 : memref<512x128xbf16, #tpu.memory_space<vmem>>) offsets(%arg8 : memref<512xi32, #tpu.memory_space<vmem>>) semaphore(%arg14 : memref<!tpu.dma_semaphore, #tpu.memory_space<semaphore_mem>>)
    %barrier3A = arith.constant 0 : index
    tpu.barrier barrier_id(%barrier3A)
    %scan3A = arith.constant 0 : i32
    %scan3A_9 = arith.constant 0 : i32
    %scan3A_10 = arith.constant 10 : i32
    %scan3A_11 = arith.addi %scan3A_9, %scan3A_10 : i32
    %scan3A_12 = arith.constant 1 : i32
    scf.for %scan3A_24 = %scan3A_9 to %scan3A_11 step %scan3A_12  : i32 {
      %mul3A_25 = arith.constant 2 : i32
      %mul3A_26 = arith.muli %scan3A_24, %mul3A_25 : i32
      %add3A_27 = arith.constant 1 : i32
      %add3A_28 = arith.addi %mul3A_26, %add3A_27 : i32
      %mul3A_29 = arith.constant 512 : i32
      %mul3A_30 = arith.muli %add3A_28, %mul3A_29 : i32
      %add3A_31 = arith.addi %mul3A_6, %mul3A_30 : i32
      "tpu.region"() ({
        %run_scoped3A = tpu.sem_alloc : memref<!tpu.dma_semaphore, #tpu.memory_space<semaphore_mem>>
        %dma_start3A_60 = tpu.memref_slice %arg3[%add3A_31] : memref<327680xi32, #tpu.memory_space<hbm>> -> memref<512xi32, #tpu.memory_space<hbm>>
        %dma_start3A_61 = tpu.memref_slice %arg3[%add3A_31] : memref<327680xi32, #tpu.memory_space<hbm>> -> memref<512xi32, #tpu.memory_space<hbm>>
        tpu.enqueue_dma source(%dma_start3A_61 : memref<512xi32, #tpu.memory_space<hbm>>) target(%arg9 : memref<512xi32, #tpu.memory_space<vmem>>) target_semaphore(%run_scoped3A : memref<!tpu.dma_semaphore, #tpu.memory_space<semaphore_mem>>)
        %dma_wait3A_62 = tpu.memref_slice %arg3[%add3A_31] : memref<327680xi32, #tpu.memory_space<hbm>> -> memref<512xi32, #tpu.memory_space<hbm>>
        %dma_wait3A_63 = tpu.memref_slice %arg3[%add3A_31] : memref<327680xi32, #tpu.memory_space<hbm>> -> memref<512xi32, #tpu.memory_space<hbm>>
        tpu.wait_dma2 semaphore(%run_scoped3A : memref<!tpu.dma_semaphore, #tpu.memory_space<semaphore_mem>>) src(%dma_wait3A_63 : memref<512xi32, #tpu.memory_space<hbm>>) dst(%arg9 : memref<512xi32, #tpu.memory_space<vmem>>)
        tpu.yield
      }) : () -> ()
      %dma_start3A_32 = arith.constant 0 : i32
      %dma_start3A_33 = arith.constant 0 : i32
      %dma_start3A_34 = tpu.memref_slice %arg2[%dma_start3A_32, %dma_start3A_33] : memref<10000x128xbf16, #tpu.memory_space<hbm>> -> memref<10000x128xbf16, #tpu.memory_space<hbm>>
      tpu.enqueue_indirect_dma source(%dma_start3A_34 : memref<10000x128xbf16, #tpu.memory_space<hbm>>) target(%arg13 : memref<512x128xbf16, #tpu.memory_space<vmem>>) offsets(%arg9 : memref<512xi32, #tpu.memory_space<vmem>>) semaphore(%arg15 : memref<!tpu.dma_semaphore, #tpu.memory_space<semaphore_mem>>)
      %mul3A_35 = arith.constant 512 : i32
      %mul3A_36 = arith.muli %mul3A_26, %mul3A_35 : i32
      %add3A_37 = arith.addi %mul3A_6, %mul3A_36 : i32
      "tpu.region"() ({
        %run_scoped3A = tpu.sem_alloc : memref<!tpu.dma_semaphore, #tpu.memory_space<semaphore_mem>>
        %dma_start3A_60 = tpu.memref_slice %arg4[%add3A_37] : memref<327680xi32, #tpu.memory_space<hbm>> -> memref<512xi32, #tpu.memory_space<hbm>>
        %dma_start3A_61 = tpu.memref_slice %arg4[%add3A_37] : memref<327680xi32, #tpu.memory_space<hbm>> -> memref<512xi32, #tpu.memory_space<hbm>>
        tpu.enqueue_dma source(%dma_start3A_61 : memref<512xi32, #tpu.memory_space<hbm>>) target(%arg10 : memref<512xi32, #tpu.memory_space<vmem>>) target_semaphore(%run_scoped3A : memref<!tpu.dma_semaphore, #tpu.memory_space<semaphore_mem>>)
        %dma_wait3A_62 = tpu.memref_slice %arg4[%add3A_37] : memref<327680xi32, #tpu.memory_space<hbm>> -> memref<512xi32, #tpu.memory_space<hbm>>
        %dma_wait3A_63 = tpu.memref_slice %arg4[%add3A_37] : memref<327680xi32, #tpu.memory_space<hbm>> -> memref<512xi32, #tpu.memory_space<hbm>>
        tpu.wait_dma2 semaphore(%run_scoped3A : memref<!tpu.dma_semaphore, #tpu.memory_space<semaphore_mem>>) src(%dma_wait3A_63 : memref<512xi32, #tpu.memory_space<hbm>>) dst(%arg10 : memref<512xi32, #tpu.memory_space<vmem>>)
        tpu.yield
      }) : () -> ()
      %dma_wait3A = arith.constant 0 : i32
      %dma_wait3A_38 = arith.constant 0 : i32
      %dma_wait3A_39 = tpu.memref_slice %arg2[%dma_wait3A, %dma_wait3A_38] : memref<10000x128xbf16, #tpu.memory_space<hbm>> -> memref<512x128xbf16, #tpu.memory_space<hbm>>
      %dma_wait3A_40 = arith.constant 0 : i32
      %dma_wait3A_41 = arith.constant 0 : i32
      %dma_wait3A_42 = tpu.memref_slice %arg2[%dma_wait3A_40, %dma_wait3A_41] : memref<10000x128xbf16, #tpu.memory_space<hbm>> -> memref<512x128xbf16, #tpu.memory_space<hbm>>
      tpu.wait_dma2 semaphore(%arg14 : memref<!tpu.dma_semaphore, #tpu.memory_space<semaphore_mem>>) src(%dma_wait3A_42 : memref<512x128xbf16, #tpu.memory_space<hbm>>) dst(%arg12 : memref<512x128xbf16, #tpu.memory_space<vmem>>)
      "tpu.region"() ({
        %run_scoped3A = tpu.sem_alloc : memref<!tpu.dma_semaphore, #tpu.memory_space<semaphore_mem>>
        %dma_start3A_60 = arith.constant 0 : i32
        %dma_start3A_61 = arith.constant 0 : i32
        %dma_start3A_62 = tpu.memref_slice %arg7[%dma_start3A_60, %dma_start3A_61] : memref<10240x128xbf16, #tpu.memory_space<vmem_shared>> -> memref<10240x128xbf16, #tpu.memory_space<vmem_shared>>
        tpu.enqueue_indirect_dma source(%arg12 : memref<512x128xbf16, #tpu.memory_space<vmem>>) target(%dma_start3A_62 : memref<10240x128xbf16, #tpu.memory_space<vmem_shared>>) offsets(%arg10 : memref<512xi32, #tpu.memory_space<vmem>>) semaphore(%run_scoped3A : memref<!tpu.dma_semaphore, #tpu.memory_space<semaphore_mem>>) {add = true}
        %dma_wait3A_63 = arith.constant 0 : i32
        %dma_wait3A_64 = arith.constant 0 : i32
        %dma_wait3A_65 = tpu.memref_slice %arg7[%dma_wait3A_63, %dma_wait3A_64] : memref<10240x128xbf16, #tpu.memory_space<vmem_shared>> -> memref<10240x128xbf16, #tpu.memory_space<vmem_shared>>
        tpu.wait_indirect_dma semaphore(%run_scoped3A : memref<!tpu.dma_semaphore, #tpu.memory_space<semaphore_mem>>) src(%arg12 : memref<512x128xbf16, #tpu.memory_space<vmem>>) dst(%dma_wait3A_65 : memref<10240x128xbf16, #tpu.memory_space<vmem_shared>>)
        tpu.yield
      }) : () -> ()
      %add3A_43 = arith.constant 2 : i32
      %add3A_44 = arith.addi %mul3A_26, %add3A_43 : i32
      %lt3A = arith.constant 20 : i32
      %lt3A_45 = arith.cmpi slt, %add3A_44, %lt3A : i32
      %convert_element_type3A_46 = arith.extui %lt3A_45 : i1 to i32
      %cond3A_47 = arith.constant 0 : i32
      %cond3A_48 = arith.cmpi ne, %convert_element_type3A_46, %cond3A_47 : i32
      scf.if %cond3A_48 {
        %add3A_60 = arith.constant 2 : i32
        %add3A_61 = arith.addi %mul3A_26, %add3A_60 : i32
        %mul3A_62 = arith.constant 512 : i32
        %mul3A_63 = arith.muli %add3A_61, %mul3A_62 : i32
        %add3A_64 = arith.addi %mul3A_6, %mul3A_63 : i32
        "tpu.region"() ({
          %run_scoped3A = tpu.sem_alloc : memref<!tpu.dma_semaphore, #tpu.memory_space<semaphore_mem>>
          %dma_start3A_68 = tpu.memref_slice %arg3[%add3A_64] : memref<327680xi32, #tpu.memory_space<hbm>> -> memref<512xi32, #tpu.memory_space<hbm>>
          %dma_start3A_69 = tpu.memref_slice %arg3[%add3A_64] : memref<327680xi32, #tpu.memory_space<hbm>> -> memref<512xi32, #tpu.memory_space<hbm>>
          tpu.enqueue_dma source(%dma_start3A_69 : memref<512xi32, #tpu.memory_space<hbm>>) target(%arg8 : memref<512xi32, #tpu.memory_space<vmem>>) target_semaphore(%run_scoped3A : memref<!tpu.dma_semaphore, #tpu.memory_space<semaphore_mem>>)
          %dma_wait3A_70 = tpu.memref_slice %arg3[%add3A_64] : memref<327680xi32, #tpu.memory_space<hbm>> -> memref<512xi32, #tpu.memory_space<hbm>>
          %dma_wait3A_71 = tpu.memref_slice %arg3[%add3A_64] : memref<327680xi32, #tpu.memory_space<hbm>> -> memref<512xi32, #tpu.memory_space<hbm>>
          tpu.wait_dma2 semaphore(%run_scoped3A : memref<!tpu.dma_semaphore, #tpu.memory_space<semaphore_mem>>) src(%dma_wait3A_71 : memref<512xi32, #tpu.memory_space<hbm>>) dst(%arg8 : memref<512xi32, #tpu.memory_space<vmem>>)
          tpu.yield
        }) : () -> ()
        %dma_start3A_65 = arith.constant 0 : i32
        %dma_start3A_66 = arith.constant 0 : i32
        %dma_start3A_67 = tpu.memref_slice %arg2[%dma_start3A_65, %dma_start3A_66] : memref<10000x128xbf16, #tpu.memory_space<hbm>> -> memref<10000x128xbf16, #tpu.memory_space<hbm>>
        tpu.enqueue_indirect_dma source(%dma_start3A_67 : memref<10000x128xbf16, #tpu.memory_space<hbm>>) target(%arg12 : memref<512x128xbf16, #tpu.memory_space<vmem>>) offsets(%arg8 : memref<512xi32, #tpu.memory_space<vmem>>) semaphore(%arg14 : memref<!tpu.dma_semaphore, #tpu.memory_space<semaphore_mem>>)
      } else {
      }
      %add3A_49 = arith.constant 1 : i32
      %add3A_50 = arith.addi %mul3A_26, %add3A_49 : i32
      %mul3A_51 = arith.constant 512 : i32
      %mul3A_52 = arith.muli %add3A_50, %mul3A_51 : i32
      %add3A_53 = arith.addi %mul3A_6, %mul3A_52 : i32
      "tpu.region"() ({
        %run_scoped3A = tpu.sem_alloc : memref<!tpu.dma_semaphore, #tpu.memory_space<semaphore_mem>>
        %dma_start3A_60 = tpu.memref_slice %arg4[%add3A_53] : memref<327680xi32, #tpu.memory_space<hbm>> -> memref<512xi32, #tpu.memory_space<hbm>>
        %dma_start3A_61 = tpu.memref_slice %arg4[%add3A_53] : memref<327680xi32, #tpu.memory_space<hbm>> -> memref<512xi32, #tpu.memory_space<hbm>>
        tpu.enqueue_dma source(%dma_start3A_61 : memref<512xi32, #tpu.memory_space<hbm>>) target(%arg11 : memref<512xi32, #tpu.memory_space<vmem>>) target_semaphore(%run_scoped3A : memref<!tpu.dma_semaphore, #tpu.memory_space<semaphore_mem>>)
        %dma_wait3A_62 = tpu.memref_slice %arg4[%add3A_53] : memref<327680xi32, #tpu.memory_space<hbm>> -> memref<512xi32, #tpu.memory_space<hbm>>
        %dma_wait3A_63 = tpu.memref_slice %arg4[%add3A_53] : memref<327680xi32, #tpu.memory_space<hbm>> -> memref<512xi32, #tpu.memory_space<hbm>>
        tpu.wait_dma2 semaphore(%run_scoped3A : memref<!tpu.dma_semaphore, #tpu.memory_space<semaphore_mem>>) src(%dma_wait3A_63 : memref<512xi32, #tpu.memory_space<hbm>>) dst(%arg11 : memref<512xi32, #tpu.memory_space<vmem>>)
        tpu.yield
      }) : () -> ()
      %dma_wait3A_54 = arith.constant 0 : i32
      %dma_wait3A_55 = arith.constant 0 : i32
      %dma_wait3A_56 = tpu.memref_slice %arg2[%dma_wait3A_54, %dma_wait3A_55] : memref<10000x128xbf16, #tpu.memory_space<hbm>> -> memref<512x128xbf16, #tpu.memory_space<hbm>>
      %dma_wait3A_57 = arith.constant 0 : i32
      %dma_wait3A_58 = arith.constant 0 : i32
      %dma_wait3A_59 = tpu.memref_slice %arg2[%dma_wait3A_57, %dma_wait3A_58] : memref<10000x128xbf16, #tpu.memory_space<hbm>> -> memref<512x128xbf16, #tpu.memory_space<hbm>>
      tpu.wait_dma2 semaphore(%arg15 : memref<!tpu.dma_semaphore, #tpu.memory_space<semaphore_mem>>) src(%dma_wait3A_59 : memref<512x128xbf16, #tpu.memory_space<hbm>>) dst(%arg13 : memref<512x128xbf16, #tpu.memory_space<vmem>>)
      "tpu.region"() ({
        %run_scoped3A = tpu.sem_alloc : memref<!tpu.dma_semaphore, #tpu.memory_space<semaphore_mem>>
        %dma_start3A_60 = arith.constant 0 : i32
        %dma_start3A_61 = arith.constant 0 : i32
        %dma_start3A_62 = tpu.memref_slice %arg7[%dma_start3A_60, %dma_start3A_61] : memref<10240x128xbf16, #tpu.memory_space<vmem_shared>> -> memref<10240x128xbf16, #tpu.memory_space<vmem_shared>>
        tpu.enqueue_indirect_dma source(%arg13 : memref<512x128xbf16, #tpu.memory_space<vmem>>) target(%dma_start3A_62 : memref<10240x128xbf16, #tpu.memory_space<vmem_shared>>) offsets(%arg11 : memref<512xi32, #tpu.memory_space<vmem>>) semaphore(%run_scoped3A : memref<!tpu.dma_semaphore, #tpu.memory_space<semaphore_mem>>) {add = true}
        %dma_wait3A_63 = arith.constant 0 : i32
        %dma_wait3A_64 = arith.constant 0 : i32
        %dma_wait3A_65 = tpu.memref_slice %arg7[%dma_wait3A_63, %dma_wait3A_64] : memref<10240x128xbf16, #tpu.memory_space<vmem_shared>> -> memref<10240x128xbf16, #tpu.memory_space<vmem_shared>>
        tpu.wait_indirect_dma semaphore(%run_scoped3A : memref<!tpu.dma_semaphore, #tpu.memory_space<semaphore_mem>>) src(%arg13 : memref<512x128xbf16, #tpu.memory_space<vmem>>) dst(%dma_wait3A_65 : memref<10240x128xbf16, #tpu.memory_space<vmem_shared>>)
        tpu.yield
      }) : () -> ()
    }
    %scan3A_13 = arith.constant 10 : i32
    %barrier3A_14 = arith.constant 0 : index
    tpu.barrier barrier_id(%barrier3A_14)
    %mul3A_15 = arith.constant 624 : i32
    %mul3A_16 = arith.muli %arg1, %mul3A_15 : i32
    %mul3A_17 = arith.constant 624 : i32
    %mul3A_18 = arith.muli %arg1, %mul3A_17 : i32
    "tpu.region"() ({
      %run_scoped3A = tpu.sem_alloc : memref<!tpu.dma_semaphore, #tpu.memory_space<semaphore_mem>>
      %dma_start3A_24 = arith.constant 0 : i32
      %dma_start3A_25 = tpu.memref_slice %arg6[%arg0, %mul3A_18, %dma_start3A_24] : memref<2x10000x128xbf16, #tpu.memory_space<hbm>> -> memref<1x624x128xbf16, #tpu.memory_space<hbm>>
      %dma_start3A_26 = tpu.memref_squeeze %dma_start3A_25 : memref<1x624x128xbf16, #tpu.memory_space<hbm>> -> memref<624x128xbf16, #tpu.memory_space<hbm>>
      %dma_start3A_27 = arith.constant 0 : i32
      %dma_start3A_28 = tpu.memref_slice %arg7[%mul3A_16, %dma_start3A_27] : memref<10240x128xbf16, #tpu.memory_space<vmem_shared>> -> memref<624x128xbf16, #tpu.memory_space<vmem_shared>>
      tpu.enqueue_dma source(%dma_start3A_28 : memref<624x128xbf16, #tpu.memory_space<vmem_shared>>) target(%dma_start3A_26 : memref<624x128xbf16, #tpu.memory_space<hbm>>) target_semaphore(%run_scoped3A : memref<!tpu.dma_semaphore, #tpu.memory_space<semaphore_mem>>)
      %dma_wait3A = arith.constant 0 : i32
      %dma_wait3A_29 = tpu.memref_slice %arg6[%arg0, %mul3A_18, %dma_wait3A] : memref<2x10000x128xbf16, #tpu.memory_space<hbm>> -> memref<1x624x128xbf16, #tpu.memory_space<hbm>>
      %dma_wait3A_30 = tpu.memref_squeeze %dma_wait3A_29 : memref<1x624x128xbf16, #tpu.memory_space<hbm>> -> memref<624x128xbf16, #tpu.memory_space<hbm>>
      %dma_wait3A_31 = arith.constant 0 : i32
      %dma_wait3A_32 = tpu.memref_slice %arg7[%mul3A_16, %dma_wait3A_31] : memref<10240x128xbf16, #tpu.memory_space<vmem_shared>> -> memref<624x128xbf16, #tpu.memory_space<vmem_shared>>
      tpu.wait_dma2 semaphore(%run_scoped3A : memref<!tpu.dma_semaphore, #tpu.memory_space<semaphore_mem>>) src(%dma_wait3A_32 : memref<624x128xbf16, #tpu.memory_space<vmem_shared>>) dst(%dma_wait3A_30 : memref<624x128xbf16, #tpu.memory_space<hbm>>)
      tpu.yield
    }) : () -> ()
    %eq3A_19 = arith.constant 0 : i32
    %eq3A_20 = arith.cmpi eq, %arg1, %eq3A_19 : i32
    %convert_element_type3A_21 = arith.extui %eq3A_20 : i1 to i32
    %cond3A_22 = arith.constant 0 : i32
    %cond3A_23 = arith.cmpi ne, %convert_element_type3A_21, %cond3A_22 : i32
    scf.if %cond3A_23 {
      "tpu.region"() ({
        %run_scoped3A = tpu.sem_alloc : memref<!tpu.dma_semaphore, #tpu.memory_space<semaphore_mem>>
        %dma_start3A_24 = arith.constant 9984 : i32
        %dma_start3A_25 = arith.constant 0 : i32
        %dma_start3A_26 = tpu.memref_slice %arg6[%arg0, %dma_start3A_24, %dma_start3A_25] : memref<2x10000x128xbf16, #tpu.memory_space<hbm>> -> memref<1x16x128xbf16, #tpu.memory_space<hbm>>
        %dma_start3A_27 = tpu.memref_squeeze %dma_start3A_26 : memref<1x16x128xbf16, #tpu.memory_space<hbm>> -> memref<16x128xbf16, #tpu.memory_space<hbm>>
        %dma_start3A_28 = arith.constant 9984 : i32
        %dma_start3A_29 = arith.constant 0 : i32
        %dma_start3A_30 = tpu.memref_slice %arg7[%dma_start3A_28, %dma_start3A_29] : memref<10240x128xbf16, #tpu.memory_space<vmem_shared>> -> memref<16x128xbf16, #tpu.memory_space<vmem_shared>>
        tpu.enqueue_dma source(%dma_start3A_30 : memref<16x128xbf16, #tpu.memory_space<vmem_shared>>) target(%dma_start3A_27 : memref<16x128xbf16, #tpu.memory_space<hbm>>) target_semaphore(%run_scoped3A : memref<!tpu.dma_semaphore, #tpu.memory_space<semaphore_mem>>)
        %dma_wait3A = arith.constant 9984 : i32
        %dma_wait3A_31 = arith.constant 0 : i32
        %dma_wait3A_32 = tpu.memref_slice %arg6[%arg0, %dma_wait3A, %dma_wait3A_31] : memref<2x10000x128xbf16, #tpu.memory_space<hbm>> -> memref<1x16x128xbf16, #tpu.memory_space<hbm>>
        %dma_wait3A_33 = tpu.memref_squeeze %dma_wait3A_32 : memref<1x16x128xbf16, #tpu.memory_space<hbm>> -> memref<16x128xbf16, #tpu.memory_space<hbm>>
        %dma_wait3A_34 = arith.constant 9984 : i32
        %dma_wait3A_35 = arith.constant 0 : i32
        %dma_wait3A_36 = tpu.memref_slice %arg7[%dma_wait3A_34, %dma_wait3A_35] : memref<10240x128xbf16, #tpu.memory_space<vmem_shared>> -> memref<16x128xbf16, #tpu.memory_space<vmem_shared>>
        tpu.wait_dma2 semaphore(%run_scoped3A : memref<!tpu.dma_semaphore, #tpu.memory_space<semaphore_mem>>) src(%dma_wait3A_36 : memref<16x128xbf16, #tpu.memory_space<vmem_shared>>) dst(%dma_wait3A_33 : memref<16x128xbf16, #tpu.memory_space<hbm>>)
        tpu.yield
      }) : () -> ()
    } else {
    }
    return
  }
}

#map = affine_map<(d0, d1) -> (0, 0)>
#map1 = affine_map<(d0, d1) -> (0)>
#map2 = affine_map<(d0, d1) -> (0, 0, 0)>
module attributes {stable_mosaic.version = 14 : i64} {
  func.func @k(%arg0: i32, %arg1: i32, %arg2: memref<10000x128xbf16, #tpu.memory_space<hbm>>, %arg3: memref<327680xi32, #tpu.memory_space<hbm>>, %arg4: memref<327680xi32, #tpu.memory_space<hbm>>, %arg5: memref<624x128xbf16, #tpu.memory_space<hbm>>, %arg6: memref<2x10000x128xbf16, #tpu.memory_space<hbm>>, %arg7: memref<10240x128xbf16, #tpu.memory_space<vmem_shared>>, %arg8: memref<512xi32, #tpu.memory_space<vmem>>, %arg9: memref<512xi32, #tpu.memory_space<vmem>>, %arg10: memref<512xi32, #tpu.memory_space<vmem>>, %arg11: memref<512xi32, #tpu.memory_space<vmem>>, %arg12: memref<512x128xbf16, #tpu.memory_space<vmem>>, %arg13: memref<512x128xbf16, #tpu.memory_space<vmem>>, %arg14: memref<!tpu.dma_semaphore, #tpu.memory_space<semaphore_mem>>, %arg15: memref<!tpu.dma_semaphore, #tpu.memory_space<semaphore_mem>>) attributes {dimension_semantics = [#tpu.dimension_semantics<core_parallel>, #tpu.dimension_semantics<subcore_parallel>], iteration_bounds = array<i64: 2, 16>, scalar_prefetch = 0 : i64, scratch_operands = 9 : i64, tpu.core_type = #tpu.core_type<sc_vector_subcore>, window_params = [{transform_indices = #map}, {transform_indices = #map1}, {transform_indices = #map1}, {transform_indices = #map}, {transform_indices = #map2}]} {
    %mul3A = arith.constant 2 : i32
    %mul3A_0 = arith.muli %arg1, %mul3A : i32
    %add3A = arith.addi %mul3A_0, %arg0 : i32
    %mul3A_1 = arith.constant 624 : i32
    %mul3A_2 = arith.muli %arg1, %mul3A_1 : i32
    "tpu.region"() ({
      %run_scoped3A = tpu.sem_alloc : memref<!tpu.dma_semaphore, #tpu.memory_space<semaphore_mem>>
      %dma_start3A_24 = arith.constant 0 : i32
      %dma_start3A_25 = tpu.memref_slice %arg7[%mul3A_2, %dma_start3A_24] : memref<10240x128xbf16, #tpu.memory_space<vmem_shared>> -> memref<624x128xbf16, #tpu.memory_space<vmem_shared>>
      tpu.enqueue_dma source(%arg5 : memref<624x128xbf16, #tpu.memory_space<hbm>>) target(%dma_start3A_25 : memref<624x128xbf16, #tpu.memory_space<vmem_shared>>) target_semaphore(%run_scoped3A : memref<!tpu.dma_semaphore, #tpu.memory_space<semaphore_mem>>)
      %dma_wait3A = arith.constant 0 : i32
      %dma_wait3A_26 = tpu.memref_slice %arg7[%mul3A_2, %dma_wait3A] : memref<10240x128xbf16, #tpu.memory_space<vmem_shared>> -> memref<624x128xbf16, #tpu.memory_space<vmem_shared>>
      tpu.wait_dma2 semaphore(%run_scoped3A : memref<!tpu.dma_semaphore, #tpu.memory_space<semaphore_mem>>) src(%arg5 : memref<624x128xbf16, #tpu.memory_space<hbm>>) dst(%dma_wait3A_26 : memref<624x128xbf16, #tpu.memory_space<vmem_shared>>)
      tpu.yield
    }) : () -> ()
    %eq3A = arith.constant 0 : i32
    %eq3A_3 = arith.cmpi eq, %arg1, %eq3A : i32
    %convert_element_type3A = arith.extui %eq3A_3 : i1 to i32
    %cond3A = arith.constant 0 : i32
    %cond3A_4 = arith.cmpi ne, %convert_element_type3A, %cond3A : i32
    scf.if %cond3A_4 {
      "tpu.region"() ({
        %run_scoped3A = tpu.sem_alloc : memref<!tpu.dma_semaphore, #tpu.memory_space<semaphore_mem>>
        %dma_start3A_24 = arith.constant 9984 : i32
        %dma_start3A_25 = arith.constant 0 : i32
        %dma_start3A_26 = tpu.memref_slice %arg7[%dma_start3A_24, %dma_start3A_25] : memref<10240x128xbf16, #tpu.memory_space<vmem_shared>> -> memref<16x128xbf16, #tpu.memory_space<vmem_shared>>
        %dma_start3A_27 = arith.constant 0 : i32
        %dma_start3A_28 = arith.constant 0 : i32
        %dma_start3A_29 = tpu.memref_slice %arg5[%dma_start3A_27, %dma_start3A_28] : memref<624x128xbf16, #tpu.memory_space<hbm>> -> memref<16x128xbf16, #tpu.memory_space<hbm>>
        tpu.enqueue_dma source(%dma_start3A_29 : memref<16x128xbf16, #tpu.memory_space<hbm>>) target(%dma_start3A_26 : memref<16x128xbf16, #tpu.memory_space<vmem_shared>>) target_semaphore(%run_scoped3A : memref<!tpu.dma_semaphore, #tpu.memory_space<semaphore_mem>>)
        %dma_wait3A = arith.constant 9984 : i32
        %dma_wait3A_30 = arith.constant 0 : i32
        %dma_wait3A_31 = tpu.memref_slice %arg7[%dma_wait3A, %dma_wait3A_30] : memref<10240x128xbf16, #tpu.memory_space<vmem_shared>> -> memref<16x128xbf16, #tpu.memory_space<vmem_shared>>
        %dma_wait3A_32 = arith.constant 0 : i32
        %dma_wait3A_33 = arith.constant 0 : i32
        %dma_wait3A_34 = tpu.memref_slice %arg5[%dma_wait3A_32, %dma_wait3A_33] : memref<624x128xbf16, #tpu.memory_space<hbm>> -> memref<16x128xbf16, #tpu.memory_space<hbm>>
        tpu.wait_dma2 semaphore(%run_scoped3A : memref<!tpu.dma_semaphore, #tpu.memory_space<semaphore_mem>>) src(%dma_wait3A_34 : memref<16x128xbf16, #tpu.memory_space<hbm>>) dst(%dma_wait3A_31 : memref<16x128xbf16, #tpu.memory_space<vmem_shared>>)
        tpu.yield
      }) : () -> ()
    } else {
    }
    %mul3A_5 = arith.constant 10240 : i32
    %mul3A_6 = arith.muli %add3A, %mul3A_5 : i32
    "tpu.region"() ({
      %run_scoped3A = tpu.sem_alloc : memref<!tpu.dma_semaphore, #tpu.memory_space<semaphore_mem>>
      %dma_start3A_24 = tpu.memref_slice %arg3[%mul3A_6] : memref<327680xi32, #tpu.memory_space<hbm>> -> memref<512xi32, #tpu.memory_space<hbm>>
      %dma_start3A_25 = tpu.memref_slice %arg3[%mul3A_6] : memref<327680xi32, #tpu.memory_space<hbm>> -> memref<512xi32, #tpu.memory_space<hbm>>
      tpu.enqueue_dma source(%dma_start3A_25 : memref<512xi32, #tpu.memory_space<hbm>>) target(%arg8 : memref<512xi32, #tpu.memory_space<vmem>>) target_semaphore(%run_scoped3A : memref<!tpu.dma_semaphore, #tpu.memory_space<semaphore_mem>>)
      %dma_wait3A = tpu.memref_slice %arg3[%mul3A_6] : memref<327680xi32, #tpu.memory_space<hbm>> -> memref<512xi32, #tpu.memory_space<hbm>>
      %dma_wait3A_26 = tpu.memref_slice %arg3[%mul3A_6] : memref<327680xi32, #tpu.memory_space<hbm>> -> memref<512xi32, #tpu.memory_space<hbm>>
      tpu.wait_dma2 semaphore(%run_scoped3A : memref<!tpu.dma_semaphore, #tpu.memory_space<semaphore_mem>>) src(%dma_wait3A_26 : memref<512xi32, #tpu.memory_space<hbm>>) dst(%arg8 : memref<512xi32, #tpu.memory_space<vmem>>)
      tpu.yield
    }) : () -> ()
    %dma_start3A = arith.constant 0 : i32
    %dma_start3A_7 = arith.constant 0 : i32
    %dma_start3A_8 = tpu.memref_slice %arg2[%dma_start3A, %dma_start3A_7] : memref<10000x128xbf16, #tpu.memory_space<hbm>> -> memref<10000x128xbf16, #tpu.memory_space<hbm>>
    tpu.enqueue_indirect_dma source(%dma_start3A_8 : memref<10000x128xbf16, #tpu.memory_space<hbm>>) target(%arg12 : memref<512x128xbf16, #tpu.memory_space<vmem>>) offsets(%arg8 : memref<512xi32, #tpu.memory_space<vmem>>) semaphore(%arg14 : memref<!tpu.dma_semaphore, #tpu.memory_space<semaphore_mem>>)
    %barrier3A = arith.constant 0 : index
    tpu.barrier barrier_id(%barrier3A)
    %scan3A = arith.constant 0 : i32
    %scan3A_9 = arith.constant 0 : i32
    %scan3A_10 = arith.constant 10 : i32
    %scan3A_11 = arith.addi %scan3A_9, %scan3A_10 : i32
    %scan3A_12 = arith.constant 1 : i32
    scf.for %scan3A_24 = %scan3A_9 to %scan3A_11 step %scan3A_12  : i32 {
      %mul3A_25 = arith.constant 2 : i32
      %mul3A_26 = arith.muli %scan3A_24, %mul3A_25 : i32
      %add3A_27 = arith.constant 1 : i32
      %add3A_28 = arith.addi %mul3A_26, %add3A_27 : i32
      %mul3A_29 = arith.constant 512 : i32
      %mul3A_30 = arith.muli %add3A_28, %mul3A_29 : i32
      %add3A_31 = arith.addi %mul3A_6, %mul3A_30 : i32
      "tpu.region"() ({
        %run_scoped3A = tpu.sem_alloc : memref<!tpu.dma_semaphore, #tpu.memory_space<semaphore_mem>>
        %dma_start3A_60 = tpu.memref_slice %arg3[%add3A_31] : memref<327680xi32, #tpu.memory_space<hbm>> -> memref<512xi32, #tpu.memory_space<hbm>>
        %dma_start3A_61 = tpu.memref_slice %arg3[%add3A_31] : memref<327680xi32, #tpu.memory_space<hbm>> -> memref<512xi32, #tpu.memory_space<hbm>>
        tpu.enqueue_dma source(%dma_start3A_61 : memref<512xi32, #tpu.memory_space<hbm>>) target(%arg9 : memref<512xi32, #tpu.memory_space<vmem>>) target_semaphore(%run_scoped3A : memref<!tpu.dma_semaphore, #tpu.memory_space<semaphore_mem>>)
        %dma_wait3A_62 = tpu.memref_slice %arg3[%add3A_31] : memref<327680xi32, #tpu.memory_space<hbm>> -> memref<512xi32, #tpu.memory_space<hbm>>
        %dma_wait3A_63 = tpu.memref_slice %arg3[%add3A_31] : memref<327680xi32, #tpu.memory_space<hbm>> -> memref<512xi32, #tpu.memory_space<hbm>>
        tpu.wait_dma2 semaphore(%run_scoped3A : memref<!tpu.dma_semaphore, #tpu.memory_space<semaphore_mem>>) src(%dma_wait3A_63 : memref<512xi32, #tpu.memory_space<hbm>>) dst(%arg9 : memref<512xi32, #tpu.memory_space<vmem>>)
        tpu.yield
      }) : () -> ()
      %dma_start3A_32 = arith.constant 0 : i32
      %dma_start3A_33 = arith.constant 0 : i32
      %dma_start3A_34 = tpu.memref_slice %arg2[%dma_start3A_32, %dma_start3A_33] : memref<10000x128xbf16, #tpu.memory_space<hbm>> -> memref<10000x128xbf16, #tpu.memory_space<hbm>>
      tpu.enqueue_indirect_dma source(%dma_start3A_34 : memref<10000x128xbf16, #tpu.memory_space<hbm>>) target(%arg13 : memref<512x128xbf16, #tpu.memory_space<vmem>>) offsets(%arg9 : memref<512xi32, #tpu.memory_space<vmem>>) semaphore(%arg15 : memref<!tpu.dma_semaphore, #tpu.memory_space<semaphore_mem>>)
      %mul3A_35 = arith.constant 512 : i32
      %mul3A_36 = arith.muli %mul3A_26, %mul3A_35 : i32
      %add3A_37 = arith.addi %mul3A_6, %mul3A_36 : i32
      "tpu.region"() ({
        %run_scoped3A = tpu.sem_alloc : memref<!tpu.dma_semaphore, #tpu.memory_space<semaphore_mem>>
        %dma_start3A_60 = tpu.memref_slice %arg4[%add3A_37] : memref<327680xi32, #tpu.memory_space<hbm>> -> memref<512xi32, #tpu.memory_space<hbm>>
        %dma_start3A_61 = tpu.memref_slice %arg4[%add3A_37] : memref<327680xi32, #tpu.memory_space<hbm>> -> memref<512xi32, #tpu.memory_space<hbm>>
        tpu.enqueue_dma source(%dma_start3A_61 : memref<512xi32, #tpu.memory_space<hbm>>) target(%arg10 : memref<512xi32, #tpu.memory_space<vmem>>) target_semaphore(%run_scoped3A : memref<!tpu.dma_semaphore, #tpu.memory_space<semaphore_mem>>)
        %dma_wait3A_62 = tpu.memref_slice %arg4[%add3A_37] : memref<327680xi32, #tpu.memory_space<hbm>> -> memref<512xi32, #tpu.memory_space<hbm>>
        %dma_wait3A_63 = tpu.memref_slice %arg4[%add3A_37] : memref<327680xi32, #tpu.memory_space<hbm>> -> memref<512xi32, #tpu.memory_space<hbm>>
        tpu.wait_dma2 semaphore(%run_scoped3A : memref<!tpu.dma_semaphore, #tpu.memory_space<semaphore_mem>>) src(%dma_wait3A_63 : memref<512xi32, #tpu.memory_space<hbm>>) dst(%arg10 : memref<512xi32, #tpu.memory_space<vmem>>)
        tpu.yield
      }) : () -> ()
      %dma_wait3A = arith.constant 0 : i32
      %dma_wait3A_38 = arith.constant 0 : i32
      %dma_wait3A_39 = tpu.memref_slice %arg2[%dma_wait3A, %dma_wait3A_38] : memref<10000x128xbf16, #tpu.memory_space<hbm>> -> memref<512x128xbf16, #tpu.memory_space<hbm>>
      %dma_wait3A_40 = arith.constant 0 : i32
      %dma_wait3A_41 = arith.constant 0 : i32
      %dma_wait3A_42 = tpu.memref_slice %arg2[%dma_wait3A_40, %dma_wait3A_41] : memref<10000x128xbf16, #tpu.memory_space<hbm>> -> memref<512x128xbf16, #tpu.memory_space<hbm>>
      tpu.wait_dma2 semaphore(%arg14 : memref<!tpu.dma_semaphore, #tpu.memory_space<semaphore_mem>>) src(%dma_wait3A_42 : memref<512x128xbf16, #tpu.memory_space<hbm>>) dst(%arg12 : memref<512x128xbf16, #tpu.memory_space<vmem>>)
      "tpu.region"() ({
        %run_scoped3A = tpu.sem_alloc : memref<!tpu.dma_semaphore, #tpu.memory_space<semaphore_mem>>
        %dma_start3A_60 = arith.constant 0 : i32
        %dma_start3A_61 = arith.constant 0 : i32
        %dma_start3A_62 = tpu.memref_slice %arg7[%dma_start3A_60, %dma_start3A_61] : memref<10240x128xbf16, #tpu.memory_space<vmem_shared>> -> memref<10240x128xbf16, #tpu.memory_space<vmem_shared>>
        tpu.enqueue_indirect_dma source(%arg12 : memref<512x128xbf16, #tpu.memory_space<vmem>>) target(%dma_start3A_62 : memref<10240x128xbf16, #tpu.memory_space<vmem_shared>>) offsets(%arg10 : memref<512xi32, #tpu.memory_space<vmem>>) semaphore(%run_scoped3A : memref<!tpu.dma_semaphore, #tpu.memory_space<semaphore_mem>>) {add = true}
        %dma_wait3A_63 = arith.constant 0 : i32
        %dma_wait3A_64 = arith.constant 0 : i32
        %dma_wait3A_65 = tpu.memref_slice %arg7[%dma_wait3A_63, %dma_wait3A_64] : memref<10240x128xbf16, #tpu.memory_space<vmem_shared>> -> memref<10240x128xbf16, #tpu.memory_space<vmem_shared>>
        tpu.wait_indirect_dma semaphore(%run_scoped3A : memref<!tpu.dma_semaphore, #tpu.memory_space<semaphore_mem>>) src(%arg12 : memref<512x128xbf16, #tpu.memory_space<vmem>>) dst(%dma_wait3A_65 : memref<10240x128xbf16, #tpu.memory_space<vmem_shared>>)
        tpu.yield
      }) : () -> ()
      %add3A_43 = arith.constant 2 : i32
      %add3A_44 = arith.addi %mul3A_26, %add3A_43 : i32
      %lt3A = arith.constant 20 : i32
      %lt3A_45 = arith.cmpi slt, %add3A_44, %lt3A : i32
      %convert_element_type3A_46 = arith.extui %lt3A_45 : i1 to i32
      %cond3A_47 = arith.constant 0 : i32
      %cond3A_48 = arith.cmpi ne, %convert_element_type3A_46, %cond3A_47 : i32
      scf.if %cond3A_48 {
        %add3A_60 = arith.constant 2 : i32
        %add3A_61 = arith.addi %mul3A_26, %add3A_60 : i32
        %mul3A_62 = arith.constant 512 : i32
        %mul3A_63 = arith.muli %add3A_61, %mul3A_62 : i32
        %add3A_64 = arith.addi %mul3A_6, %mul3A_63 : i32
        "tpu.region"() ({
          %run_scoped3A = tpu.sem_alloc : memref<!tpu.dma_semaphore, #tpu.memory_space<semaphore_mem>>
          %dma_start3A_68 = tpu.memref_slice %arg3[%add3A_64] : memref<327680xi32, #tpu.memory_space<hbm>> -> memref<512xi32, #tpu.memory_space<hbm>>
          %dma_start3A_69 = tpu.memref_slice %arg3[%add3A_64] : memref<327680xi32, #tpu.memory_space<hbm>> -> memref<512xi32, #tpu.memory_space<hbm>>
          tpu.enqueue_dma source(%dma_start3A_69 : memref<512xi32, #tpu.memory_space<hbm>>) target(%arg8 : memref<512xi32, #tpu.memory_space<vmem>>) target_semaphore(%run_scoped3A : memref<!tpu.dma_semaphore, #tpu.memory_space<semaphore_mem>>)
          %dma_wait3A_70 = tpu.memref_slice %arg3[%add3A_64] : memref<327680xi32, #tpu.memory_space<hbm>> -> memref<512xi32, #tpu.memory_space<hbm>>
          %dma_wait3A_71 = tpu.memref_slice %arg3[%add3A_64] : memref<327680xi32, #tpu.memory_space<hbm>> -> memref<512xi32, #tpu.memory_space<hbm>>
          tpu.wait_dma2 semaphore(%run_scoped3A : memref<!tpu.dma_semaphore, #tpu.memory_space<semaphore_mem>>) src(%dma_wait3A_71 : memref<512xi32, #tpu.memory_space<hbm>>) dst(%arg8 : memref<512xi32, #tpu.memory_space<vmem>>)
          tpu.yield
        }) : () -> ()
        %dma_start3A_65 = arith.constant 0 : i32
        %dma_start3A_66 = arith.constant 0 : i32
        %dma_start3A_67 = tpu.memref_slice %arg2[%dma_start3A_65, %dma_start3A_66] : memref<10000x128xbf16, #tpu.memory_space<hbm>> -> memref<10000x128xbf16, #tpu.memory_space<hbm>>
        tpu.enqueue_indirect_dma source(%dma_start3A_67 : memref<10000x128xbf16, #tpu.memory_space<hbm>>) target(%arg12 : memref<512x128xbf16, #tpu.memory_space<vmem>>) offsets(%arg8 : memref<512xi32, #tpu.memory_space<vmem>>) semaphore(%arg14 : memref<!tpu.dma_semaphore, #tpu.memory_space<semaphore_mem>>)
      } else {
      }
      %add3A_49 = arith.constant 1 : i32
      %add3A_50 = arith.addi %mul3A_26, %add3A_49 : i32
      %mul3A_51 = arith.constant 512 : i32
      %mul3A_52 = arith.muli %add3A_50, %mul3A_51 : i32
      %add3A_53 = arith.addi %mul3A_6, %mul3A_52 : i32
      "tpu.region"() ({
        %run_scoped3A = tpu.sem_alloc : memref<!tpu.dma_semaphore, #tpu.memory_space<semaphore_mem>>
        %dma_start3A_60 = tpu.memref_slice %arg4[%add3A_53] : memref<327680xi32, #tpu.memory_space<hbm>> -> memref<512xi32, #tpu.memory_space<hbm>>
        %dma_start3A_61 = tpu.memref_slice %arg4[%add3A_53] : memref<327680xi32, #tpu.memory_space<hbm>> -> memref<512xi32, #tpu.memory_space<hbm>>
        tpu.enqueue_dma source(%dma_start3A_61 : memref<512xi32, #tpu.memory_space<hbm>>) target(%arg11 : memref<512xi32, #tpu.memory_space<vmem>>) target_semaphore(%run_scoped3A : memref<!tpu.dma_semaphore, #tpu.memory_space<semaphore_mem>>)
        %dma_wait3A_62 = tpu.memref_slice %arg4[%add3A_53] : memref<327680xi32, #tpu.memory_space<hbm>> -> memref<512xi32, #tpu.memory_space<hbm>>
        %dma_wait3A_63 = tpu.memref_slice %arg4[%add3A_53] : memref<327680xi32, #tpu.memory_space<hbm>> -> memref<512xi32, #tpu.memory_space<hbm>>
        tpu.wait_dma2 semaphore(%run_scoped3A : memref<!tpu.dma_semaphore, #tpu.memory_space<semaphore_mem>>) src(%dma_wait3A_63 : memref<512xi32, #tpu.memory_space<hbm>>) dst(%arg11 : memref<512xi32, #tpu.memory_space<vmem>>)
        tpu.yield
      }) : () -> ()
      %dma_wait3A_54 = arith.constant 0 : i32
      %dma_wait3A_55 = arith.constant 0 : i32
      %dma_wait3A_56 = tpu.memref_slice %arg2[%dma_wait3A_54, %dma_wait3A_55] : memref<10000x128xbf16, #tpu.memory_space<hbm>> -> memref<512x128xbf16, #tpu.memory_space<hbm>>
      %dma_wait3A_57 = arith.constant 0 : i32
      %dma_wait3A_58 = arith.constant 0 : i32
      %dma_wait3A_59 = tpu.memref_slice %arg2[%dma_wait3A_57, %dma_wait3A_58] : memref<10000x128xbf16, #tpu.memory_space<hbm>> -> memref<512x128xbf16, #tpu.memory_space<hbm>>
      tpu.wait_dma2 semaphore(%arg15 : memref<!tpu.dma_semaphore, #tpu.memory_space<semaphore_mem>>) src(%dma_wait3A_59 : memref<512x128xbf16, #tpu.memory_space<hbm>>) dst(%arg13 : memref<512x128xbf16, #tpu.memory_space<vmem>>)
      "tpu.region"() ({
        %run_scoped3A = tpu.sem_alloc : memref<!tpu.dma_semaphore, #tpu.memory_space<semaphore_mem>>
        %dma_start3A_60 = arith.constant 0 : i32
        %dma_start3A_61 = arith.constant 0 : i32
        %dma_start3A_62 = tpu.memref_slice %arg7[%dma_start3A_60, %dma_start3A_61] : memref<10240x128xbf16, #tpu.memory_space<vmem_shared>> -> memref<10240x128xbf16, #tpu.memory_space<vmem_shared>>
        tpu.enqueue_indirect_dma source(%arg13 : memref<512x128xbf16, #tpu.memory_space<vmem>>) target(%dma_start3A_62 : memref<10240x128xbf16, #tpu.memory_space<vmem_shared>>) offsets(%arg11 : memref<512xi32, #tpu.memory_space<vmem>>) semaphore(%run_scoped3A : memref<!tpu.dma_semaphore, #tpu.memory_space<semaphore_mem>>) {add = true}
        %dma_wait3A_63 = arith.constant 0 : i32
        %dma_wait3A_64 = arith.constant 0 : i32
        %dma_wait3A_65 = tpu.memref_slice %arg7[%dma_wait3A_63, %dma_wait3A_64] : memref<10240x128xbf16, #tpu.memory_space<vmem_shared>> -> memref<10240x128xbf16, #tpu.memory_space<vmem_shared>>
        tpu.wait_indirect_dma semaphore(%run_scoped3A : memref<!tpu.dma_semaphore, #tpu.memory_space<semaphore_mem>>) src(%arg13 : memref<512x128xbf16, #tpu.memory_space<vmem>>) dst(%dma_wait3A_65 : memref<10240x128xbf16, #tpu.memory_space<vmem_shared>>)
        tpu.yield
      }) : () -> ()
    }
    %scan3A_13 = arith.constant 10 : i32
    %barrier3A_14 = arith.constant 0 : index
    tpu.barrier barrier_id(%barrier3A_14)
    %mul3A_15 = arith.constant 624 : i32
    %mul3A_16 = arith.muli %arg1, %mul3A_15 : i32
    %mul3A_17 = arith.constant 624 : i32
    %mul3A_18 = arith.muli %arg1, %mul3A_17 : i32
    "tpu.region"() ({
      %run_scoped3A = tpu.sem_alloc : memref<!tpu.dma_semaphore, #tpu.memory_space<semaphore_mem>>
      %dma_start3A_24 = arith.constant 0 : i32
      %dma_start3A_25 = tpu.memref_slice %arg6[%arg0, %mul3A_18, %dma_start3A_24] : memref<2x10000x128xbf16, #tpu.memory_space<hbm>> -> memref<1x624x128xbf16, #tpu.memory_space<hbm>>
      %dma_start3A_26 = tpu.memref_squeeze %dma_start3A_25 : memref<1x624x128xbf16, #tpu.memory_space<hbm>> -> memref<624x128xbf16, #tpu.memory_space<hbm>>
      %dma_start3A_27 = arith.constant 0 : i32
      %dma_start3A_28 = tpu.memref_slice %arg7[%mul3A_16, %dma_start3A_27] : memref<10240x128xbf16, #tpu.memory_space<vmem_shared>> -> memref<624x128xbf16, #tpu.memory_space<vmem_shared>>
      tpu.enqueue_dma source(%dma_start3A_28 : memref<624x128xbf16, #tpu.memory_space<vmem_shared>>) target(%dma_start3A_26 : memref<624x128xbf16, #tpu.memory_space<hbm>>) target_semaphore(%run_scoped3A : memref<!tpu.dma_semaphore, #tpu.memory_space<semaphore_mem>>)
      %dma_wait3A = arith.constant 0 : i32
      %dma_wait3A_29 = tpu.memref_slice %arg6[%arg0, %mul3A_18, %dma_wait3A] : memref<2x10000x128xbf16, #tpu.memory_space<hbm>> -> memref<1x624x128xbf16, #tpu.memory_space<hbm>>
      %dma_wait3A_30 = tpu.memref_squeeze %dma_wait3A_29 : memref<1x624x128xbf16, #tpu.memory_space<hbm>> -> memref<624x128xbf16, #tpu.memory_space<hbm>>
      %dma_wait3A_31 = arith.constant 0 : i32
      %dma_wait3A_32 = tpu.memref_slice %arg7[%mul3A_16, %dma_wait3A_31] : memref<10240x128xbf16, #tpu.memory_space<vmem_shared>> -> memref<624x128xbf16, #tpu.memory_space<vmem_shared>>
      tpu.wait_dma2 semaphore(%run_scoped3A : memref<!tpu.dma_semaphore, #tpu.memory_space<semaphore_mem>>) src(%dma_wait3A_32 : memref<624x128xbf16, #tpu.memory_space<vmem_shared>>) dst(%dma_wait3A_30 : memref<624x128xbf16, #tpu.memory_space<hbm>>)
      tpu.yield
    }) : () -> ()
    %eq3A_19 = arith.constant 0 : i32
    %eq3A_20 = arith.cmpi eq, %arg1, %eq3A_19 : i32
    %convert_element_type3A_21 = arith.extui %eq3A_20 : i1 to i32
    %cond3A_22 = arith.constant 0 : i32
    %cond3A_23 = arith.cmpi ne, %convert_element_type3A_21, %cond3A_22 : i32
    scf.if %cond3A_23 {
      "tpu.region"() ({
        %run_scoped3A = tpu.sem_alloc : memref<!tpu.dma_semaphore, #tpu.memory_space<semaphore_mem>>
        %dma_start3A_24 = arith.constant 9984 : i32
        %dma_start3A_25 = arith.constant 0 : i32
        %dma_start3A_26 = tpu.memref_slice %arg6[%arg0, %dma_start3A_24, %dma_start3A_25] : memref<2x10000x128xbf16, #tpu.memory_space<hbm>> -> memref<1x16x128xbf16, #tpu.memory_space<hbm>>
        %dma_start3A_27 = tpu.memref_squeeze %dma_start3A_26 : memref<1x16x128xbf16, #tpu.memory_space<hbm>> -> memref<16x128xbf16, #tpu.memory_space<hbm>>
        %dma_start3A_28 = arith.constant 9984 : i32
        %dma_start3A_29 = arith.constant 0 : i32
        %dma_start3A_30 = tpu.memref_slice %arg7[%dma_start3A_28, %dma_start3A_29] : memref<10240x128xbf16, #tpu.memory_space<vmem_shared>> -> memref<16x128xbf16, #tpu.memory_space<vmem_shared>>
        tpu.enqueue_dma source(%dma_start3A_30 : memref<16x128xbf16, #tpu.memory_space<vmem_shared>>) target(%dma_start3A_27 : memref<16x128xbf16, #tpu.memory_space<hbm>>) target_semaphore(%run_scoped3A : memref<!tpu.dma_semaphore, #tpu.memory_space<semaphore_mem>>)
        %dma_wait3A = arith.constant 9984 : i32
        %dma_wait3A_31 = arith.constant 0 : i32
        %dma_wait3A_32 = tpu.memref_slice %arg6[%arg0, %dma_wait3A, %dma_wait3A_31] : memref<2x10000x128xbf16, #tpu.memory_space<hbm>> -> memref<1x16x128xbf16, #tpu.memory_space<hbm>>
        %dma_wait3A_33 = tpu.memref_squeeze %dma_wait3A_32 : memref<1x16x128xbf16, #tpu.memory_space<hbm>> -> memref<16x128xbf16, #tpu.memory_space<hbm>>
        %dma_wait3A_34 = arith.constant 9984 : i32
        %dma_wait3A_35 = arith.constant 0 : i32
        %dma_wait3A_36 = tpu.memref_slice %arg7[%dma_wait3A_34, %dma_wait3A_35] : memref<10240x128xbf16, #tpu.memory_space<vmem_shared>> -> memref<16x128xbf16, #tpu.memory_space<vmem_shared>>
        tpu.wait_dma2 semaphore(%run_scoped3A : memref<!tpu.dma_semaphore, #tpu.memory_space<semaphore_mem>>) src(%dma_wait3A_36 : memref<16x128xbf16, #tpu.memory_space<vmem_shared>>) dst(%dma_wait3A_33 : memref<16x128xbf16, #tpu.memory_space<hbm>>)
        tpu.yield
      }) : () -> ()
    } else {
    }
    return
  }
}

module attributes {stable_mosaic.version = 14 : i64} {
  func.func @body(%arg0: memref<10000x128xf32, #tpu.memory_space<vmem>>, %arg1: memref<10000x128xbf16, #tpu.memory_space<vmem>>) attributes {dimension_semantics = [], scalar_prefetch = 0 : i64, scratch_operands = 0 : i64, tpu.core_type = #tpu.core_type<tc>} {
    %get3A = arith.constant 0 : index
    %get3A_0 = arith.constant 0 : index
    %get3A_1 = vector.load %arg0[%get3A, %get3A_0] : memref<10000x128xf32, #tpu.memory_space<vmem>>, vector<10000x128xf32>
    %convert_element_type3A = arith.truncf %get3A_1 : vector<10000x128xf32> to vector<10000x128xbf16>
    %swap3A = arith.constant 0 : index
    %swap3A_2 = arith.constant 0 : index
    %swap3A_3 = vector.load %arg1[%swap3A, %swap3A_2] : memref<10000x128xbf16, #tpu.memory_space<vmem>>, vector<10000x128xbf16>
    tpu.vector_store %arg1[%swap3A, %swap3A_2], %convert_element_type3A {strides = array<i32>} : memref<10000x128xbf16, #tpu.memory_space<vmem>>, vector<10000x128xbf16>,
    return
  }
}

module attributes {stable_mosaic.version = 14 : i64} {
  func.func @body(%arg0: memref<10000x128xf32, #tpu.memory_space<vmem>>, %arg1: memref<2x10000x128xbf16, #tpu.memory_space<vmem>>, %arg2: memref<128x128xf32, #tpu.memory_space<vmem>>, %arg3: memref<1x128xf32, #tpu.memory_space<vmem>>, %arg4: memref<1x128xf32, #tpu.memory_space<vmem>>, %arg5: memref<128x128xf32, #tpu.memory_space<vmem>>, %arg6: memref<1x128xf32, #tpu.memory_space<vmem>>, %arg7: memref<1x128xf32, #tpu.memory_space<vmem>>, %arg8: memref<10000x1xi32, #tpu.memory_space<vmem>>, %arg9: memref<10000x128xf32, #tpu.memory_space<vmem>>, %arg10: memref<10000x128xbf16, #tpu.memory_space<vmem>>, %arg11: memref<16x128xf32, #tpu.memory_space<vmem>>) attributes {dimension_semantics = [], scalar_prefetch = 0 : i64, scratch_operands = 0 : i64, tpu.core_type = #tpu.core_type<tc>} {
    %get3A = arith.constant 0 : index
    %get3A_0 = arith.constant 0 : index
    %get3A_1 = vector.load %arg0[%get3A, %get3A_0] : memref<10000x128xf32, #tpu.memory_space<vmem>>, vector<10000x128xf32>
    %get3A_2 = arith.constant 0 : index
    %get3A_3 = arith.constant 0 : index
    %get3A_4 = arith.constant 0 : index
    %get3A_5 = vector.load %arg1[%get3A_2, %get3A_3, %get3A_4] : memref<2x10000x128xbf16, #tpu.memory_space<vmem>>, vector<1x10000x128xbf16>
    %get3A_6 = vector.shape_cast %get3A_5 : vector<1x10000x128xbf16> to vector<10000x128xbf16>
    %convert_element_type3A = arith.extf %get3A_6 : vector<10000x128xbf16> to vector<10000x128xf32>
    %add3A = arith.addf %get3A_1, %convert_element_type3A : vector<10000x128xf32>
    %get3A_7 = arith.constant 1 : index
    %get3A_8 = arith.constant 0 : index
    %get3A_9 = arith.constant 0 : index
    %get3A_10 = vector.load %arg1[%get3A_7, %get3A_8, %get3A_9] : memref<2x10000x128xbf16, #tpu.memory_space<vmem>>, vector<1x10000x128xbf16>
    %get3A_11 = vector.shape_cast %get3A_10 : vector<1x10000x128xbf16> to vector<10000x128xbf16>
    %convert_element_type3A_12 = arith.extf %get3A_11 : vector<10000x128xbf16> to vector<10000x128xf32>
    %add3A_13 = arith.addf %add3A, %convert_element_type3A_12 : vector<10000x128xf32>
    %get3A_14 = arith.constant 0 : index
    %get3A_15 = arith.constant 0 : index
    %get3A_16 = vector.load %arg2[%get3A_14, %get3A_15] : memref<128x128xf32, #tpu.memory_space<vmem>>, vector<128x128xf32>
    %dot_general3A = arith.constant dense<0.000000e+00> : vector<10000x128xf32>
    %dot_general3A_17 = tpu.matmul %add3A_13, %get3A_16, %dot_general3A {dimension_numbers = #tpu.dot_dimension_numbers<[1], [1], [0], [0], [0, 0, 1, 0], [], []>, transpose_lhs_hint = false} : vector<10000x128xf32>, vector<128x128xf32>, vector<10000x128xf32> -> vector<10000x128xf32>
    %reduce_sum3A = arith.constant dense<0.000000e+00> : vector<128xf32>
    %reduce_sum3A_18 = vector.multi_reduction <add>, %dot_general3A_17, %reduce_sum3A [0] : vector<10000x128xf32> to vector<128xf32>
    %broadcast_in_dim3A = vector.shape_cast %reduce_sum3A_18 : vector<128xf32> to vector<1x128xf32>
    %div3A = arith.constant 1.000000e+04 : f32
    %div3A_19 = vector.broadcast %div3A : f32 to vector<1x128xf32>
    %div3A_20 = arith.divf %broadcast_in_dim3A, %div3A_19 : vector<1x128xf32>
    %sub3A = vector.broadcast %div3A_20 : vector<1x128xf32> to vector<10000x128xf32>
    %sub3A_21 = arith.subf %dot_general3A_17, %sub3A : vector<10000x128xf32>
    %integer_pow3A = arith.mulf %sub3A_21, %sub3A_21 : vector<10000x128xf32>
    %reduce_sum3A_22 = arith.constant dense<0.000000e+00> : vector<128xf32>
    %reduce_sum3A_23 = vector.multi_reduction <add>, %integer_pow3A, %reduce_sum3A_22 [0] : vector<10000x128xf32> to vector<128xf32>
    %broadcast_in_dim3A_24 = vector.shape_cast %reduce_sum3A_23 : vector<128xf32> to vector<1x128xf32>
    %div3A_25 = arith.constant 1.000000e+04 : f32
    %div3A_26 = vector.broadcast %div3A_25 : f32 to vector<1x128xf32>
    %div3A_27 = arith.divf %broadcast_in_dim3A_24, %div3A_26 : vector<1x128xf32>
    %sub3A_28 = vector.broadcast %div3A_20 : vector<1x128xf32> to vector<10000x128xf32>
    %sub3A_29 = arith.subf %dot_general3A_17, %sub3A_28 : vector<10000x128xf32>
    %add3A_30 = arith.constant 9.99999974E-6 : f32
    %add3A_31 = vector.broadcast %add3A_30 : f32 to vector<1x128xf32>
    %add3A_32 = arith.addf %div3A_27, %add3A_31 : vector<1x128xf32>
    %rsqrt3A = math.rsqrt %add3A_32 : vector<1x128xf32>
    %mul3A = vector.broadcast %rsqrt3A : vector<1x128xf32> to vector<10000x128xf32>
    %mul3A_33 = arith.mulf %sub3A_29, %mul3A : vector<10000x128xf32>
    %get3A_34 = arith.constant 0 : index
    %get3A_35 = arith.constant 0 : index
    %get3A_36 = vector.load %arg3[%get3A_34, %get3A_35] : memref<1x128xf32, #tpu.memory_space<vmem>>, vector<1x128xf32>
    %mul3A_37 = vector.broadcast %get3A_36 : vector<1x128xf32> to vector<10000x128xf32>
    %mul3A_38 = arith.mulf %mul3A_33, %mul3A_37 : vector<10000x128xf32>
    %get3A_39 = arith.constant 0 : index
    %get3A_40 = arith.constant 0 : index
    %get3A_41 = vector.load %arg4[%get3A_39, %get3A_40] : memref<1x128xf32, #tpu.memory_space<vmem>>, vector<1x128xf32>
    %add3A_42 = vector.broadcast %get3A_41 : vector<1x128xf32> to vector<10000x128xf32>
    %add3A_43 = arith.addf %mul3A_38, %add3A_42 : vector<10000x128xf32>
    %max3A = arith.constant 0.000000e+00 : f32
    %max3A_44 = vector.broadcast %max3A : f32 to vector<10000x128xf32>
    %max3A_45 = arith.maximumf %add3A_43, %max3A_44 : vector<10000x128xf32>
    %get3A_46 = arith.constant 0 : index
    %get3A_47 = arith.constant 0 : index
    %get3A_48 = vector.load %arg5[%get3A_46, %get3A_47] : memref<128x128xf32, #tpu.memory_space<vmem>>, vector<128x128xf32>
    %dot_general3A_49 = arith.constant dense<0.000000e+00> : vector<10000x128xf32>
    %dot_general3A_50 = tpu.matmul %max3A_45, %get3A_48, %dot_general3A_49 {dimension_numbers = #tpu.dot_dimension_numbers<[1], [1], [0], [0], [0, 0, 1, 0], [], []>, transpose_lhs_hint = false} : vector<10000x128xf32>, vector<128x128xf32>, vector<10000x128xf32> -> vector<10000x128xf32>
    %reduce_sum3A_51 = arith.constant dense<0.000000e+00> : vector<128xf32>
    %reduce_sum3A_52 = vector.multi_reduction <add>, %dot_general3A_50, %reduce_sum3A_51 [0] : vector<10000x128xf32> to vector<128xf32>
    %broadcast_in_dim3A_53 = vector.shape_cast %reduce_sum3A_52 : vector<128xf32> to vector<1x128xf32>
    %div3A_54 = arith.constant 1.000000e+04 : f32
    %div3A_55 = vector.broadcast %div3A_54 : f32 to vector<1x128xf32>
    %div3A_56 = arith.divf %broadcast_in_dim3A_53, %div3A_55 : vector<1x128xf32>
    %sub3A_57 = vector.broadcast %div3A_56 : vector<1x128xf32> to vector<10000x128xf32>
    %sub3A_58 = arith.subf %dot_general3A_50, %sub3A_57 : vector<10000x128xf32>
    %integer_pow3A_59 = arith.mulf %sub3A_58, %sub3A_58 : vector<10000x128xf32>
    %reduce_sum3A_60 = arith.constant dense<0.000000e+00> : vector<128xf32>
    %reduce_sum3A_61 = vector.multi_reduction <add>, %integer_pow3A_59, %reduce_sum3A_60 [0] : vector<10000x128xf32> to vector<128xf32>
    %broadcast_in_dim3A_62 = vector.shape_cast %reduce_sum3A_61 : vector<128xf32> to vector<1x128xf32>
    %div3A_63 = arith.constant 1.000000e+04 : f32
    %div3A_64 = vector.broadcast %div3A_63 : f32 to vector<1x128xf32>
    %div3A_65 = arith.divf %broadcast_in_dim3A_62, %div3A_64 : vector<1x128xf32>
    %sub3A_66 = vector.broadcast %div3A_56 : vector<1x128xf32> to vector<10000x128xf32>
    %sub3A_67 = arith.subf %dot_general3A_50, %sub3A_66 : vector<10000x128xf32>
    %add3A_68 = arith.constant 9.99999974E-6 : f32
    %add3A_69 = vector.broadcast %add3A_68 : f32 to vector<1x128xf32>
    %add3A_70 = arith.addf %div3A_65, %add3A_69 : vector<1x128xf32>
    %rsqrt3A_71 = math.rsqrt %add3A_70 : vector<1x128xf32>
    %mul3A_72 = vector.broadcast %rsqrt3A_71 : vector<1x128xf32> to vector<10000x128xf32>
    %mul3A_73 = arith.mulf %sub3A_67, %mul3A_72 : vector<10000x128xf32>
    %get3A_74 = arith.constant 0 : index
    %get3A_75 = arith.constant 0 : index
    %get3A_76 = vector.load %arg6[%get3A_74, %get3A_75] : memref<1x128xf32, #tpu.memory_space<vmem>>, vector<1x128xf32>
    %mul3A_77 = vector.broadcast %get3A_76 : vector<1x128xf32> to vector<10000x128xf32>
    %mul3A_78 = arith.mulf %mul3A_73, %mul3A_77 : vector<10000x128xf32>
    %get3A_79 = arith.constant 0 : index
    %get3A_80 = arith.constant 0 : index
    %get3A_81 = vector.load %arg7[%get3A_79, %get3A_80] : memref<1x128xf32, #tpu.memory_space<vmem>>, vector<1x128xf32>
    %add3A_82 = vector.broadcast %get3A_81 : vector<1x128xf32> to vector<10000x128xf32>
    %add3A_83 = arith.addf %mul3A_78, %add3A_82 : vector<10000x128xf32>
    %max3A_84 = arith.constant 0.000000e+00 : f32
    %max3A_85 = vector.broadcast %max3A_84 : f32 to vector<10000x128xf32>
    %max3A_86 = arith.maximumf %add3A_83, %max3A_85 : vector<10000x128xf32>
    %swap3A = arith.constant 0 : index
    %swap3A_87 = arith.constant 0 : index
    %swap3A_88 = vector.load %arg9[%swap3A, %swap3A_87] : memref<10000x128xf32, #tpu.memory_space<vmem>>, vector<10000x128xf32>
    tpu.vector_store %arg9[%swap3A, %swap3A_87], %max3A_86 {strides = array<i32>} : memref<10000x128xf32, #tpu.memory_space<vmem>>, vector<10000x128xf32>,
    %convert_element_type3A_89 = arith.truncf %max3A_86 : vector<10000x128xf32> to vector<10000x128xbf16>
    %swap3A_90 = arith.constant 0 : index
    %swap3A_91 = arith.constant 0 : index
    %swap3A_92 = vector.load %arg10[%swap3A_90, %swap3A_91] : memref<10000x128xbf16, #tpu.memory_space<vmem>>, vector<10000x128xbf16>
    tpu.vector_store %arg10[%swap3A_90, %swap3A_91], %convert_element_type3A_89 {strides = array<i32>} : memref<10000x128xbf16, #tpu.memory_space<vmem>>, vector<10000x128xbf16>,
    %get3A_93 = arith.constant 0 : index
    %get3A_94 = arith.constant 0 : index
    %get3A_95 = vector.load %arg8[%get3A_93, %get3A_94] : memref<10000x1xi32, #tpu.memory_space<vmem>>, vector<10000x1xi32>
    %iota3A = tpu.iota {dimensions = array<i32: 1>} : vector<1x16xi32>
    %eq3A = vector.broadcast %get3A_95 : vector<10000x1xi32> to vector<10000x16xi32>
    %eq3A_96 = vector.broadcast %iota3A : vector<1x16xi32> to vector<10000x16xi32>
    %eq3A_97 = arith.cmpi eq, %eq3A, %eq3A_96 : vector<10000x16xi32>
    %convert_element_type3A_98 = arith.extui %eq3A_97 : vector<10000x16xi1> to vector<10000x16xi32>
    %convert_element_type3A_99 = arith.sitofp %convert_element_type3A_98 : vector<10000x16xi32> to vector<10000x16xf32>
    %dot_general3A_100 = arith.constant dense<0.000000e+00> : vector<16x128xf32>
    %dot_general3A_101 = tpu.matmul %convert_element_type3A_99, %max3A_86, %dot_general3A_100 {dimension_numbers = #tpu.dot_dimension_numbers<[0], [0], [1], [1], [0, 1, 1, 1], [], []>, transpose_lhs_hint = false} : vector<10000x16xf32>, vector<10000x128xf32>, vector<16x128xf32> -> vector<16x128xf32>
    %swap3A_102 = arith.constant 0 : index
    %swap3A_103 = arith.constant 0 : index
    %swap3A_104 = vector.load %arg11[%swap3A_102, %swap3A_103] : memref<16x128xf32, #tpu.memory_space<vmem>>, vector<16x128xf32>
    tpu.vector_store %arg11[%swap3A_102, %swap3A_103], %dot_general3A_101 {strides = array<i32>} : memref<16x128xf32, #tpu.memory_space<vmem>>, vector<16x128xf32>,
    return
  }
}

module attributes {stable_mosaic.version = 14 : i64} {
  func.func @body(%arg0: memref<10000x128xf32, #tpu.memory_space<vmem>>, %arg1: memref<2x10000x128xbf16, #tpu.memory_space<vmem>>, %arg2: memref<128x128xf32, #tpu.memory_space<vmem>>, %arg3: memref<1x128xf32, #tpu.memory_space<vmem>>, %arg4: memref<1x128xf32, #tpu.memory_space<vmem>>, %arg5: memref<128x128xf32, #tpu.memory_space<vmem>>, %arg6: memref<1x128xf32, #tpu.memory_space<vmem>>, %arg7: memref<1x128xf32, #tpu.memory_space<vmem>>, %arg8: memref<10000x1xi32, #tpu.memory_space<vmem>>, %arg9: memref<10000x128xf32, #tpu.memory_space<vmem>>, %arg10: memref<10000x128xbf16, #tpu.memory_space<vmem>>, %arg11: memref<16x128xf32, #tpu.memory_space<vmem>>) attributes {dimension_semantics = [], scalar_prefetch = 0 : i64, scratch_operands = 0 : i64, tpu.core_type = #tpu.core_type<tc>} {
    %get3A = arith.constant 0 : index
    %get3A_0 = arith.constant 0 : index
    %get3A_1 = vector.load %arg0[%get3A, %get3A_0] : memref<10000x128xf32, #tpu.memory_space<vmem>>, vector<10000x128xf32>
    %get3A_2 = arith.constant 0 : index
    %get3A_3 = arith.constant 0 : index
    %get3A_4 = arith.constant 0 : index
    %get3A_5 = vector.load %arg1[%get3A_2, %get3A_3, %get3A_4] : memref<2x10000x128xbf16, #tpu.memory_space<vmem>>, vector<1x10000x128xbf16>
    %get3A_6 = vector.shape_cast %get3A_5 : vector<1x10000x128xbf16> to vector<10000x128xbf16>
    %convert_element_type3A = arith.extf %get3A_6 : vector<10000x128xbf16> to vector<10000x128xf32>
    %add3A = arith.addf %get3A_1, %convert_element_type3A : vector<10000x128xf32>
    %get3A_7 = arith.constant 1 : index
    %get3A_8 = arith.constant 0 : index
    %get3A_9 = arith.constant 0 : index
    %get3A_10 = vector.load %arg1[%get3A_7, %get3A_8, %get3A_9] : memref<2x10000x128xbf16, #tpu.memory_space<vmem>>, vector<1x10000x128xbf16>
    %get3A_11 = vector.shape_cast %get3A_10 : vector<1x10000x128xbf16> to vector<10000x128xbf16>
    %convert_element_type3A_12 = arith.extf %get3A_11 : vector<10000x128xbf16> to vector<10000x128xf32>
    %add3A_13 = arith.addf %add3A, %convert_element_type3A_12 : vector<10000x128xf32>
    %get3A_14 = arith.constant 0 : index
    %get3A_15 = arith.constant 0 : index
    %get3A_16 = vector.load %arg2[%get3A_14, %get3A_15] : memref<128x128xf32, #tpu.memory_space<vmem>>, vector<128x128xf32>
    %dot_general3A = arith.constant dense<0.000000e+00> : vector<10000x128xf32>
    %dot_general3A_17 = tpu.matmul %add3A_13, %get3A_16, %dot_general3A {dimension_numbers = #tpu.dot_dimension_numbers<[1], [1], [0], [0], [0, 0, 1, 0], [], []>, transpose_lhs_hint = false} : vector<10000x128xf32>, vector<128x128xf32>, vector<10000x128xf32> -> vector<10000x128xf32>
    %reduce_sum3A = arith.constant dense<0.000000e+00> : vector<128xf32>
    %reduce_sum3A_18 = vector.multi_reduction <add>, %dot_general3A_17, %reduce_sum3A [0] : vector<10000x128xf32> to vector<128xf32>
    %broadcast_in_dim3A = vector.shape_cast %reduce_sum3A_18 : vector<128xf32> to vector<1x128xf32>
    %div3A = arith.constant 1.000000e+04 : f32
    %div3A_19 = vector.broadcast %div3A : f32 to vector<1x128xf32>
    %div3A_20 = arith.divf %broadcast_in_dim3A, %div3A_19 : vector<1x128xf32>
    %sub3A = vector.broadcast %div3A_20 : vector<1x128xf32> to vector<10000x128xf32>
    %sub3A_21 = arith.subf %dot_general3A_17, %sub3A : vector<10000x128xf32>
    %integer_pow3A = arith.mulf %sub3A_21, %sub3A_21 : vector<10000x128xf32>
    %reduce_sum3A_22 = arith.constant dense<0.000000e+00> : vector<128xf32>
    %reduce_sum3A_23 = vector.multi_reduction <add>, %integer_pow3A, %reduce_sum3A_22 [0] : vector<10000x128xf32> to vector<128xf32>
    %broadcast_in_dim3A_24 = vector.shape_cast %reduce_sum3A_23 : vector<128xf32> to vector<1x128xf32>
    %div3A_25 = arith.constant 1.000000e+04 : f32
    %div3A_26 = vector.broadcast %div3A_25 : f32 to vector<1x128xf32>
    %div3A_27 = arith.divf %broadcast_in_dim3A_24, %div3A_26 : vector<1x128xf32>
    %sub3A_28 = vector.broadcast %div3A_20 : vector<1x128xf32> to vector<10000x128xf32>
    %sub3A_29 = arith.subf %dot_general3A_17, %sub3A_28 : vector<10000x128xf32>
    %add3A_30 = arith.constant 9.99999974E-6 : f32
    %add3A_31 = vector.broadcast %add3A_30 : f32 to vector<1x128xf32>
    %add3A_32 = arith.addf %div3A_27, %add3A_31 : vector<1x128xf32>
    %rsqrt3A = math.rsqrt %add3A_32 : vector<1x128xf32>
    %mul3A = vector.broadcast %rsqrt3A : vector<1x128xf32> to vector<10000x128xf32>
    %mul3A_33 = arith.mulf %sub3A_29, %mul3A : vector<10000x128xf32>
    %get3A_34 = arith.constant 0 : index
    %get3A_35 = arith.constant 0 : index
    %get3A_36 = vector.load %arg3[%get3A_34, %get3A_35] : memref<1x128xf32, #tpu.memory_space<vmem>>, vector<1x128xf32>
    %mul3A_37 = vector.broadcast %get3A_36 : vector<1x128xf32> to vector<10000x128xf32>
    %mul3A_38 = arith.mulf %mul3A_33, %mul3A_37 : vector<10000x128xf32>
    %get3A_39 = arith.constant 0 : index
    %get3A_40 = arith.constant 0 : index
    %get3A_41 = vector.load %arg4[%get3A_39, %get3A_40] : memref<1x128xf32, #tpu.memory_space<vmem>>, vector<1x128xf32>
    %add3A_42 = vector.broadcast %get3A_41 : vector<1x128xf32> to vector<10000x128xf32>
    %add3A_43 = arith.addf %mul3A_38, %add3A_42 : vector<10000x128xf32>
    %max3A = arith.constant 0.000000e+00 : f32
    %max3A_44 = vector.broadcast %max3A : f32 to vector<10000x128xf32>
    %max3A_45 = arith.maximumf %add3A_43, %max3A_44 : vector<10000x128xf32>
    %get3A_46 = arith.constant 0 : index
    %get3A_47 = arith.constant 0 : index
    %get3A_48 = vector.load %arg5[%get3A_46, %get3A_47] : memref<128x128xf32, #tpu.memory_space<vmem>>, vector<128x128xf32>
    %dot_general3A_49 = arith.constant dense<0.000000e+00> : vector<10000x128xf32>
    %dot_general3A_50 = tpu.matmul %max3A_45, %get3A_48, %dot_general3A_49 {dimension_numbers = #tpu.dot_dimension_numbers<[1], [1], [0], [0], [0, 0, 1, 0], [], []>, transpose_lhs_hint = false} : vector<10000x128xf32>, vector<128x128xf32>, vector<10000x128xf32> -> vector<10000x128xf32>
    %reduce_sum3A_51 = arith.constant dense<0.000000e+00> : vector<128xf32>
    %reduce_sum3A_52 = vector.multi_reduction <add>, %dot_general3A_50, %reduce_sum3A_51 [0] : vector<10000x128xf32> to vector<128xf32>
    %broadcast_in_dim3A_53 = vector.shape_cast %reduce_sum3A_52 : vector<128xf32> to vector<1x128xf32>
    %div3A_54 = arith.constant 1.000000e+04 : f32
    %div3A_55 = vector.broadcast %div3A_54 : f32 to vector<1x128xf32>
    %div3A_56 = arith.divf %broadcast_in_dim3A_53, %div3A_55 : vector<1x128xf32>
    %sub3A_57 = vector.broadcast %div3A_56 : vector<1x128xf32> to vector<10000x128xf32>
    %sub3A_58 = arith.subf %dot_general3A_50, %sub3A_57 : vector<10000x128xf32>
    %integer_pow3A_59 = arith.mulf %sub3A_58, %sub3A_58 : vector<10000x128xf32>
    %reduce_sum3A_60 = arith.constant dense<0.000000e+00> : vector<128xf32>
    %reduce_sum3A_61 = vector.multi_reduction <add>, %integer_pow3A_59, %reduce_sum3A_60 [0] : vector<10000x128xf32> to vector<128xf32>
    %broadcast_in_dim3A_62 = vector.shape_cast %reduce_sum3A_61 : vector<128xf32> to vector<1x128xf32>
    %div3A_63 = arith.constant 1.000000e+04 : f32
    %div3A_64 = vector.broadcast %div3A_63 : f32 to vector<1x128xf32>
    %div3A_65 = arith.divf %broadcast_in_dim3A_62, %div3A_64 : vector<1x128xf32>
    %sub3A_66 = vector.broadcast %div3A_56 : vector<1x128xf32> to vector<10000x128xf32>
    %sub3A_67 = arith.subf %dot_general3A_50, %sub3A_66 : vector<10000x128xf32>
    %add3A_68 = arith.constant 9.99999974E-6 : f32
    %add3A_69 = vector.broadcast %add3A_68 : f32 to vector<1x128xf32>
    %add3A_70 = arith.addf %div3A_65, %add3A_69 : vector<1x128xf32>
    %rsqrt3A_71 = math.rsqrt %add3A_70 : vector<1x128xf32>
    %mul3A_72 = vector.broadcast %rsqrt3A_71 : vector<1x128xf32> to vector<10000x128xf32>
    %mul3A_73 = arith.mulf %sub3A_67, %mul3A_72 : vector<10000x128xf32>
    %get3A_74 = arith.constant 0 : index
    %get3A_75 = arith.constant 0 : index
    %get3A_76 = vector.load %arg6[%get3A_74, %get3A_75] : memref<1x128xf32, #tpu.memory_space<vmem>>, vector<1x128xf32>
    %mul3A_77 = vector.broadcast %get3A_76 : vector<1x128xf32> to vector<10000x128xf32>
    %mul3A_78 = arith.mulf %mul3A_73, %mul3A_77 : vector<10000x128xf32>
    %get3A_79 = arith.constant 0 : index
    %get3A_80 = arith.constant 0 : index
    %get3A_81 = vector.load %arg7[%get3A_79, %get3A_80] : memref<1x128xf32, #tpu.memory_space<vmem>>, vector<1x128xf32>
    %add3A_82 = vector.broadcast %get3A_81 : vector<1x128xf32> to vector<10000x128xf32>
    %add3A_83 = arith.addf %mul3A_78, %add3A_82 : vector<10000x128xf32>
    %max3A_84 = arith.constant 0.000000e+00 : f32
    %max3A_85 = vector.broadcast %max3A_84 : f32 to vector<10000x128xf32>
    %max3A_86 = arith.maximumf %add3A_83, %max3A_85 : vector<10000x128xf32>
    %swap3A = arith.constant 0 : index
    %swap3A_87 = arith.constant 0 : index
    %swap3A_88 = vector.load %arg9[%swap3A, %swap3A_87] : memref<10000x128xf32, #tpu.memory_space<vmem>>, vector<10000x128xf32>
    tpu.vector_store %arg9[%swap3A, %swap3A_87], %max3A_86 {strides = array<i32>} : memref<10000x128xf32, #tpu.memory_space<vmem>>, vector<10000x128xf32>,
    %convert_element_type3A_89 = arith.truncf %max3A_86 : vector<10000x128xf32> to vector<10000x128xbf16>
    %swap3A_90 = arith.constant 0 : index
    %swap3A_91 = arith.constant 0 : index
    %swap3A_92 = vector.load %arg10[%swap3A_90, %swap3A_91] : memref<10000x128xbf16, #tpu.memory_space<vmem>>, vector<10000x128xbf16>
    tpu.vector_store %arg10[%swap3A_90, %swap3A_91], %convert_element_type3A_89 {strides = array<i32>} : memref<10000x128xbf16, #tpu.memory_space<vmem>>, vector<10000x128xbf16>,
    %get3A_93 = arith.constant 0 : index
    %get3A_94 = arith.constant 0 : index
    %get3A_95 = vector.load %arg8[%get3A_93, %get3A_94] : memref<10000x1xi32, #tpu.memory_space<vmem>>, vector<10000x1xi32>
    %iota3A = tpu.iota {dimensions = array<i32: 1>} : vector<1x16xi32>
    %eq3A = vector.broadcast %get3A_95 : vector<10000x1xi32> to vector<10000x16xi32>
    %eq3A_96 = vector.broadcast %iota3A : vector<1x16xi32> to vector<10000x16xi32>
    %eq3A_97 = arith.cmpi eq, %eq3A, %eq3A_96 : vector<10000x16xi32>
    %convert_element_type3A_98 = arith.extui %eq3A_97 : vector<10000x16xi1> to vector<10000x16xi32>
    %convert_element_type3A_99 = arith.sitofp %convert_element_type3A_98 : vector<10000x16xi32> to vector<10000x16xf32>
    %dot_general3A_100 = arith.constant dense<0.000000e+00> : vector<16x128xf32>
    %dot_general3A_101 = tpu.matmul %convert_element_type3A_99, %max3A_86, %dot_general3A_100 {dimension_numbers = #tpu.dot_dimension_numbers<[0], [0], [1], [1], [0, 1, 1, 1], [], []>, transpose_lhs_hint = false} : vector<10000x16xf32>, vector<10000x128xf32>, vector<16x128xf32> -> vector<16x128xf32>
    %swap3A_102 = arith.constant 0 : index
    %swap3A_103 = arith.constant 0 : index
    %swap3A_104 = vector.load %arg11[%swap3A_102, %swap3A_103] : memref<16x128xf32, #tpu.memory_space<vmem>>, vector<16x128xf32>
    tpu.vector_store %arg11[%swap3A_102, %swap3A_103], %dot_general3A_101 {strides = array<i32>} : memref<16x128xf32, #tpu.memory_space<vmem>>, vector<16x128xf32>,
    return
  }
}

module attributes {stable_mosaic.version = 14 : i64} {
  func.func @body(%arg0: memref<16x256xf32, #tpu.memory_space<vmem>>, %arg1: memref<16x256xf32, #tpu.memory_space<vmem>>, %arg2: memref<128x256xf32, #tpu.memory_space<vmem>>, %arg3: memref<1x128xf32, #tpu.memory_space<vmem>>, %arg4: memref<128x128xf32, #tpu.memory_space<vmem>>, %arg5: memref<1x128xf32, #tpu.memory_space<vmem>>, %arg6: memref<1x1xf32, #tpu.memory_space<vmem>>) attributes {dimension_semantics = [], scalar_prefetch = 0 : i64, scratch_operands = 0 : i64, tpu.core_type = #tpu.core_type<tc>} {
    %get3A = arith.constant 0 : index
    %get3A_0 = arith.constant 0 : index
    %get3A_1 = vector.load %arg0[%get3A, %get3A_0] : memref<16x256xf32, #tpu.memory_space<vmem>>, vector<16x256xf32>
    %get3A_2 = arith.constant 0 : index
    %get3A_3 = arith.constant 0 : index
    %get3A_4 = vector.load %arg2[%get3A_2, %get3A_3] : memref<128x256xf32, #tpu.memory_space<vmem>>, vector<128x256xf32>
    %dot_general3A = arith.constant dense<0.000000e+00> : vector<16x128xf32>
    %dot_general3A_5 = tpu.matmul %get3A_1, %get3A_4, %dot_general3A {dimension_numbers = #tpu.dot_dimension_numbers<[1], [1], [0], [0], [0, 0, 1, 0], [], []>, transpose_lhs_hint = false} : vector<16x256xf32>, vector<128x256xf32>, vector<16x128xf32> -> vector<16x128xf32>
    %get3A_6 = arith.constant 0 : index
    %get3A_7 = arith.constant 0 : index
    %get3A_8 = vector.load %arg3[%get3A_6, %get3A_7] : memref<1x128xf32, #tpu.memory_space<vmem>>, vector<1x128xf32>
    %add3A = vector.broadcast %get3A_8 : vector<1x128xf32> to vector<16x128xf32>
    %add3A_9 = arith.addf %dot_general3A_5, %add3A : vector<16x128xf32>
    %max3A = arith.constant 0.000000e+00 : f32
    %max3A_10 = vector.broadcast %max3A : f32 to vector<16x128xf32>
    %max3A_11 = arith.maximumf %add3A_9, %max3A_10 : vector<16x128xf32>
    %get3A_12 = arith.constant 0 : index
    %get3A_13 = arith.constant 0 : index
    %get3A_14 = vector.load %arg4[%get3A_12, %get3A_13] : memref<128x128xf32, #tpu.memory_space<vmem>>, vector<128x128xf32>
    %dot_general3A_15 = arith.constant dense<0.000000e+00> : vector<16x128xf32>
    %dot_general3A_16 = tpu.matmul %max3A_11, %get3A_14, %dot_general3A_15 {dimension_numbers = #tpu.dot_dimension_numbers<[1], [1], [0], [0], [0, 0, 1, 0], [], []>, transpose_lhs_hint = false} : vector<16x128xf32>, vector<128x128xf32>, vector<16x128xf32> -> vector<16x128xf32>
    %get3A_17 = arith.constant 0 : index
    %get3A_18 = arith.constant 0 : index
    %get3A_19 = vector.load %arg5[%get3A_17, %get3A_18] : memref<1x128xf32, #tpu.memory_space<vmem>>, vector<1x128xf32>
    %add3A_20 = vector.broadcast %get3A_19 : vector<1x128xf32> to vector<16x128xf32>
    %add3A_21 = arith.addf %dot_general3A_16, %add3A_20 : vector<16x128xf32>
    %get3A_22 = arith.constant 0 : index
    %get3A_23 = arith.constant 0 : index
    %get3A_24 = vector.load %arg1[%get3A_22, %get3A_23] : memref<16x256xf32, #tpu.memory_space<vmem>>, vector<16x256xf32>
    %get3A_25 = arith.constant 0 : index
    %get3A_26 = arith.constant 0 : index
    %get3A_27 = vector.load %arg2[%get3A_25, %get3A_26] : memref<128x256xf32, #tpu.memory_space<vmem>>, vector<128x256xf32>
    %dot_general3A_28 = arith.constant dense<0.000000e+00> : vector<16x128xf32>
    %dot_general3A_29 = tpu.matmul %get3A_24, %get3A_27, %dot_general3A_28 {dimension_numbers = #tpu.dot_dimension_numbers<[1], [1], [0], [0], [0, 0, 1, 0], [], []>, transpose_lhs_hint = false} : vector<16x256xf32>, vector<128x256xf32>, vector<16x128xf32> -> vector<16x128xf32>
    %get3A_30 = arith.constant 0 : index
    %get3A_31 = arith.constant 0 : index
    %get3A_32 = vector.load %arg3[%get3A_30, %get3A_31] : memref<1x128xf32, #tpu.memory_space<vmem>>, vector<1x128xf32>
    %add3A_33 = vector.broadcast %get3A_32 : vector<1x128xf32> to vector<16x128xf32>
    %add3A_34 = arith.addf %dot_general3A_29, %add3A_33 : vector<16x128xf32>
    %max3A_35 = arith.constant 0.000000e+00 : f32
    %max3A_36 = vector.broadcast %max3A_35 : f32 to vector<16x128xf32>
    %max3A_37 = arith.maximumf %add3A_34, %max3A_36 : vector<16x128xf32>
    %get3A_38 = arith.constant 0 : index
    %get3A_39 = arith.constant 0 : index
    %get3A_40 = vector.load %arg4[%get3A_38, %get3A_39] : memref<128x128xf32, #tpu.memory_space<vmem>>, vector<128x128xf32>
    %dot_general3A_41 = arith.constant dense<0.000000e+00> : vector<16x128xf32>
    %dot_general3A_42 = tpu.matmul %max3A_37, %get3A_40, %dot_general3A_41 {dimension_numbers = #tpu.dot_dimension_numbers<[1], [1], [0], [0], [0, 0, 1, 0], [], []>, transpose_lhs_hint = false} : vector<16x128xf32>, vector<128x128xf32>, vector<16x128xf32> -> vector<16x128xf32>
    %get3A_43 = arith.constant 0 : index
    %get3A_44 = arith.constant 0 : index
    %get3A_45 = vector.load %arg5[%get3A_43, %get3A_44] : memref<1x128xf32, #tpu.memory_space<vmem>>, vector<1x128xf32>
    %add3A_46 = vector.broadcast %get3A_45 : vector<1x128xf32> to vector<16x128xf32>
    %add3A_47 = arith.addf %dot_general3A_42, %add3A_46 : vector<16x128xf32>
    %mul3A = arith.mulf %add3A_21, %add3A_21 : vector<16x128xf32>
    %reduce_sum3A = arith.constant dense<0.000000e+00> : vector<16xf32>
    %reduce_sum3A_48 = vector.multi_reduction <add>, %mul3A, %reduce_sum3A [1] : vector<16x128xf32> to vector<16xf32>
    %broadcast_in_dim3A = vector.shape_cast %reduce_sum3A_48 : vector<16xf32> to vector<16x1xf32>
    %sqrt3A = math.sqrt %broadcast_in_dim3A : vector<16x1xf32>
    %mul3A_49 = arith.mulf %add3A_47, %add3A_47 : vector<16x128xf32>
    %reduce_sum3A_50 = arith.constant dense<0.000000e+00> : vector<16xf32>
    %reduce_sum3A_51 = vector.multi_reduction <add>, %mul3A_49, %reduce_sum3A_50 [1] : vector<16x128xf32> to vector<16xf32>
    %broadcast_in_dim3A_52 = vector.shape_cast %reduce_sum3A_51 : vector<16xf32> to vector<16x1xf32>
    %sqrt3A_53 = math.sqrt %broadcast_in_dim3A_52 : vector<16x1xf32>
    %dot_general3A_54 = arith.constant dense<0.000000e+00> : vector<16x16xf32>
    %dot_general3A_55 = tpu.matmul %sqrt3A, %sqrt3A_53, %dot_general3A_54 {dimension_numbers = #tpu.dot_dimension_numbers<[1], [1], [0], [0], [0, 0, 1, 0], [], []>, transpose_lhs_hint = false} : vector<16x1xf32>, vector<16x1xf32>, vector<16x16xf32> -> vector<16x16xf32>
    %dot_general3A_56 = arith.constant dense<0.000000e+00> : vector<16x16xf32>
    %dot_general3A_57 = tpu.matmul %add3A_21, %add3A_47, %dot_general3A_56 {dimension_numbers = #tpu.dot_dimension_numbers<[1], [1], [0], [0], [0, 0, 1, 0], [], []>, transpose_lhs_hint = false} : vector<16x128xf32>, vector<16x128xf32>, vector<16x16xf32> -> vector<16x16xf32>
    %div3A = arith.divf %dot_general3A_57, %dot_general3A_55 : vector<16x16xf32>
    %div3A_58 = arith.constant 2.000000e-01 : f32
    %div3A_59 = vector.broadcast %div3A_58 : f32 to vector<16x16xf32>
    %div3A_60 = arith.divf %div3A, %div3A_59 : vector<16x16xf32>
    %exp3A = math.exp %div3A_60 : vector<16x16xf32>
    %iota3A = tpu.iota {dimensions = array<i32: 0>} : vector<16x16xi32>
    %iota3A_61 = tpu.iota {dimensions = array<i32: 1>} : vector<16x16xi32>
    %eq3A = arith.cmpi eq, %iota3A, %iota3A_61 : vector<16x16xi32>
    %convert_element_type3A = arith.extui %eq3A : vector<16x16xi1> to vector<16x16xi32>
    %convert_element_type3A_62 = arith.sitofp %convert_element_type3A : vector<16x16xi32> to vector<16x16xf32>
    %mul3A_63 = arith.mulf %exp3A, %convert_element_type3A_62 : vector<16x16xf32>
    %reduce_sum3A_64 = arith.constant dense<0.000000e+00> : vector<16xf32>
    %reduce_sum3A_65 = vector.multi_reduction <add>, %mul3A_63, %reduce_sum3A_64 [1] : vector<16x16xf32> to vector<16xf32>
    %broadcast_in_dim3A_66 = vector.shape_cast %reduce_sum3A_65 : vector<16xf32> to vector<16x1xf32>
    %reduce_sum3A_67 = arith.constant dense<0.000000e+00> : vector<16xf32>
    %reduce_sum3A_68 = vector.multi_reduction <add>, %exp3A, %reduce_sum3A_67 [1] : vector<16x16xf32> to vector<16xf32>
    %broadcast_in_dim3A_69 = vector.shape_cast %reduce_sum3A_68 : vector<16xf32> to vector<16x1xf32>
    %sub3A = arith.subf %broadcast_in_dim3A_69, %broadcast_in_dim3A_66 : vector<16x1xf32>
    %div3A_70 = arith.divf %broadcast_in_dim3A_66, %sub3A : vector<16x1xf32>
    %log3A = math.log %div3A_70 : vector<16x1xf32>
    %reduce_sum3A_71 = vector.shape_cast %log3A : vector<16x1xf32> to vector<1x16x1xf32>
    %reduce_sum3A_72 = arith.constant dense<0.000000e+00> : vector<1xf32>
    %reduce_sum3A_73 = vector.multi_reduction <add>, %reduce_sum3A_71, %reduce_sum3A_72 [1, 2] : vector<1x16x1xf32> to vector<1xf32>
    %reduce_sum3A_74 = vector.shape_cast %reduce_sum3A_73 : vector<1xf32> to vector<1x1x1xf32>
    %reduce_sum3A_75 = vector.extract %reduce_sum3A_74[0, 0, 0] : f32 from vector<1x1x1xf32>
    %div3A_76 = arith.constant 1.600000e+01 : f32
    %div3A_77 = arith.divf %reduce_sum3A_75, %div3A_76 : f32
    %neg3A = arith.constant 0.000000e+00 : f32
    %neg3A_78 = arith.subf %neg3A, %div3A_77 : f32
    %broadcast_in_dim3A_79 = arith.constant 1.000000e+00 : f32
    %broadcast_in_dim3A_80 = vector.broadcast %broadcast_in_dim3A_79 : f32 to vector<1x1xf32>
    %mul3A_81 = vector.broadcast %neg3A_78 : f32 to vector<1x1xf32>
    %mul3A_82 = arith.mulf %mul3A_81, %broadcast_in_dim3A_80 : vector<1x1xf32>
    %swap3A = arith.constant 0 : index
    %swap3A_83 = arith.constant 0 : index
    %swap3A_84 = vector.load %arg6[%swap3A, %swap3A_83] : memref<1x1xf32, #tpu.memory_space<vmem>>, vector<1x1xf32>
    tpu.vector_store %arg6[%swap3A, %swap3A_83], %mul3A_82 {strides = array<i32>} : memref<1x1xf32, #tpu.memory_space<vmem>>, vector<1x1xf32>,
    return
  }
}

</mosaic_0001>

<sc_bundles>
// kernel: kernel.14.cloned.1.call-start
scs
__scs_entry_jumppad:
0x0: {  	(pc) =	sbr.rel $0x88, $3  }
0x1: {  	(tag) =	ssettag $0x0;
	lr =	simm.s32 $0x1  }
0x2: {  	[smem:$0x3F80] =	sst lr;
	_ =	strace $0xD0000000  }
0x3: {  	_ = 	snop  }
0x4: {  	_ = 	snop  }
0x5: {  	_ = 	snop  }
0x6: {  	_ = 	snop  }
0x7: {  	_ = 	snop  }
__scs_overlays_trampoline_lowered:
0x8: {  	[smem:$0x3F8F] =	sst s0  }
0x9: {  	[smem:$0x3F90] =	sst s1  }
0xa: {  	[smem:$0x3F91] =	sst s2  }
0xb: {  	[smem:$0x3F92] =	sst s3  }
0xc: {  	[smem:$0x3F93] =	sst s4  }
0xd: {  	[smem:$0x3F94] =	sst s5  }
0xe: {  	[smem:$0x3F95] =	sst s6  }
0xf: {  	[smem:$0x3F96] =	sst s7  }
0x10: {  	[smem:$0x3F97] =	sst s8  }
0x11: {  	[smem:$0x3F98] =	sst s9;
	s0 =	simm.s32 @!p0 $0x0  }
0x12: {  	s1 =	sld [smem:$0x3F7E];
	s0 =	simm.s32 @p0 $0x1  }
0x13: {  	[smem:$0x3F99] =	sst s0;
	s0 =	simm.s32 @!p1 $0x0  }
0x14: {  	s2 =	sld [smem:$0x3F7D];
	s0 =	simm.s32 @p1 $0x1  }
0x15: {  	[smem:$0x3F9A] =	sst s0;
	s0 =	simm.s32 @!p2 $0x0  }
0x16: {  	s3 =	sld [smem:$0x3FDB];
	s0 =	simm.s32 @p2 $0x1  }
0x17: {  	s4 =	simm.s32 $0x1BF5;
	[smem:$0x3F9C] =	sst s0  }
0x18: {  	s0 =	sld [smem:$0x3F7F];
	_ =	swait.ge [sflag:s4], $0x0  }
0x19: {  	s7 =	sld [smem:$0x3F80]  }
0x1a: {  	s8 =	sadd.s32 $0xFFFFE003, lr  }
0x1b: {  	s9 =	sadd.s32 $0xFFFFFEF7, lr;
	s5 =	simm.s32 $0xFFFFFFFF;
	p2 =	slt.u32 s8, $0xFFFFF086  }
0x1c: {  	p1 =	slt.u32 s9, $0xF7A;
	s5 =	simm.s32 @!p2 $0x0  }
0x1d: {  	s5 =	simm.s32 @p1 $0x1;
	p0 =	seq.s32 s7, s2  }
0x1e: {  	s7 =	smul.u32 @!p0 $0xF7A, s2;
	p2 =	seq.s32 @!p0 s5, $0x0  }
0x1f: {  	s9 =	smul.u32 $0xF7A, s1;
	s8 =	simm.s32 @!p0 $0x1BF5;
	p2 =	por !p2, p0  }
0x20: {  	[sflag:s8] =	ssyncset.s32 @!p0 $0xFFFFF086;
	s6 =	sadd.s32 @!p0 s3, s7;
	s7 =	simm.s32 @!p0 $0x108  }
0x21: {  	s3 =	sadd.s32 s3, s9;
	s6 =	sadd.s32 @!p0 $0x88, s6;
	s7 =	simm.s32 @p2 $0x1082  }
0x22: {  	[simem:s7], [sflag:s8] =	dma.local @!p0 [hbm:s6], $0xF7A  }
0x23: {  	s9 =	sor.u32 $0xD0000000, s2;
	s6 =	simm.s32 $0x108;
	_ =	swait.ge @!p0 [sflag:s8], $0x0  }
0x24: {  	s3 =	sadd.s32 $0x88, s3;
	s6 =	simm.s32 @!p1 $0x1082;
	[sflag:s4] =	ssyncset.s32 $0xFFFFF086  }
0x25: {  	[simem:s6], [sflag:s4] =	dma.local [hbm:s3], $0xF7A  }
0x26: {  	[smem:$0x3F80] =	sst s1;
	(tag) =	ssettag s2;
	_ =	strace s9  }
0x27: {  	s1 =	sld [smem:$0x3F90]  }
0x28: {  	s2 =	sld [smem:$0x3F91]  }
0x29: {  	s4 =	sld [smem:$0x3F93]  }
0x2a: {  	p0 =	seq.s32 s5, $0x0;
	s5 =	sld [smem:$0x3F94]  }
0x2b: {  	s6 =	sld [smem:$0x3F95]  }
0x2c: {  	s7 =	sld [smem:$0x3F96]  }
0x2d: {  	s3 =	simm.s32 $0x108;
	s8 =	sld [smem:$0x3F97]  }
0x2e: {  	s3 =	simm.s32 @!p0 $0x1082;
	s9 =	sld [smem:$0x3F98]  }
0x2f: {  	lr =	sadd.s32 s0, s3;
	s0 =	sld [smem:$0x3F8F]  }
0x30: {  	s3 =	sld [smem:$0x3F92]  }
0x31: {  	[smem:$0x3F9B] =	sst s10  }
0x32: {  	s10 =	sld [smem:$0x3F99];
	_ =	sdelay $0x3  }
0x33: {  	p0 =	seq.s32 s10, $0x1;
	s10 =	sld [smem:$0x3F9B];
	_ =	sdelay $0x3  }
0x34: {  	[smem:$0x3F9B] =	sst s10  }
0x35: {  	s10 =	sld [smem:$0x3F9A];
	_ =	sdelay $0x3  }
0x36: {  	p1 =	seq.s32 s10, $0x1;
	s10 =	sld [smem:$0x3F9B];
	_ =	sdelay $0x3  }
0x37: {  	[smem:$0x3F9B] =	sst s10  }
0x38: {  	s10 =	sld [smem:$0x3F9C]  }
0x39: {  	_ = 	snop;
	(pc) =	sbr.ind lr, $3  }
0x3a: {  	_ = 	snop  }
0x3b: {  	_ = 	snop  }
0x3c: {  	p2 =	seq.s32 s10, $0x1;
	s10 =	sld [smem:$0x3F9B]  }
0x3d: {  	_ =	shalt  }
0x3e: {  	_ =	shalt  }
0x3f: {  	_ =	shalt  }
0x40: {  	_ =	shalt  }
0x41: {  	_ =	shalt  }
0x42: {  	_ =	shalt  }
0x43: {  	_ =	shalt  }
0x44: {  	_ =	shalt  }
0x45: {  	_ =	shalt  }
0x46: {  	_ =	shalt  }
0x47: {  	_ =	shalt  }
0x48: {  	_ =	shalt  }
0x49: {  	_ =	shalt  }
0x4a: {  	_ =	shalt  }
0x4b: {  	_ =	shalt  }
0x4c: {  	_ =	shalt  }
0x4d: {  	_ =	shalt  }
0x4e: {  	_ =	shalt  }
0x4f: {  	_ =	shalt  }
0x50: {  	_ =	shalt  }
0x51: {  	_ =	shalt  }
0x52: {  	_ =	shalt  }
0x53: {  	_ =	shalt  }
0x54: {  	_ =	shalt  }
0x55: {  	_ =	shalt  }
0x56: {  	_ =	shalt  }
0x57: {  	_ =	shalt  }
0x58: {  	_ =	shalt  }
0x59: {  	_ =	shalt  }
0x5a: {  	_ =	shalt  }
0x5b: {  	_ =	shalt  }
0x5c: {  	_ =	shalt  }
0x5d: {  	_ =	shalt  }
0x5e: {  	_ =	shalt  }
0x5f: {  	_ =	shalt  }
0x60: {  	_ =	shalt  }
0x61: {  	_ =	shalt  }
0x62: {  	_ =	shalt  }
0x63: {  	_ =	shalt  }
0x64: {  	_ =	shalt  }
0x65: {  	_ =	shalt  }
0x66: {  	_ =	shalt  }
0x67: {  	_ =	shalt  }
0x68: {  	_ =	shalt  }
0x69: {  	_ =	shalt  }
0x6a: {  	_ =	shalt  }
0x6b: {  	_ =	shalt  }
0x6c: {  	_ =	shalt  }
0x6d: {  	_ =	shalt  }
0x6e: {  	_ =	shalt  }
0x6f: {  	_ =	shalt  }
0x70: {  	_ =	shalt  }
0x71: {  	_ =	shalt  }
0x72: {  	_ =	shalt  }
0x73: {  	_ =	shalt  }
0x74: {  	_ =	shalt  }
0x75: {  	_ =	shalt  }
0x76: {  	_ =	shalt  }
0x77: {  	_ =	shalt  }
0x78: {  	_ =	shalt  }
0x79: {  	_ =	shalt  }
0x7a: {  	_ =	shalt  }
0x7b: {  	_ =	shalt  }
0x7c: {  	_ =	shalt  }
0x7d: {  	_ =	shalt  }
0x7e: {  	_ =	shalt  }
0x7f: {  	_ =	shalt  }
0x80: {  	_ =	shalt  }
0x81: {  	_ =	shalt  }
0x82: {  	_ =	shalt  }
0x83: {  	_ =	shalt  }
0x84: {  	_ =	shalt  }
0x85: {  	_ =	shalt  }
0x86: {  	_ =	shalt  }
0x87: {  	_ =	shalt  }
.Lfunc_end0:
.L_simem_size_0:
called_computation_lowered:
.L_overlay_start_0:
0x88: {  	s2 =	sld [smem:$0x3FD9]  }
0x89: {  	s3 =	sld [smem:$0x3FFE];
	_ =	sdelay $0x1  }
0x8a: {  	s1 =	srdreg.scid  }
0x8b: {  	s0 =	sand.u32 $0x1, s1  }
0x8c: {  	s17 =	sshll.u32 s0, $0xA;
	s2 =	sadd.s32 s3, s2  }
0x8d: {  	s2 =	sadd.s32 s2, s17  }
0x8e: {  	[smem:$0x3FA7] =	sst s2  }
0x8f: {  	_ = 	snop  }
0x90: {  	s2 =	sld [smem:$0x3FC9]  }
0x91: {  	s18 =	sld [smem:$0x3FC6]  }
0x92: {  	s4 =	sld [smem:$0x3FA9];
	(tm) =	ssettm $0x1  }
0x93: {  	s5 =	sld [smem:$0x3FFB];
	_ =	sdelay $0x3  }
0x94: {  	_ =	strace s5  }
0x95: {  	s5 =	sld [smem:$0x3FFC];
	_ =	sdelay $0x3  }
0x96: {  	_ =	strace s5  }
0x97: {  	s5 =	sld [smem:$0x3FFD];
	_ =	sdelay $0x3  }
0x98: {  	_ =	strace s5  }
0x99: {  	_ =	strace $0x8FFFFFFF  }
0x9a: {  	s19 =	sld [smem:$0x3FDB];
	_ =	sdelay $0x1  }
0x9b: {  	s6 =	simm.s32 $_scs_section_size  }
0x9c: {  	s7 =	simm.s32 $_size__tile_overlayer_lowered;
	s8 =	simm.s32 $_tile_overlayer_lowered  }
0x9d: {  	s22 =	simm.s32 $0x1BFF;
	s21 =	sshll.u32 s8, $0x1;
	s5 =	sadd.s32 s6, s19  }
0x9e: {  	s9 =	simm.s32 $0x0;
	s20 =	sshll.u32 s7, $0x1;
	s7 =	sadd.s32 s21, s5  }
0x9f: {  	[timem:s9], [sflag:s22] =	dma.local [hbm:s7], s20  }
0xa0: {  	_ =	swait.ge [sflag:s22], s20  }
0xa1: {  	s6 =	ssub.s32 $0x0, s20;
	[sflag:s22] =	ssyncset.done $0x0  }
0xa2: {  	[sflag:s22] =	ssyncadd.s32 s6;
	_ =	sdelay $0x1  }
0xa3: {  	s23 =	simm.s32 $0x1B8B  }
0xa4: {  	_ =	swait.ge [sflag:s23], $0x1  }
0xa5: {  	[sflag:s23] =	ssyncset.done $0x0  }
0xa6: {  	s25 =	simm.s32 $0x1B8E;
	s24 =	sld [smem:$0x3FFE];
	[sflag:s23] =	ssyncadd.s32 $0xFFFFFFFF  }
0xa7: {  	s26 =	simm.s32 $execute0_lowered;
	[smem:$0x3FD2] =	sst s25  }
0xa8: {  	s7 =	sshll.u32 s26, $0x1;
	_ =	strace $0x80000046;
	[dreg:$0x1] =	wrdreg $0xFFFFFFFF  }
0xa9: {  	s28 =	simm.s32 $_size_execute0_lowered;
	s5 =	sadd.s32 s5, s7;
	[dreg:$0x0] =	wrdreg $0x0  }
0xaa: {  	s7 =	sshll.u32 s28, $0x1;
	[dreg:$0x2] =	wrdreg s5  }
0xab: {  	[dreg:$0x3] =	wrdreg s7  }
0xac: {  	[dreg:$0x4] =	wrdreg $0xC0  }
0xad: {  	_ =	task [dreg:s9], $0x5FFFF  }
0xae: {  	[dreg:$0x1] =	wrdreg $0xFFFFFFFF  }
0xaf: {  	[dreg:$0x0] =	wrdreg $0x60  }
0xb0: {  	[dreg:$0x2] =	wrdreg s2  }
0xb1: {  	[dreg:$0x3] =	wrdreg s18  }
0xb2: {  	[dreg:$0x4] =	wrdreg s4  }
0xb3: {  	[dreg:$0x5] =	wrdreg s24  }
0xb4: {  	[dreg:$0x6] =	wrdreg $0x9  }
0xb5: {  	_ =	task.clear_ibuf [dreg:s9], $0x7FFFF;
	_ =	strace $0x90000046  }
0xb6: {  	s29 =	simm.s32 $0x9;
	_ =	strace $0x80000048  }
0xb7: {  	_ =	swait.ge [sflag:s29], $0x1  }
0xb8: {  	[sflag:s29] =	ssyncadd.s32 $0xFFFFFFFF  }
0xb9: {  	_ =	strace $0x90000048  }
0xba: {  	_ =	sfence  }
0xbb: {  	s30 =	sld [smem:$0x0];
	_ =	sdelay $0x2  }
0xbc: {  	s31 =	sshll.u32 s1, $0xD;
	s1 =	sshrl.u32 s1, $0x2  }
0xbd: {  	s3 =	sand.u32 $0x4000, s31;
	s1 =	sadd.s32 s1, s30  }
0xbe: {  	s0 =	sor.u32 s3, s0;
	s1 =	sshll.u32 s1, $0x11  }
0xbf: {  	s0 =	sor.u32 s1, s0  }
0xc0: {  	s0 =	sadd.s32 $0x8F2B, s0  }
0xc1: {  	[sflag:s0] =	ssyncadd.remote.s32 $0x1  }
0xc2: {  	_ =	sfence.sel $0xFFFF  }
0xc3: {  	[dreg:$0x0] =	wrdreg $0xFFFFFFFF;
	(pc) =	sbr.abs _section_cstart, $3  }
0xc4: {  	[dreg:$0x1] =	wrdreg $0xFFFFFFFF  }
0xc5: {  	_ =	task.clear_ibuf [dreg:s9], $0x2FFFF;
	_ =	strace $0x9FFFFFFF  }
0xc6: {  	(tm) =	ssettm $0x7FFFFFFF  }
0xc7: {  	_ =	shalt  }
tec
execute0_lowered:
.L_overlay_start_1:
0x0: {  	(tag) =	ssettag $0x1  }
0x1: {  	s11 =	rddreg [dreg:$0x0]  }
0x2: {  	s15 =	rddreg [dreg:$0x1]  }
0x3: {  	s1 =	rddreg [dreg:$0x2]  }
0x4: {  	s4 =	rddreg [dreg:$0x3]  }
0x5: {  	s0 =	rddreg [dreg:$0x4]  }
0x6: {  	s3 =	simm.s32 $0x0;
	s5 =	srdreg.scid;
	s2 =	stileid.u32  }
0x7: {  	s19 =	simm.s32 $0xA400;
	s20 =	simm.s32 $0x80;
	s21 =	simm.s32 $0x6400  }
0x8: {  	s22 =	simm.s32 $0x0;
	[smem:$0x7FF] =	sst s3;
	s17 =	sand.u32 $0x1, s5  }
0x9: {  	s6 =	smul.u32 $0xC80, s2;
	s14 =	sor.u32 $0x10, s2;
	s4 =	sadd.s32 $0x5600, s4  }
0xa: {  	s12 =	sor.u32 $0x20, s2;
	s9 =	smul.u32 $0x6400, s2;
	s31 =	sshll.u32 s2, $0x4  }
0xb: {  	p1 =	sgt.u32 s2, $0x1;
	p2 =	sgt.u32 s2, $0x7;
	s8 =	smul.u32 $0xC80, s14  }
0xc: {  	_ =	strace $0x80000047;
	s5 =	ssub.s32 $0x2, s17;
	s10 =	smul.u32 $0xC80, s12  }
0xd: {  	s18 =	sshll.u32 s12, $0x7;
	s14 =	sshll.u32 s14, $0x4;
	p0 =	sne.s32 s17, $0x0  }
0xe: {  	s17 =	simm.s32 $0x1;
	s7 =	sshrl.u32 s5, $0x1;
	s13 =	sshrl.u32 s9, $0x3  }
0xf: {  	s18 =	smin.u32 s18, $0x1308;
	s14 =	sadd.s32 s15, s14;
	s16 =	ssub.s32 s5, s7  }
.Ltmp0:
0x10: {  	s5 =	sadd.s32 s11, s6;
	s6 =	sadd.s32 s4, s6;
	(pc) =	sbr.rel .LBB2_1-.Ltmp0, $4  }
0x11: {  	s7 =	sadd.s32 s11, s8;
	s8 =	sadd.s32 s4, s8;
	s9 =	sadd.s32 s11, s10  }
0x12: {  	s13 =	sadd.s32 $0x25800, s13;
	s10 =	sadd.s32 s4, s10;
	s18 =	sshrl.u32 s18, $0x3  }
0x13: {  	s11 =	sadd.s32 s11, s13;
	s12 =	sadd.s32 s4, s13;
	s13 =	sadd.s32 s15, s31  }
0x14: {  	s15 =	sadd.s32 s15, s18;
	s16 =	smax.u32 s16, $0x1;
	s18 =	simm.s32 $0xA480  }
.LBB2_7:
0x15: {  	[bflag:$0x0] =	sbarrier.arrive $0xFFFF  }
.LBB2_5:
0x16: {  	s22 =	sadd.s32 $0x1, s22  }
0x17: {  	p3 =	sne.s32 s22, s16  }
.Ltmp1:
0x18: {  	_ = 	snop;
	(pc) =	sbr.rel @!p3 .LBB2_6-.Ltmp1, $1  }
0x19: {  	_ =	sdelay $0x3  }
.LBB2_1:
.Ltmp2:
0x1a: {  	(pc) =	sbr.rel @p0 .LBB2_7-.Ltmp2, $1  }
0x1b: {  	_ =	sdelay $0x3  }
0x1c: {  	[tilespmem:s3], [sflag:$0x1] =	stream.linear.gather [hbm4b:s5+s3], $0x6400, $0x38;
	[tilespmem:$0xA500] =	vst v63  }
0x1d: {  	_ =	swait.ge [sflag:s17], $0x6400  }
0x1e: {  	[sflag:s17] =	ssyncset.done $0x0  }
0x1f: {  	[sflag:s17] =	ssyncadd.s32 $0xFFFF9C00  }
0x20: {  	[hbm4b:s6+s3] =	stream.linear.scatter [tilespmem:s3], [sflag:$0x1], $0x6400, $0x38;
	[tilespmem:$0xA500] =	vst v63  }
0x21: {  	_ =	swait.ge [sflag:s17], $0x6400  }
0x22: {  	[sflag:s17] =	ssyncset.done $0x0  }
0x23: {  	[sflag:s17] =	ssyncadd.s32 $0xFFFF9C00  }
0x24: {  	[tilespmem:s3], [sflag:$0x1] =	stream.linear.gather [hbm4b:s7+s3], $0x6400, $0x38;
	[tilespmem:$0xA500] =	vst v63  }
0x25: {  	_ =	swait.ge [sflag:s17], $0x6400  }
0x26: {  	[sflag:s17] =	ssyncset.done $0x0  }
0x27: {  	[sflag:s17] =	ssyncadd.s32 $0xFFFF9C00  }
0x28: {  	[hbm4b:s8+s3] =	stream.linear.scatter [tilespmem:s3], [sflag:$0x1], $0x6400, $0x38;
	[tilespmem:$0xA500] =	vst v63  }
0x29: {  	_ =	swait.ge [sflag:s17], $0x6400  }
0x2a: {  	[sflag:s17] =	ssyncset.done $0x0  }
0x2b: {  	[sflag:s17] =	ssyncadd.s32 $0xFFFF9C00  }
0x2c: {  	[tilespmem:s3], [sflag:$0x1] =	stream.linear.gather [hbm4b:s9+s3], $0x6400, $0x38;
	[tilespmem:$0xA500] =	vst v63  }
0x2d: {  	_ =	swait.ge [sflag:s17], $0x6400  }
0x2e: {  	[sflag:s17] =	ssyncset.done $0x0  }
0x2f: {  	[sflag:s17] =	ssyncadd.s32 $0xFFFF9C00  }
0x30: {  	[hbm4b:s10+s3] =	stream.linear.scatter [tilespmem:s3], [sflag:$0x1], $0x6400, $0x38;
	[tilespmem:$0xA500] =	vst v63  }
0x31: {  	_ =	swait.ge [sflag:s17], $0x6400  }
0x32: {  	[sflag:s17] =	ssyncset.done $0x0  }
0x33: {  	s23 =	simm.s32 @!p1 $0x0;
	s24 =	simm.s32 @!p1 $0x1;
	[sflag:s17] =	ssyncadd.s32 $0xFFFF9C00  }
0x34: {  	[tilespmem:s23], [sflag:$0x1] =	stream.linear.gather @!p1 [hbm4b:s11+s23], $0x6400, $0x38;
	[tilespmem:$0xA500] =	vst v63  }
0x35: {  	_ =	swait.ge @!p1 [sflag:s24], $0x6400  }
0x36: {  	[sflag:s24] =	ssyncset.done @!p1 $0x0  }
0x37: {  	[sflag:s24] =	ssyncadd.s32 @!p1 $0xFFFF9C00  }
0x38: {  	[hbm4b:s12+s23] =	stream.linear.scatter @!p1 [tilespmem:s23], [sflag:$0x1], $0x6400, $0x38;
	[tilespmem:$0xA500] =	vst v63  }
0x39: {  	_ =	swait.ge @!p1 [sflag:s24], $0x6400  }
0x3a: {  	[sflag:s24] =	ssyncset.done @!p1 $0x0  }
0x3b: {  	[sflag:s24] =	ssyncadd.s32 @!p1 $0xFFFF9C00  }
0x3c: {  	s23 =	simm.s32 $0x0;
	[bflag:$0x0] =	sbarrier.arrive $0xFFFF  }
0x3d: {  	[tilespmem:s18], [sflag:$0x1] =	stream.linear.gather [hbm4b:s1+s23], $0x80, $0x38;
	[tilespmem:$0xA500] =	vst v63  }
0x3e: {  	_ =	swait.ge [sflag:s17], $0x80  }
0x3f: {  	[sflag:s17] =	ssyncset.done $0x0  }
0x40: {  	[sflag:s17] =	ssyncadd.s32 $0xFFFFFF80  }
0x41: {  	s24 =	simm.s32 $0x200;
	v0 =	vld [tilespmem:$0xA480]  }
.LBB2_3:
0x42: {  	p3 =	sne.s32 s24, $0xFE00;
	_ =	sdelay $0x2  }
0x43: {  	s25 =	sshra.s32 s23, $0x2;
	s23 =	smov.u32 s24  }
0x44: {  	[tilespmem:s25+$0x6400] =	vst v0  }
0x45: {  	v0 =	vld [tilespmem:$0xA490];
	_ =	sdelay $0x4  }
0x46: {  	[tilespmem:s25+$0x6410] =	vst v0  }
0x47: {  	v0 =	vld [tilespmem:$0xA4A0];
	_ =	sdelay $0x4  }
0x48: {  	[tilespmem:s25+$0x6420] =	vst v0  }
0x49: {  	v0 =	vld [tilespmem:$0xA4B0];
	_ =	sdelay $0x4  }
0x4a: {  	[tilespmem:s25+$0x6430] =	vst v0  }
0x4b: {  	v0 =	vld [tilespmem:$0xA4C0];
	_ =	sdelay $0x4  }
0x4c: {  	[tilespmem:s25+$0x6440] =	vst v0  }
0x4d: {  	v0 =	vld [tilespmem:$0xA4D0];
	_ =	sdelay $0x4  }
0x4e: {  	[tilespmem:s25+$0x6450] =	vst v0  }
0x4f: {  	v0 =	vld [tilespmem:$0xA4E0];
	_ =	sdelay $0x4  }
0x50: {  	[tilespmem:s25+$0x6460] =	vst v0  }
0x51: {  	v0 =	vld [tilespmem:$0xA4F0];
	_ =	sdelay $0x1  }
.Ltmp3:
0x52: {  	(pc) =	sbr.rel @p3 .LBB2_3-.Ltmp3, $3  }
0x53: {  	_ =	sdelay $0x1  }
0x54: {  	[tilespmem:s25+$0x6470] =	vst v0  }
0x55: {  	s24 =	sadd.s32 $0x200, s24;
	v0 =	vld [tilespmem:$0xA480]  }
0x56: {  	_ =	sdelay $0x2  }
0x57: {  	s23 =	sshra.s32 s23, $0x2  }
0x58: {  	[tilespmem:s23+$0x6400] =	vst v0  }
0x59: {  	v0 =	vld [tilespmem:$0xA490];
	_ =	sdelay $0x4  }
0x5a: {  	[tilespmem:s23+$0x6410] =	vst v0  }
0x5b: {  	v0 =	vld [tilespmem:$0xA4A0];
	_ =	sdelay $0x4  }
0x5c: {  	[tilespmem:s23+$0x6420] =	vst v0  }
0x5d: {  	v0 =	vld [tilespmem:$0xA4B0];
	_ =	sdelay $0x4  }
0x5e: {  	[tilespmem:s23+$0x6430] =	vst v0  }
0x5f: {  	v0 =	vld [tilespmem:$0xA4C0];
	_ =	sdelay $0x4  }
0x60: {  	[tilespmem:s23+$0x6440] =	vst v0  }
0x61: {  	v0 =	vld [tilespmem:$0xA4D0];
	_ =	sdelay $0x4  }
0x62: {  	[tilespmem:s23+$0x6450] =	vst v0  }
0x63: {  	v0 =	vld [tilespmem:$0xA4E0];
	_ =	sdelay $0x4  }
0x64: {  	[tilespmem:s23+$0x6460] =	vst v0  }
0x65: {  	v0 =	vld [tilespmem:$0xA4F0];
	_ =	sdelay $0x4  }
0x66: {  	[tilespmem:s23+$0x6470] =	vst v0  }
0x67: {  	[tilespmem:s19], [sflag:$0x1] =	stream.linear.gather [hbm4b:s13+s3], $0x80, $0x38;
	[tilespmem:$0xA500] =	vst v63  }
0x68: {  	_ =	swait.ge [sflag:s17], $0x80  }
0x69: {  	[sflag:s17] =	ssyncset.done $0x0  }
0x6a: {  	[sflag:s17] =	ssyncadd.s32 $0xFFFFFF80  }
0x6b: {  	[hbm4b:s4+s20] =	stream.indirect.scatter [tilespmem:s21], [sflag:$0x1], $0x80, s19, s20, $0xb8;
	[tilespmem:$0xA500] =	vst v63  }
0x6c: {  	_ =	swait.ge [sflag:s17], $0x4000  }
0x6d: {  	[sflag:s17] =	ssyncset.done $0x0  }
0x6e: {  	[sflag:s17] =	ssyncadd.s32 $0xFFFFC000  }
0x6f: {  	[tilespmem:s19], [sflag:$0x1] =	stream.linear.gather [hbm4b:s14+s3], $0x80, $0x38;
	[tilespmem:$0xA500] =	vst v63  }
0x70: {  	_ =	swait.ge [sflag:s17], $0x80  }
0x71: {  	[sflag:s17] =	ssyncset.done $0x0  }
0x72: {  	[sflag:s17] =	ssyncadd.s32 $0xFFFFFF80  }
0x73: {  	[hbm4b:s4+s20] =	stream.indirect.scatter [tilespmem:s21], [sflag:$0x1], $0x80, s19, s20, $0xb8;
	[tilespmem:$0xA500] =	vst v63  }
0x74: {  	_ =	swait.ge [sflag:s17], $0x4000  }
0x75: {  	[sflag:s17] =	ssyncset.done $0x0  }
0x76: {  	s24 =	simm.s32 @!p2 $0xA400;
	s23 =	simm.s32 @!p2 $0x0;
	[sflag:s17] =	ssyncadd.s32 $0xFFFFC000  }
0x77: {  	[tilespmem:s24], [sflag:$0x1] =	stream.linear.gather @!p2 [hbm4b:s15+s23], $0x80, $0x38;
	[tilespmem:$0xA500] =	vst v63  }
0x78: {  	s23 =	simm.s32 @!p2 $0x1  }
0x79: {  	_ =	swait.ge @!p2 [sflag:s23], $0x80  }
0x7a: {  	s25 =	simm.s32 @!p2 $0x80;
	[sflag:s23] =	ssyncset.done @!p2 $0x0  }
.Ltmp4:
0x7b: {  	s26 =	simm.s32 @!p2 $0x6400;
	[sflag:s23] =	ssyncadd.s32 @!p2 $0xFFFFFF80;
	(pc) =	sbr.rel .LBB2_5-.Ltmp4, $4  }
0x7c: {  	[hbm4b:s4+s25] =	stream.indirect.scatter @!p2 [tilespmem:s26], [sflag:$0x1], $0x80, s24, s25, $0xb8;
	[tilespmem:$0xA500] =	vst v63  }
0x7d: {  	_ =	swait.ge @!p2 [sflag:s23], $0x4000  }
0x7e: {  	[sflag:s23] =	ssyncset.done @!p2 $0x0  }
0x7f: {  	[sflag:s23] =	ssyncadd.s32 @!p2 $0xFFFFC000  }
.LBB2_6:
0x80: {  	_ =	sfence.sel $0x180000  }
0x81: {  	[bflag:$0x0] =	sbarrier.arrive $0xFFFF  }
0x82: {  	p0 =	sne.s32 s2, $0x0;
	_ =	strace $0x90000047  }
0x83: {  	s0 =	sadd.s32 @!p0 $0x100000, s0;
	[bflag:$0x2] =	sbarrier.arrive $0xFFFF  }
0x84: {  	[sflag:s0] =	ssyncadd.tile.s32 @!p0 $0x1;
	_ =	shalt  }
.Lfunc_end2:
_tile_overlayer_lowered:
.L_overlay_start_2:
0x85: {  	(tag) =	ssettag $0x2  }
0x86: {  	s0 =	rddreg [dreg:$0x0];
	s2 =	stileid.u32  }
0x87: {  	s1 =	rddreg [dreg:$0x1];
	p0 =	sne.s32 s2, $0x0  }
0x88: {  	s3 =	rddreg [dreg:$0x2];
	[bflag:$0x3] =	sbarrier.arrive $0xFFFF;
	s2 =	simm.s32 @!p0 $0x1C01  }
0x89: {  	[timem:s3], [sflag:s2] =	dma.local @!p0 [hbm:s0], s1  }
0x8a: {  	s0 =	simm.s32 @!p0 $0x1  }
0x8b: {  	_ =	swait.ge @!p0 [sflag:s0], s1  }
0x8c: {  	s1 =	ssub.s32 @!p0 $0x0, s1;
	[sflag:s0] =	ssyncset.done @!p0 $0x0  }
0x8d: {  	[sflag:s0] =	ssyncadd.s32 @!p0 s1  }
0x8e: {  	[bflag:$0x3] =	sbarrier.arrive $0xFFFF  }
0x8f: {  	_ =	shalt  }

// kernel: kernel.17.cloned.1.call-start
scs
__scs_entry_jumppad:
0x0: {  	(pc) =	sbr.rel $0x88, $3  }
0x1: {  	(tag) =	ssettag $0x0;
	lr =	simm.s32 $0x1  }
0x2: {  	[smem:$0x3F80] =	sst lr;
	_ =	strace $0xD0000000  }
0x3: {  	_ = 	snop  }
0x4: {  	_ = 	snop  }
0x5: {  	_ = 	snop  }
0x6: {  	_ = 	snop  }
0x7: {  	_ = 	snop  }
__scs_overlays_trampoline_lowered:
0x8: {  	[smem:$0x3F8F] =	sst s0  }
0x9: {  	[smem:$0x3F90] =	sst s1  }
0xa: {  	[smem:$0x3F91] =	sst s2  }
0xb: {  	[smem:$0x3F92] =	sst s3  }
0xc: {  	[smem:$0x3F93] =	sst s4  }
0xd: {  	[smem:$0x3F94] =	sst s5  }
0xe: {  	[smem:$0x3F95] =	sst s6  }
0xf: {  	[smem:$0x3F96] =	sst s7  }
0x10: {  	[smem:$0x3F97] =	sst s8  }
0x11: {  	[smem:$0x3F98] =	sst s9;
	s0 =	simm.s32 @!p0 $0x0  }
0x12: {  	s1 =	sld [smem:$0x3F7E];
	s0 =	simm.s32 @p0 $0x1  }
0x13: {  	[smem:$0x3F99] =	sst s0;
	s0 =	simm.s32 @!p1 $0x0  }
0x14: {  	s2 =	sld [smem:$0x3F7D];
	s0 =	simm.s32 @p1 $0x1  }
0x15: {  	[smem:$0x3F9A] =	sst s0;
	s0 =	simm.s32 @!p2 $0x0  }
0x16: {  	s3 =	sld [smem:$0x3FDB];
	s0 =	simm.s32 @p2 $0x1  }
0x17: {  	s4 =	simm.s32 $0x1BF5;
	[smem:$0x3F9C] =	sst s0  }
0x18: {  	s0 =	sld [smem:$0x3F7F];
	_ =	swait.ge [sflag:s4], $0x0  }
0x19: {  	s7 =	sld [smem:$0x3F80]  }
0x1a: {  	s8 =	sadd.s32 $0xFFFFE003, lr  }
0x1b: {  	s9 =	sadd.s32 $0xFFFFFEF7, lr;
	s5 =	simm.s32 $0xFFFFFFFF;
	p2 =	slt.u32 s8, $0xFFFFF086  }
0x1c: {  	p1 =	slt.u32 s9, $0xF7A;
	s5 =	simm.s32 @!p2 $0x0  }
0x1d: {  	s5 =	simm.s32 @p1 $0x1;
	p0 =	seq.s32 s7, s2  }
0x1e: {  	s7 =	smul.u32 @!p0 $0xF7A, s2;
	p2 =	seq.s32 @!p0 s5, $0x0  }
0x1f: {  	s9 =	smul.u32 $0xF7A, s1;
	s8 =	simm.s32 @!p0 $0x1BF5;
	p2 =	por !p2, p0  }
0x20: {  	[sflag:s8] =	ssyncset.s32 @!p0 $0xFFFFF086;
	s6 =	sadd.s32 @!p0 s3, s7;
	s7 =	simm.s32 @!p0 $0x108  }
0x21: {  	s3 =	sadd.s32 s3, s9;
	s6 =	sadd.s32 @!p0 $0x88, s6;
	s7 =	simm.s32 @p2 $0x1082  }
0x22: {  	[simem:s7], [sflag:s8] =	dma.local @!p0 [hbm:s6], $0xF7A  }
0x23: {  	s9 =	sor.u32 $0xD0000000, s2;
	s6 =	simm.s32 $0x108;
	_ =	swait.ge @!p0 [sflag:s8], $0x0  }
0x24: {  	s3 =	sadd.s32 $0x88, s3;
	s6 =	simm.s32 @!p1 $0x1082;
	[sflag:s4] =	ssyncset.s32 $0xFFFFF086  }
0x25: {  	[simem:s6], [sflag:s4] =	dma.local [hbm:s3], $0xF7A  }
0x26: {  	[smem:$0x3F80] =	sst s1;
	(tag) =	ssettag s2;
	_ =	strace s9  }
0x27: {  	s1 =	sld [smem:$0x3F90]  }
0x28: {  	s2 =	sld [smem:$0x3F91]  }
0x29: {  	s4 =	sld [smem:$0x3F93]  }
0x2a: {  	p0 =	seq.s32 s5, $0x0;
	s5 =	sld [smem:$0x3F94]  }
0x2b: {  	s6 =	sld [smem:$0x3F95]  }
0x2c: {  	s7 =	sld [smem:$0x3F96]  }
0x2d: {  	s3 =	simm.s32 $0x108;
	s8 =	sld [smem:$0x3F97]  }
0x2e: {  	s3 =	simm.s32 @!p0 $0x1082;
	s9 =	sld [smem:$0x3F98]  }
0x2f: {  	lr =	sadd.s32 s0, s3;
	s0 =	sld [smem:$0x3F8F]  }
0x30: {  	s3 =	sld [smem:$0x3F92]  }
0x31: {  	[smem:$0x3F9B] =	sst s10  }
0x32: {  	s10 =	sld [smem:$0x3F99];
	_ =	sdelay $0x3  }
0x33: {  	p0 =	seq.s32 s10, $0x1;
	s10 =	sld [smem:$0x3F9B];
	_ =	sdelay $0x3  }
0x34: {  	[smem:$0x3F9B] =	sst s10  }
0x35: {  	s10 =	sld [smem:$0x3F9A];
	_ =	sdelay $0x3  }
0x36: {  	p1 =	seq.s32 s10, $0x1;
	s10 =	sld [smem:$0x3F9B];
	_ =	sdelay $0x3  }
0x37: {  	[smem:$0x3F9B] =	sst s10  }
0x38: {  	s10 =	sld [smem:$0x3F9C]  }
0x39: {  	_ = 	snop;
	(pc) =	sbr.ind lr, $3  }
0x3a: {  	_ = 	snop  }
0x3b: {  	_ = 	snop  }
0x3c: {  	p2 =	seq.s32 s10, $0x1;
	s10 =	sld [smem:$0x3F9B]  }
0x3d: {  	_ =	shalt  }
0x3e: {  	_ =	shalt  }
0x3f: {  	_ =	shalt  }
0x40: {  	_ =	shalt  }
0x41: {  	_ =	shalt  }
0x42: {  	_ =	shalt  }
0x43: {  	_ =	shalt  }
0x44: {  	_ =	shalt  }
0x45: {  	_ =	shalt  }
0x46: {  	_ =	shalt  }
0x47: {  	_ =	shalt  }
0x48: {  	_ =	shalt  }
0x49: {  	_ =	shalt  }
0x4a: {  	_ =	shalt  }
0x4b: {  	_ =	shalt  }
0x4c: {  	_ =	shalt  }
0x4d: {  	_ =	shalt  }
0x4e: {  	_ =	shalt  }
0x4f: {  	_ =	shalt  }
0x50: {  	_ =	shalt  }
0x51: {  	_ =	shalt  }
0x52: {  	_ =	shalt  }
0x53: {  	_ =	shalt  }
0x54: {  	_ =	shalt  }
0x55: {  	_ =	shalt  }
0x56: {  	_ =	shalt  }
0x57: {  	_ =	shalt  }
0x58: {  	_ =	shalt  }
0x59: {  	_ =	shalt  }
0x5a: {  	_ =	shalt  }
0x5b: {  	_ =	shalt  }
0x5c: {  	_ =	shalt  }
0x5d: {  	_ =	shalt  }
0x5e: {  	_ =	shalt  }
0x5f: {  	_ =	shalt  }
0x60: {  	_ =	shalt  }
0x61: {  	_ =	shalt  }
0x62: {  	_ =	shalt  }
0x63: {  	_ =	shalt  }
0x64: {  	_ =	shalt  }
0x65: {  	_ =	shalt  }
0x66: {  	_ =	shalt  }
0x67: {  	_ =	shalt  }
0x68: {  	_ =	shalt  }
0x69: {  	_ =	shalt  }
0x6a: {  	_ =	shalt  }
0x6b: {  	_ =	shalt  }
0x6c: {  	_ =	shalt  }
0x6d: {  	_ =	shalt  }
0x6e: {  	_ =	shalt  }
0x6f: {  	_ =	shalt  }
0x70: {  	_ =	shalt  }
0x71: {  	_ =	shalt  }
0x72: {  	_ =	shalt  }
0x73: {  	_ =	shalt  }
0x74: {  	_ =	shalt  }
0x75: {  	_ =	shalt  }
0x76: {  	_ =	shalt  }
0x77: {  	_ =	shalt  }
0x78: {  	_ =	shalt  }
0x79: {  	_ =	shalt  }
0x7a: {  	_ =	shalt  }
0x7b: {  	_ =	shalt  }
0x7c: {  	_ =	shalt  }
0x7d: {  	_ =	shalt  }
0x7e: {  	_ =	shalt  }
0x7f: {  	_ =	shalt  }
0x80: {  	_ =	shalt  }
0x81: {  	_ =	shalt  }
0x82: {  	_ =	shalt  }
0x83: {  	_ =	shalt  }
0x84: {  	_ =	shalt  }
0x85: {  	_ =	shalt  }
0x86: {  	_ =	shalt  }
0x87: {  	_ =	shalt  }
.Lfunc_end0:
.L_simem_size_0:
called_computation.1_lowered:
.L_overlay_start_0:
0x88: {  	s2 =	sld [smem:$0x3FD9]  }
0x89: {  	s3 =	sld [smem:$0x3FFE];
	_ =	sdelay $0x1  }
0x8a: {  	s1 =	srdreg.scid  }
0x8b: {  	s0 =	sand.u32 $0x1, s1  }
0x8c: {  	s17 =	sshll.u32 s0, $0xA;
	s2 =	sadd.s32 s3, s2  }
0x8d: {  	s2 =	sadd.s32 s2, s17  }
0x8e: {  	[smem:$0x3FA7] =	sst s2  }
0x8f: {  	_ = 	snop  }
0x90: {  	(tm) =	ssettm $0x1  }
0x91: {  	s18 =	sld [smem:$0x3FFB];
	_ =	sdelay $0x3  }
0x92: {  	_ =	strace s18  }
0x93: {  	s2 =	sld [smem:$0x3FFC];
	_ =	sdelay $0x3  }
0x94: {  	_ =	strace s2  }
0x95: {  	s2 =	sld [smem:$0x3FFD];
	_ =	sdelay $0x3  }
0x96: {  	_ =	strace s2  }
0x97: {  	_ =	strace $0x8FFFFFFF  }
0x98: {  	s19 =	sld [smem:$0x3FDB];
	_ =	sdelay $0x1  }
0x99: {  	s20 =	simm.s32 $_scs_section_size  }
0x9a: {  	s4 =	simm.s32 $_size__tile_overlayer_lowered;
	s5 =	simm.s32 $_tile_overlayer_lowered  }
0x9b: {  	s6 =	simm.s32 $0x1BFF;
	s21 =	sshll.u32 s5, $0x1;
	s3 =	sadd.s32 s20, s19  }
0x9c: {  	s22 =	simm.s32 $0x0;
	s4 =	sshll.u32 s4, $0x1;
	s5 =	sadd.s32 s21, s3  }
0x9d: {  	[timem:s22], [sflag:s6] =	dma.local [hbm:s5], s4  }
0x9e: {  	_ =	swait.ge [sflag:s6], s4  }
0x9f: {  	s4 =	ssub.s32 $0x0, s4;
	[sflag:s6] =	ssyncset.done $0x0  }
0xa0: {  	[sflag:s6] =	ssyncadd.s32 s4;
	_ =	sdelay $0x1  }
0xa1: {  	s23 =	simm.s32 $0x1B8B  }
0xa2: {  	_ =	swait.ge [sflag:s23], $0x1  }
0xa3: {  	[sflag:s23] =	ssyncset.done $0x0  }
0xa4: {  	[sflag:s23] =	ssyncadd.s32 $0xFFFFFFFF  }
0xa5: {  	s4 =	sld [smem:$0x0]  }
0xa6: {  	s5 =	sand.u32 $0xFFFFFFFE, s1  }
0xa7: {  	p0 =	sne.s32 s1, s5  }
0xa8: {  	s5 =	sshll.u32 @p0 s5, $0xE  }
0xa9: {  	s5 =	sadd.s32 @p0 $0x11B8D, s5;
	s6 =	sshll.u32 @p0 s4, $0x11  }
0xaa: {  	s5 =	sor.u32 @p0 s6, s5  }
0xab: {  	[sflag:s5] =	ssyncadd.remote.s32 @p0 $0x1;
	_ =	sdelay $0x1  }
0xac: {  	s5 =	simm.s32 @p0 $0x1B8D  }
0xad: {  	_ =	swait.eq @p0 [sflag:s5], $0x1  }
0xae: {  	[sflag:s5] =	ssyncadd.s32 @p0 $0xFFFFFFFF  }
0xaf: {  	s6 =	sshll.u32 @!p0 s1, $0xE  }
0xb0: {  	s6 =	sor.u32 @!p0 $0x4000, s6;
	s5 =	simm.s32 @!p0 $0x1B8D  }
0xb1: {  	s4 =	sshll.u32 @!p0 s4, $0x11;
	s6 =	sadd.s32 @!p0 $0x11B8D, s6;
	_ =	swait.eq @!p0 [sflag:s5], $0x1  }
0xb2: {  	s4 =	sor.u32 @!p0 s4, s6;
	[sflag:s5] =	ssyncadd.s32 @!p0 $0xFFFFFFFF  }
0xb3: {  	s25 =	simm.s32 $0x1B8E;
	s24 =	sld [smem:$0x3FFE];
	[sflag:s4] =	ssyncadd.remote.s32 @!p0 $0x1  }
0xb4: {  	s26 =	simm.s32 $execute0_lowered;
	[smem:$0x3FD2] =	sst s25  }
0xb5: {  	s5 =	sshll.u32 s26, $0x1;
	_ =	strace $0x8000004C;
	[dreg:$0x1] =	wrdreg $0xFFFFFFFF  }
0xb6: {  	s28 =	simm.s32 $_size_execute0_lowered;
	s3 =	sadd.s32 s3, s5;
	[dreg:$0x0] =	wrdreg $0x0  }
0xb7: {  	s5 =	sshll.u32 s28, $0x1;
	[dreg:$0x2] =	wrdreg s3  }
0xb8: {  	[dreg:$0x3] =	wrdreg s5  }
0xb9: {  	[dreg:$0x4] =	wrdreg $0xC0  }
0xba: {  	_ =	task [dreg:s22], $0x5FFFF  }
0xbb: {  	[dreg:$0x1] =	wrdreg $0xFFFFFFFF  }
0xbc: {  	[dreg:$0x0] =	wrdreg $0x60  }
0xbd: {  	[dreg:$0x2] =	wrdreg s24  }
0xbe: {  	[dreg:$0x3] =	wrdreg $0x0  }
0xbf: {  	[dreg:$0x4] =	wrdreg $0x9  }
0xc0: {  	_ =	task.clear_ibuf [dreg:s22], $0x5FFFF;
	_ =	strace $0x9000004C  }
0xc1: {  	s29 =	simm.s32 $0x9;
	_ =	strace $0x8000004E  }
0xc2: {  	_ =	swait.ge [sflag:s29], $0x1  }
0xc3: {  	[sflag:s29] =	ssyncadd.s32 $0xFFFFFFFF  }
0xc4: {  	_ =	strace $0x9000004E  }
0xc5: {  	_ =	sfence  }
0xc6: {  	s30 =	sld [smem:$0x0];
	_ =	sdelay $0x2  }
0xc7: {  	s31 =	sshll.u32 s1, $0xD;
	s1 =	sshrl.u32 s1, $0x2  }
0xc8: {  	s4 =	sand.u32 $0x4000, s31;
	s1 =	sadd.s32 s1, s30  }
0xc9: {  	s0 =	sor.u32 s4, s0;
	s1 =	sshll.u32 s1, $0x11  }
0xca: {  	s0 =	sor.u32 s1, s0  }
0xcb: {  	s0 =	sadd.s32 $0x8F2B, s0  }
0xcc: {  	[sflag:s0] =	ssyncadd.remote.s32 $0x1  }
0xcd: {  	_ =	sfence.sel $0xFFFF  }
0xce: {  	[dreg:$0x0] =	wrdreg $0xFFFFFFFF;
	(pc) =	sbr.abs _section_cstart, $3  }
0xcf: {  	[dreg:$0x1] =	wrdreg $0xFFFFFFFF  }
0xd0: {  	_ =	task.clear_ibuf [dreg:s22], $0x2FFFF;
	_ =	strace $0x9FFFFFFF  }
0xd1: {  	(tm) =	ssettm $0x7FFFFFFF  }
tec
execute0_lowered:
.L_overlay_start_1:
0x0: {  	(tag) =	ssettag $0x1  }
0x1: {  	s0 =	rddreg [dreg:$0x0]  }
0x2: {  	s1 =	rddreg [dreg:$0x1];
	s2 =	simm.s32 $0x0  }
0x3: {  	s4 =	srdreg.scid;
	s8 =	stileid.u32;
	s28 =	simm.s32 $0xA600  }
0x4: {  	s29 =	simm.s32 $0x2;
	s30 =	simm.s32 $0x0;
	[smem:$0x7FF] =	sst s2  }
0x5: {  	s3 =	sadd.s32 $0x5600, s0;
	s5 =	sadd.s32 $0x36800, s0;
	s7 =	sadd.s32 $0x2C800, s0  }
0x6: {  	s9 =	sand.u32 $0x1, s4;
	s6 =	sshll.u32 s8, $0x1;
	s10 =	smul.u32 $0x13800, s8  }
0x7: {  	s4 =	sadd.s32 $0x40800, s0;
	s0 =	sadd.s32 $0x7C800, s0;
	s18 =	sshll.u32 s8, $0x6  }
0x8: {  	s20 =	sadd.s32 $0x9C000, s1;
	s23 =	smul.u32 $0x5000, s8;
	p0 =	sne.s32 s8, $0x0  }
0x9: {  	_ =	strace $0x8000004D;
	s11 =	ssub.s32 $0x2, s9;
	s14 =	smul.u32 $0x138800, s9  }
0xa: {  	s6 =	sor.u32 s9, s6;
	[dreg:$0x4] =	wrdreg s20;
	s15 =	smul.u32 $0x2800, s9  }
0xb: {  	s20 =	simm.s32 $0xA000;
	s12 =	sshrl.u32 s11, $0x1;
	s13 =	sshrl.u32 s10, $0x1  }
0xc: {  	s6 =	smul.u32 $0x2800, s6;
	s11 =	ssub.s32 s11, s12;
	s17 =	sadd.s32 s13, s1  }
0xd: {  	s10 =	sadd.s32 s10, s14;
	s22 =	sshrl.u32 s14, $0x4;
	s16 =	sadd.s32 s15, s23  }
0xe: {  	s23 =	simm.s32 $0xA200;
	[dreg:$0x3] =	wrdreg s17;
	s19 =	sshrl.u32 s6, $0x3  }
0xf: {  	s6 =	sor.u32 $0x1C03, s18;
	s10 =	sshrl.u32 s10, $0x4;
	s12 =	sadd.s32 s0, s22  }
0x10: {  	s11 =	smax.u32 s11, $0x1;
	s15 =	sor.u32 $0x400, s16;
	s17 =	sor.u32 $0x200, s16  }
0x11: {  	s18 =	sshrl.u32 s16, $0x3;
	s22 =	simm.s32 $0xA800;
	s21 =	sadd.s32 s5, s19  }
0x12: {  	s0 =	sadd.s32 s0, s10;
	s24 =	sadd.s32 $0x13800, s12;
	s25 =	sadd.s32 $0x4C0, s19  }
0x13: {  	s13 =	sadd.s32 s7, s19;
	s26 =	sshrl.u32 s15, $0x3;
	[dreg:$0x5] =	wrdreg s21  }
0x14: {  	s31 =	sshrl.u32 s17, $0x3;
	s18 =	sadd.s32 s18, s7;
	[dreg:$0x6] =	wrdreg s0  }
0x15: {  	s19 =	simm.s32 $0x3;
	[dreg:$0x7] =	wrdreg s24;
	s12 =	sadd.s32 s5, s25  }
0x16: {  	s13 =	sadd.s32 $0x480, s13;
	s14 =	sadd.s32 s7, s25;
	s15 =	sadd.s32 s26, s5  }
0x17: {  	s16 =	sadd.s32 s31, s7;
	s17 =	sadd.s32 s31, s5;
	s21 =	simm.s32 $0x200  }
0x18: {  	s24 =	simm.s32 $0x12800;
	s25 =	simm.s32 $0xA400;
	s26 =	simm.s32 $0x1  }
.LBB2_1:
0x19: {  	s0 =	rddreg [dreg:$0x3]  }
0x1a: {  	s31 =	sshrl.u32 s0, $0x3  }
0x1b: {  	[spmem:s31], [sflag:s6] =	dma.local [hbm:s4], $0x1380  }
0x1c: {  	_ =	swait.ge [sflag:s19], $0x1380  }
0x1d: {  	[sflag:s19] =	ssyncset.done $0x0;
	s0 =	rddreg [dreg:$0x4]  }
0x1e: {  	s5 =	simm.s32 @!p0 $0x3;
	[sflag:s19] =	ssyncadd.s32 $0xFFFFEC80;
	s0 =	sshrl.u32 @!p0 s0, $0x3  }
0x1f: {  	[spmem:s0], [sflag:s6] =	dma.local @!p0 [hbm:s4], $0x80  }
0x20: {  	_ =	swait.ge @!p0 [sflag:s5], $0x80  }
0x21: {  	[sflag:s5] =	ssyncset.done @!p0 $0x0  }
0x22: {  	s10 =	rddreg [dreg:$0x5];
	[sflag:s5] =	ssyncadd.s32 @!p0 $0xFFFFFF80  }
0x23: {  	[tilespmem:s20], [sflag:$0x3] =	stream.linear.gather [hbm4b:s10+s2], $0x200, $0x38;
	[tilespmem:$0x1A800] =	vst v63  }
0x24: {  	_ =	swait.ge [sflag:s19], $0x200  }
0x25: {  	[sflag:s19] =	ssyncset.done $0x0  }
0x26: {  	[sflag:s19] =	ssyncadd.s32 $0xFFFFFE00  }
0x27: {  	[tilespmem:s22], [sflag:$0x1] =	stream.indirect.gather [hbm4b:s3+s21], $0x40, s20, s21, $0xb8;
	[tilespmem:$0x1A800] =	vst v63  }
0x28: {  	s7 =	sadd.s32 $0x0, s17;
	[bflag:$0x0] =	sbarrier.arrive $0xFFFF  }
0x29: {  	[tilespmem:s23], [sflag:$0x3] =	stream.linear.gather [hbm4b:s7+s2], $0x200, $0x38;
	[tilespmem:$0x1A800] =	vst v63  }
0x2a: {  	_ =	swait.ge [sflag:s19], $0x200  }
0x2b: {  	[sflag:s19] =	ssyncset.done $0x0  }
0x2c: {  	[sflag:s19] =	ssyncadd.s32 $0xFFFFFE00  }
0x2d: {  	[tilespmem:s24], [sflag:$0x2] =	stream.indirect.gather [hbm4b:s3+s21], $0x40, s23, s21, $0xb8;
	[tilespmem:$0x1A800] =	vst v63  }
0x2e: {  	s8 =	sadd.s32 $0x0, s18  }
0x2f: {  	[tilespmem:s25], [sflag:$0x3] =	stream.linear.gather [hbm4b:s8+s2], $0x200, $0x38;
	[tilespmem:$0x1A800] =	vst v63  }
0x30: {  	_ =	swait.ge [sflag:s19], $0x200  }
0x31: {  	[sflag:s19] =	ssyncset.done $0x0  }
0x32: {  	[sflag:s19] =	ssyncadd.s32 $0xFFFFFE00  }
0x33: {  	_ =	swait.ge [sflag:s26], $0x8000  }
0x34: {  	[sflag:s26] =	ssyncset.done $0x0  }
0x35: {  	[sflag:s26] =	ssyncadd.s32 $0xFFFF8000  }
0x36: {  	[spmem:s1] =	stream.indirect.scatter.add.bf16 [tilespmem:s22], [sflag:$0x3], $0x40, s25, s21, $0xb8;
	[tilespmem:$0x1A800] =	vst v63  }
0x37: {  	_ =	swait.ge [sflag:s19], $0x8000  }
0x38: {  	[sflag:s19] =	ssyncset.done $0x0  }
0x39: {  	s9 =	sadd.s32 $0x0, s15;
	[sflag:s19] =	ssyncadd.s32 $0xFFFF8000  }
0x3a: {  	[tilespmem:s20], [sflag:$0x3] =	stream.linear.gather [hbm4b:s9+s2], $0x200, $0x38;
	[tilespmem:$0x1A800] =	vst v63  }
0x3b: {  	_ =	swait.ge [sflag:s19], $0x200  }
0x3c: {  	[sflag:s19] =	ssyncset.done $0x0  }
0x3d: {  	[sflag:s19] =	ssyncadd.s32 $0xFFFFFE00  }
0x3e: {  	[tilespmem:s22], [sflag:$0x1] =	stream.indirect.gather [hbm4b:s3+s21], $0x40, s20, s21, $0xb8;
	[tilespmem:$0x1A800] =	vst v63  }
0x3f: {  	s10 =	sadd.s32 $0x0, s16  }
0x40: {  	[tilespmem:s28], [sflag:$0x3] =	stream.linear.gather [hbm4b:s10+s2], $0x200, $0x38;
	[tilespmem:$0x1A800] =	vst v63  }
0x41: {  	_ =	swait.ge [sflag:s19], $0x200  }
0x42: {  	[sflag:s19] =	ssyncset.done $0x0  }
0x43: {  	[sflag:s19] =	ssyncadd.s32 $0xFFFFFE00  }
0x44: {  	_ =	swait.ge [sflag:s29], $0x8000  }
0x45: {  	[sflag:s29] =	ssyncset.done $0x0  }
0x46: {  	[sflag:s29] =	ssyncadd.s32 $0xFFFF8000  }
0x47: {  	[spmem:s1] =	stream.indirect.scatter.add.bf16 [tilespmem:s24], [sflag:$0x3], $0x40, s28, s21, $0xb8;
	[tilespmem:$0x1A800] =	vst v63  }
0x48: {  	_ =	swait.ge [sflag:s19], $0x8000  }
0x49: {  	s5 =	simm.s32 $0x80;
	s7 =	simm.s32 $0x100;
	[sflag:s19] =	ssyncset.done $0x0  }
.LBB2_2:
0x4a: {  	s9 =	sadd.s32 s5, s17  }
0x4b: {  	[sflag:s19] =	ssyncadd.s32 $0xFFFF8000;
	s10 =	smov.u32 s7;
	s8 =	sadd.s32 $0x80, s7  }
0x4c: {  	[tilespmem:s23], [sflag:$0x3] =	stream.linear.gather [hbm4b:s9+s2], $0x200, $0x38;
	[tilespmem:$0x1A800] =	vst v63  }
0x4d: {  	p1 =	sne.s32 s7, $0x400;
	_ =	swait.ge [sflag:s19], $0x200  }
0x4e: {  	[sflag:s19] =	ssyncset.done $0x0  }
0x4f: {  	[sflag:s19] =	ssyncadd.s32 $0xFFFFFE00  }
0x50: {  	[tilespmem:s24], [sflag:$0x2] =	stream.indirect.gather [hbm4b:s3+s21], $0x40, s23, s21, $0xb8;
	[tilespmem:$0x1A800] =	vst v63  }
0x51: {  	s7 =	sadd.s32 s5, s18  }
0x52: {  	[tilespmem:s25], [sflag:$0x3] =	stream.linear.gather [hbm4b:s7+s2], $0x200, $0x38;
	[tilespmem:$0x1A800] =	vst v63  }
0x53: {  	_ =	swait.ge [sflag:s19], $0x200  }
0x54: {  	[sflag:s19] =	ssyncset.done $0x0  }
0x55: {  	[sflag:s19] =	ssyncadd.s32 $0xFFFFFE00  }
0x56: {  	_ =	swait.ge [sflag:s26], $0x8000  }
0x57: {  	[sflag:s26] =	ssyncset.done $0x0  }
0x58: {  	[sflag:s26] =	ssyncadd.s32 $0xFFFF8000  }
0x59: {  	[spmem:s1] =	stream.indirect.scatter.add.bf16 [tilespmem:s22], [sflag:$0x3], $0x40, s25, s21, $0xb8;
	[tilespmem:$0x1A800] =	vst v63  }
0x5a: {  	_ =	swait.ge [sflag:s19], $0x8000  }
0x5b: {  	[sflag:s19] =	ssyncset.done $0x0  }
0x5c: {  	s7 =	sadd.s32 s5, s15;
	[sflag:s19] =	ssyncadd.s32 $0xFFFF8000  }
0x5d: {  	[tilespmem:s20], [sflag:$0x3] =	stream.linear.gather [hbm4b:s7+s2], $0x200, $0x38;
	[tilespmem:$0x1A800] =	vst v63  }
0x5e: {  	_ =	swait.ge [sflag:s19], $0x200  }
0x5f: {  	[sflag:s19] =	ssyncset.done $0x0  }
0x60: {  	[sflag:s19] =	ssyncadd.s32 $0xFFFFFE00  }
0x61: {  	[tilespmem:s22], [sflag:$0x1] =	stream.indirect.gather [hbm4b:s3+s21], $0x40, s20, s21, $0xb8;
	[tilespmem:$0x1A800] =	vst v63  }
0x62: {  	s7 =	sadd.s32 s5, s16;
	s5 =	smov.u32 s10  }
0x63: {  	[tilespmem:s28], [sflag:$0x3] =	stream.linear.gather [hbm4b:s7+s2], $0x200, $0x38;
	[tilespmem:$0x1A800] =	vst v63  }
0x64: {  	_ =	swait.ge [sflag:s19], $0x200  }
0x65: {  	[sflag:s19] =	ssyncset.done $0x0  }
0x66: {  	[sflag:s19] =	ssyncadd.s32 $0xFFFFFE00  }
0x67: {  	_ =	swait.ge [sflag:s29], $0x8000  }
.Ltmp0:
0x68: {  	[sflag:s29] =	ssyncset.done $0x0;
	(pc) =	sbr.rel @p1 .LBB2_2-.Ltmp0, $4  }
0x69: {  	[sflag:s29] =	ssyncadd.s32 $0xFFFF8000  }
0x6a: {  	[spmem:s1] =	stream.indirect.scatter.add.bf16 [tilespmem:s24], [sflag:$0x3], $0x40, s28, s21, $0xb8;
	[tilespmem:$0x1A800] =	vst v63  }
0x6b: {  	_ =	swait.ge [sflag:s19], $0x8000  }
0x6c: {  	s7 =	smov.u32 s8;
	[sflag:s19] =	ssyncset.done $0x0  }
0x6d: {  	s7 =	sadd.s32 s5, s17;
	[sflag:s19] =	ssyncadd.s32 $0xFFFF8000  }
0x6e: {  	[tilespmem:s23], [sflag:$0x3] =	stream.linear.gather [hbm4b:s7+s2], $0x200, $0x38;
	[tilespmem:$0x1A800] =	vst v63  }
0x6f: {  	_ =	swait.ge [sflag:s19], $0x200  }
0x70: {  	[sflag:s19] =	ssyncset.done $0x0  }
0x71: {  	[sflag:s19] =	ssyncadd.s32 $0xFFFFFE00  }
0x72: {  	[tilespmem:s24], [sflag:$0x2] =	stream.indirect.gather [hbm4b:s3+s21], $0x40, s23, s21, $0xb8;
	[tilespmem:$0x1A800] =	vst v63  }
0x73: {  	s10 =	sadd.s32 s5, s18  }
0x74: {  	[tilespmem:s25], [sflag:$0x3] =	stream.linear.gather [hbm4b:s10+s2], $0x200, $0x38;
	[tilespmem:$0x1A800] =	vst v63  }
0x75: {  	_ =	swait.ge [sflag:s19], $0x200  }
0x76: {  	[sflag:s19] =	ssyncset.done $0x0  }
0x77: {  	[sflag:s19] =	ssyncadd.s32 $0xFFFFFE00  }
0x78: {  	_ =	swait.ge [sflag:s26], $0x8000  }
0x79: {  	[sflag:s26] =	ssyncset.done $0x0  }
0x7a: {  	[sflag:s26] =	ssyncadd.s32 $0xFFFF8000  }
0x7b: {  	[spmem:s1] =	stream.indirect.scatter.add.bf16 [tilespmem:s22], [sflag:$0x3], $0x40, s25, s21, $0xb8;
	[tilespmem:$0x1A800] =	vst v63  }
0x7c: {  	_ =	swait.ge [sflag:s19], $0x8000  }
0x7d: {  	[sflag:s19] =	ssyncset.done $0x0  }
0x7e: {  	s8 =	sadd.s32 s5, s15;
	[sflag:s19] =	ssyncadd.s32 $0xFFFF8000  }
0x7f: {  	[tilespmem:s20], [sflag:$0x3] =	stream.linear.gather [hbm4b:s8+s2], $0x200, $0x38;
	[tilespmem:$0x1A800] =	vst v63  }
0x80: {  	_ =	swait.ge [sflag:s19], $0x200  }
0x81: {  	[sflag:s19] =	ssyncset.done $0x0  }
0x82: {  	[sflag:s19] =	ssyncadd.s32 $0xFFFFFE00  }
0x83: {  	[tilespmem:s22], [sflag:$0x1] =	stream.indirect.gather [hbm4b:s3+s21], $0x40, s20, s21, $0xb8;
	[tilespmem:$0x1A800] =	vst v63  }
0x84: {  	s9 =	sadd.s32 s5, s16  }
0x85: {  	[tilespmem:s28], [sflag:$0x3] =	stream.linear.gather [hbm4b:s9+s2], $0x200, $0x38;
	[tilespmem:$0x1A800] =	vst v63  }
0x86: {  	_ =	swait.ge [sflag:s19], $0x200  }
0x87: {  	[sflag:s19] =	ssyncset.done $0x0  }
0x88: {  	[sflag:s19] =	ssyncadd.s32 $0xFFFFFE00  }
0x89: {  	_ =	swait.ge [sflag:s29], $0x8000  }
0x8a: {  	[sflag:s29] =	ssyncset.done $0x0  }
0x8b: {  	[sflag:s29] =	ssyncadd.s32 $0xFFFF8000  }
0x8c: {  	[spmem:s1] =	stream.indirect.scatter.add.bf16 [tilespmem:s24], [sflag:$0x3], $0x40, s28, s21, $0xb8;
	[tilespmem:$0x1A800] =	vst v63  }
0x8d: {  	_ =	swait.ge [sflag:s19], $0x8000  }
0x8e: {  	[sflag:s19] =	ssyncset.done $0x0  }
0x8f: {  	[sflag:s19] =	ssyncadd.s32 $0xFFFF8000  }
0x90: {  	[tilespmem:s23], [sflag:$0x3] =	stream.linear.gather [hbm4b:s12+s2], $0x200, $0x38;
	[tilespmem:$0x1A800] =	vst v63  }
0x91: {  	_ =	swait.ge [sflag:s19], $0x200  }
0x92: {  	[sflag:s19] =	ssyncset.done $0x0  }
0x93: {  	[sflag:s19] =	ssyncadd.s32 $0xFFFFFE00  }
0x94: {  	[tilespmem:s24], [sflag:$0x2] =	stream.indirect.gather [hbm4b:s3+s21], $0x40, s23, s21, $0xb8;
	[tilespmem:$0x1A800] =	vst v63  }
0x95: {  	_ = 	snop  }
0x96: {  	[tilespmem:s25], [sflag:$0x3] =	stream.linear.gather [hbm4b:s13+s2], $0x200, $0x38;
	[tilespmem:$0x1A800] =	vst v63  }
0x97: {  	_ =	swait.ge [sflag:s19], $0x200  }
0x98: {  	[sflag:s19] =	ssyncset.done $0x0  }
0x99: {  	[sflag:s19] =	ssyncadd.s32 $0xFFFFFE00  }
0x9a: {  	_ =	swait.ge [sflag:s26], $0x8000  }
0x9b: {  	[sflag:s26] =	ssyncset.done $0x0  }
0x9c: {  	[sflag:s26] =	ssyncadd.s32 $0xFFFF8000  }
0x9d: {  	[spmem:s1] =	stream.indirect.scatter.add.bf16 [tilespmem:s22], [sflag:$0x3], $0x40, s25, s21, $0xb8;
	[tilespmem:$0x1A800] =	vst v63  }
0x9e: {  	_ =	swait.ge [sflag:s19], $0x8000  }
0x9f: {  	[sflag:s19] =	ssyncset.done $0x0  }
0xa0: {  	[sflag:s19] =	ssyncadd.s32 $0xFFFF8000  }
0xa1: {  	[tilespmem:s28], [sflag:$0x3] =	stream.linear.gather [hbm4b:s14+s2], $0x200, $0x38;
	[tilespmem:$0x1A800] =	vst v63  }
0xa2: {  	_ =	swait.ge [sflag:s19], $0x200  }
0xa3: {  	[sflag:s19] =	ssyncset.done $0x0  }
0xa4: {  	[sflag:s19] =	ssyncadd.s32 $0xFFFFFE00  }
0xa5: {  	_ =	swait.ge [sflag:s29], $0x8000  }
0xa6: {  	[sflag:s29] =	ssyncset.done $0x0  }
0xa7: {  	[sflag:s29] =	ssyncadd.s32 $0xFFFF8000  }
0xa8: {  	[spmem:s1] =	stream.indirect.scatter.add.bf16 [tilespmem:s24], [sflag:$0x3], $0x40, s28, s21, $0xb8;
	[tilespmem:$0x1A800] =	vst v63  }
0xa9: {  	_ =	swait.ge [sflag:s19], $0x8000  }
0xaa: {  	[sflag:s19] =	ssyncset.done $0x0  }
0xab: {  	[sflag:s19] =	ssyncadd.s32 $0xFFFF8000  }
0xac: {  	[bflag:$0x0] =	sbarrier.arrive $0xFFFF  }
0xad: {  	s10 =	rddreg [dreg:$0x6]  }
0xae: {  	[hbm:s10], [sflag:s6] =	dma.local [spmem:s31], $0x1380  }
0xaf: {  	_ =	swait.ge [sflag:s19], $0x1380  }
0xb0: {  	s30 =	sadd.s32 $0x1, s30;
	[sflag:s19] =	ssyncset.done $0x0  }
0xb1: {  	p1 =	sne.s32 s30, s11;
	s5 =	rddreg [dreg:$0x7];
	[sflag:s19] =	ssyncadd.s32 $0xFFFFEC80  }
0xb2: {  	[hbm:s5], [sflag:s6] =	dma.local @!p0 [spmem:s0], $0x80  }
.Ltmp1:
0xb3: {  	_ = 	snop;
	(pc) =	sbr.rel @p1 .LBB2_1-.Ltmp1, $4  }
0xb4: {  	s0 =	simm.s32 @!p0 $0x3  }
0xb5: {  	_ =	swait.ge @!p0 [sflag:s0], $0x80  }
0xb6: {  	[sflag:s0] =	ssyncset.done @!p0 $0x0  }
0xb7: {  	[sflag:s0] =	ssyncadd.s32 @!p0 $0xFFFFFF80  }
0xb8: {  	_ =	sfence.sel $0x180000  }
0xb9: {  	[bflag:$0x0] =	sbarrier.arrive $0xFFFF  }
0xba: {  	_ =	strace $0x9000004D  }
0xbb: {  	[bflag:$0x2] =	sbarrier.arrive $0xFFFF  }
0xbc: {  	s0 =	rddreg [dreg:$0x2]  }
0xbd: {  	s0 =	sadd.s32 @!p0 $0x100000, s0  }
0xbe: {  	[sflag:s0] =	ssyncadd.tile.s32 @!p0 $0x1;
	_ =	shalt  }
.Lfunc_end2:
_tile_overlayer_lowered:
.L_overlay_start_2:
0xbf: {  	(tag) =	ssettag $0x2  }
0xc0: {  	s0 =	rddreg [dreg:$0x0];
	s2 =	stileid.u32  }
0xc1: {  	s1 =	rddreg [dreg:$0x1];
	p0 =	sne.s32 s2, $0x0  }
0xc2: {  	s3 =	rddreg [dreg:$0x2];
	[bflag:$0x3] =	sbarrier.arrive $0xFFFF;
	s2 =	simm.s32 @!p0 $0x1C03  }
0xc3: {  	[timem:s3], [sflag:s2] =	dma.local @!p0 [hbm:s0], s1  }
0xc4: {  	s0 =	simm.s32 @!p0 $0x3  }
0xc5: {  	_ =	swait.ge @!p0 [sflag:s0], s1  }
0xc6: {  	s1 =	ssub.s32 @!p0 $0x0, s1;
	[sflag:s0] =	ssyncset.done @!p0 $0x0  }
0xc7: {  	[sflag:s0] =	ssyncadd.s32 @!p0 s1  }
0xc8: {  	[bflag:$0x3] =	sbarrier.arrive $0xFFFF  }
0xc9: {  	_ =	shalt  }

// kernel: kernel.20.cloned.1.call-start
scs
__scs_entry_jumppad:
0x0: {  	(pc) =	sbr.rel $0x88, $3  }
0x1: {  	(tag) =	ssettag $0x0;
	lr =	simm.s32 $0x1  }
0x2: {  	[smem:$0x3F80] =	sst lr;
	_ =	strace $0xD0000000  }
0x3: {  	_ = 	snop  }
0x4: {  	_ = 	snop  }
0x5: {  	_ = 	snop  }
0x6: {  	_ = 	snop  }
0x7: {  	_ = 	snop  }
__scs_overlays_trampoline_lowered:
0x8: {  	[smem:$0x3F8F] =	sst s0  }
0x9: {  	[smem:$0x3F90] =	sst s1  }
0xa: {  	[smem:$0x3F91] =	sst s2  }
0xb: {  	[smem:$0x3F92] =	sst s3  }
0xc: {  	[smem:$0x3F93] =	sst s4  }
0xd: {  	[smem:$0x3F94] =	sst s5  }
0xe: {  	[smem:$0x3F95] =	sst s6  }
0xf: {  	[smem:$0x3F96] =	sst s7  }
0x10: {  	[smem:$0x3F97] =	sst s8  }
0x11: {  	[smem:$0x3F98] =	sst s9;
	s0 =	simm.s32 @!p0 $0x0  }
0x12: {  	s1 =	sld [smem:$0x3F7E];
	s0 =	simm.s32 @p0 $0x1  }
0x13: {  	[smem:$0x3F99] =	sst s0;
	s0 =	simm.s32 @!p1 $0x0  }
0x14: {  	s2 =	sld [smem:$0x3F7D];
	s0 =	simm.s32 @p1 $0x1  }
0x15: {  	[smem:$0x3F9A] =	sst s0;
	s0 =	simm.s32 @!p2 $0x0  }
0x16: {  	s3 =	sld [smem:$0x3FDB];
	s0 =	simm.s32 @p2 $0x1  }
0x17: {  	s4 =	simm.s32 $0x1BF5;
	[smem:$0x3F9C] =	sst s0  }
0x18: {  	s0 =	sld [smem:$0x3F7F];
	_ =	swait.ge [sflag:s4], $0x0  }
0x19: {  	s7 =	sld [smem:$0x3F80]  }
0x1a: {  	s8 =	sadd.s32 $0xFFFFE003, lr  }
0x1b: {  	s9 =	sadd.s32 $0xFFFFFEF7, lr;
	s5 =	simm.s32 $0xFFFFFFFF;
	p2 =	slt.u32 s8, $0xFFFFF086  }
0x1c: {  	p1 =	slt.u32 s9, $0xF7A;
	s5 =	simm.s32 @!p2 $0x0  }
0x1d: {  	s5 =	simm.s32 @p1 $0x1;
	p0 =	seq.s32 s7, s2  }
0x1e: {  	s7 =	smul.u32 @!p0 $0xF7A, s2;
	p2 =	seq.s32 @!p0 s5, $0x0  }
0x1f: {  	s9 =	smul.u32 $0xF7A, s1;
	s8 =	simm.s32 @!p0 $0x1BF5;
	p2 =	por !p2, p0  }
0x20: {  	[sflag:s8] =	ssyncset.s32 @!p0 $0xFFFFF086;
	s6 =	sadd.s32 @!p0 s3, s7;
	s7 =	simm.s32 @!p0 $0x108  }
0x21: {  	s3 =	sadd.s32 s3, s9;
	s6 =	sadd.s32 @!p0 $0x88, s6;
	s7 =	simm.s32 @p2 $0x1082  }
0x22: {  	[simem:s7], [sflag:s8] =	dma.local @!p0 [hbm:s6], $0xF7A  }
0x23: {  	s9 =	sor.u32 $0xD0000000, s2;
	s6 =	simm.s32 $0x108;
	_ =	swait.ge @!p0 [sflag:s8], $0x0  }
0x24: {  	s3 =	sadd.s32 $0x88, s3;
	s6 =	simm.s32 @!p1 $0x1082;
	[sflag:s4] =	ssyncset.s32 $0xFFFFF086  }
0x25: {  	[simem:s6], [sflag:s4] =	dma.local [hbm:s3], $0xF7A  }
0x26: {  	[smem:$0x3F80] =	sst s1;
	(tag) =	ssettag s2;
	_ =	strace s9  }
0x27: {  	s1 =	sld [smem:$0x3F90]  }
0x28: {  	s2 =	sld [smem:$0x3F91]  }
0x29: {  	s4 =	sld [smem:$0x3F93]  }
0x2a: {  	p0 =	seq.s32 s5, $0x0;
	s5 =	sld [smem:$0x3F94]  }
0x2b: {  	s6 =	sld [smem:$0x3F95]  }
0x2c: {  	s7 =	sld [smem:$0x3F96]  }
0x2d: {  	s3 =	simm.s32 $0x108;
	s8 =	sld [smem:$0x3F97]  }
0x2e: {  	s3 =	simm.s32 @!p0 $0x1082;
	s9 =	sld [smem:$0x3F98]  }
0x2f: {  	lr =	sadd.s32 s0, s3;
	s0 =	sld [smem:$0x3F8F]  }
0x30: {  	s3 =	sld [smem:$0x3F92]  }
0x31: {  	[smem:$0x3F9B] =	sst s10  }
0x32: {  	s10 =	sld [smem:$0x3F99];
	_ =	sdelay $0x3  }
0x33: {  	p0 =	seq.s32 s10, $0x1;
	s10 =	sld [smem:$0x3F9B];
	_ =	sdelay $0x3  }
0x34: {  	[smem:$0x3F9B] =	sst s10  }
0x35: {  	s10 =	sld [smem:$0x3F9A];
	_ =	sdelay $0x3  }
0x36: {  	p1 =	seq.s32 s10, $0x1;
	s10 =	sld [smem:$0x3F9B];
	_ =	sdelay $0x3  }
0x37: {  	[smem:$0x3F9B] =	sst s10  }
0x38: {  	s10 =	sld [smem:$0x3F9C]  }
0x39: {  	_ = 	snop;
	(pc) =	sbr.ind lr, $3  }
0x3a: {  	_ = 	snop  }
0x3b: {  	_ = 	snop  }
0x3c: {  	p2 =	seq.s32 s10, $0x1;
	s10 =	sld [smem:$0x3F9B]  }
0x3d: {  	_ =	shalt  }
0x3e: {  	_ =	shalt  }
0x3f: {  	_ =	shalt  }
0x40: {  	_ =	shalt  }
0x41: {  	_ =	shalt  }
0x42: {  	_ =	shalt  }
0x43: {  	_ =	shalt  }
0x44: {  	_ =	shalt  }
0x45: {  	_ =	shalt  }
0x46: {  	_ =	shalt  }
0x47: {  	_ =	shalt  }
0x48: {  	_ =	shalt  }
0x49: {  	_ =	shalt  }
0x4a: {  	_ =	shalt  }
0x4b: {  	_ =	shalt  }
0x4c: {  	_ =	shalt  }
0x4d: {  	_ =	shalt  }
0x4e: {  	_ =	shalt  }
0x4f: {  	_ =	shalt  }
0x50: {  	_ =	shalt  }
0x51: {  	_ =	shalt  }
0x52: {  	_ =	shalt  }
0x53: {  	_ =	shalt  }
0x54: {  	_ =	shalt  }
0x55: {  	_ =	shalt  }
0x56: {  	_ =	shalt  }
0x57: {  	_ =	shalt  }
0x58: {  	_ =	shalt  }
0x59: {  	_ =	shalt  }
0x5a: {  	_ =	shalt  }
0x5b: {  	_ =	shalt  }
0x5c: {  	_ =	shalt  }
0x5d: {  	_ =	shalt  }
0x5e: {  	_ =	shalt  }
0x5f: {  	_ =	shalt  }
0x60: {  	_ =	shalt  }
0x61: {  	_ =	shalt  }
0x62: {  	_ =	shalt  }
0x63: {  	_ =	shalt  }
0x64: {  	_ =	shalt  }
0x65: {  	_ =	shalt  }
0x66: {  	_ =	shalt  }
0x67: {  	_ =	shalt  }
0x68: {  	_ =	shalt  }
0x69: {  	_ =	shalt  }
0x6a: {  	_ =	shalt  }
0x6b: {  	_ =	shalt  }
0x6c: {  	_ =	shalt  }
0x6d: {  	_ =	shalt  }
0x6e: {  	_ =	shalt  }
0x6f: {  	_ =	shalt  }
0x70: {  	_ =	shalt  }
0x71: {  	_ =	shalt  }
0x72: {  	_ =	shalt  }
0x73: {  	_ =	shalt  }
0x74: {  	_ =	shalt  }
0x75: {  	_ =	shalt  }
0x76: {  	_ =	shalt  }
0x77: {  	_ =	shalt  }
0x78: {  	_ =	shalt  }
0x79: {  	_ =	shalt  }
0x7a: {  	_ =	shalt  }
0x7b: {  	_ =	shalt  }
0x7c: {  	_ =	shalt  }
0x7d: {  	_ =	shalt  }
0x7e: {  	_ =	shalt  }
0x7f: {  	_ =	shalt  }
0x80: {  	_ =	shalt  }
0x81: {  	_ =	shalt  }
0x82: {  	_ =	shalt  }
0x83: {  	_ =	shalt  }
0x84: {  	_ =	shalt  }
0x85: {  	_ =	shalt  }
0x86: {  	_ =	shalt  }
0x87: {  	_ =	shalt  }
.Lfunc_end0:
.L_simem_size_0:
called_computation.2_lowered:
.L_overlay_start_0:
0x88: {  	s2 =	sld [smem:$0x3FD9]  }
0x89: {  	s3 =	sld [smem:$0x3FFE];
	_ =	sdelay $0x1  }
0x8a: {  	s1 =	srdreg.scid  }
0x8b: {  	s0 =	sand.u32 $0x1, s1  }
0x8c: {  	s17 =	sshll.u32 s0, $0xA;
	s2 =	sadd.s32 s3, s2  }
0x8d: {  	s2 =	sadd.s32 s2, s17  }
0x8e: {  	[smem:$0x3FA7] =	sst s2  }
0x8f: {  	_ = 	snop  }
0x90: {  	(tm) =	ssettm $0x1  }
0x91: {  	s18 =	sld [smem:$0x3FFB];
	_ =	sdelay $0x3  }
0x92: {  	_ =	strace s18  }
0x93: {  	s2 =	sld [smem:$0x3FFC];
	_ =	sdelay $0x3  }
0x94: {  	_ =	strace s2  }
0x95: {  	s2 =	sld [smem:$0x3FFD];
	_ =	sdelay $0x3  }
0x96: {  	_ =	strace s2  }
0x97: {  	_ =	strace $0x8FFFFFFF  }
0x98: {  	s19 =	sld [smem:$0x3FDB];
	_ =	sdelay $0x1  }
0x99: {  	s20 =	simm.s32 $_scs_section_size  }
0x9a: {  	s4 =	simm.s32 $_size__tile_overlayer_lowered;
	s5 =	simm.s32 $_tile_overlayer_lowered  }
0x9b: {  	s6 =	simm.s32 $0x1BFF;
	s21 =	sshll.u32 s5, $0x1;
	s3 =	sadd.s32 s20, s19  }
0x9c: {  	s22 =	simm.s32 $0x0;
	s4 =	sshll.u32 s4, $0x1;
	s5 =	sadd.s32 s21, s3  }
0x9d: {  	[timem:s22], [sflag:s6] =	dma.local [hbm:s5], s4  }
0x9e: {  	_ =	swait.ge [sflag:s6], s4  }
0x9f: {  	s4 =	ssub.s32 $0x0, s4;
	[sflag:s6] =	ssyncset.done $0x0  }
0xa0: {  	[sflag:s6] =	ssyncadd.s32 s4;
	_ =	sdelay $0x1  }
0xa1: {  	s23 =	simm.s32 $0x1B8B  }
0xa2: {  	_ =	swait.ge [sflag:s23], $0x1  }
0xa3: {  	[sflag:s23] =	ssyncset.done $0x0  }
0xa4: {  	[sflag:s23] =	ssyncadd.s32 $0xFFFFFFFF  }
0xa5: {  	s4 =	sld [smem:$0x0]  }
0xa6: {  	s5 =	sand.u32 $0xFFFFFFFE, s1  }
0xa7: {  	p0 =	sne.s32 s1, s5  }
0xa8: {  	s5 =	sshll.u32 @p0 s5, $0xE  }
0xa9: {  	s5 =	sadd.s32 @p0 $0x11B8D, s5;
	s6 =	sshll.u32 @p0 s4, $0x11  }
0xaa: {  	s5 =	sor.u32 @p0 s6, s5  }
0xab: {  	[sflag:s5] =	ssyncadd.remote.s32 @p0 $0x1;
	_ =	sdelay $0x1  }
0xac: {  	s5 =	simm.s32 @p0 $0x1B8D  }
0xad: {  	_ =	swait.eq @p0 [sflag:s5], $0x1  }
0xae: {  	[sflag:s5] =	ssyncadd.s32 @p0 $0xFFFFFFFF  }
0xaf: {  	s6 =	sshll.u32 @!p0 s1, $0xE  }
0xb0: {  	s6 =	sor.u32 @!p0 $0x4000, s6;
	s5 =	simm.s32 @!p0 $0x1B8D  }
0xb1: {  	s4 =	sshll.u32 @!p0 s4, $0x11;
	s6 =	sadd.s32 @!p0 $0x11B8D, s6;
	_ =	swait.eq @!p0 [sflag:s5], $0x1  }
0xb2: {  	s4 =	sor.u32 @!p0 s4, s6;
	[sflag:s5] =	ssyncadd.s32 @!p0 $0xFFFFFFFF  }
0xb3: {  	s25 =	simm.s32 $0x1B8E;
	s24 =	sld [smem:$0x3FFE];
	[sflag:s4] =	ssyncadd.remote.s32 @!p0 $0x1  }
0xb4: {  	s26 =	simm.s32 $execute0_lowered;
	[smem:$0x3FD2] =	sst s25  }
0xb5: {  	s5 =	sshll.u32 s26, $0x1;
	_ =	strace $0x80000052;
	[dreg:$0x1] =	wrdreg $0xFFFFFFFF  }
0xb6: {  	s28 =	simm.s32 $_size_execute0_lowered;
	s3 =	sadd.s32 s3, s5;
	[dreg:$0x0] =	wrdreg $0x0  }
0xb7: {  	s5 =	sshll.u32 s28, $0x1;
	[dreg:$0x2] =	wrdreg s3  }
0xb8: {  	[dreg:$0x3] =	wrdreg s5  }
0xb9: {  	[dreg:$0x4] =	wrdreg $0xC0  }
0xba: {  	_ =	task [dreg:s22], $0x5FFFF  }
0xbb: {  	[dreg:$0x1] =	wrdreg $0xFFFFFFFF  }
0xbc: {  	[dreg:$0x0] =	wrdreg $0x60  }
0xbd: {  	[dreg:$0x2] =	wrdreg s24  }
0xbe: {  	[dreg:$0x3] =	wrdreg $0x0  }
0xbf: {  	[dreg:$0x4] =	wrdreg $0x9  }
0xc0: {  	_ =	task.clear_ibuf [dreg:s22], $0x5FFFF;
	_ =	strace $0x90000052  }
0xc1: {  	s29 =	simm.s32 $0x9;
	_ =	strace $0x80000054  }
0xc2: {  	_ =	swait.ge [sflag:s29], $0x1  }
0xc3: {  	[sflag:s29] =	ssyncadd.s32 $0xFFFFFFFF  }
0xc4: {  	_ =	strace $0x90000054  }
0xc5: {  	_ =	sfence  }
0xc6: {  	s30 =	sld [smem:$0x0];
	_ =	sdelay $0x2  }
0xc7: {  	s31 =	sshll.u32 s1, $0xD;
	s1 =	sshrl.u32 s1, $0x2  }
0xc8: {  	s4 =	sand.u32 $0x4000, s31;
	s1 =	sadd.s32 s1, s30  }
0xc9: {  	s0 =	sor.u32 s4, s0;
	s1 =	sshll.u32 s1, $0x11  }
0xca: {  	s0 =	sor.u32 s1, s0  }
0xcb: {  	s0 =	sadd.s32 $0x8F2B, s0  }
0xcc: {  	[sflag:s0] =	ssyncadd.remote.s32 $0x1  }
0xcd: {  	_ =	sfence.sel $0xFFFF  }
0xce: {  	[dreg:$0x0] =	wrdreg $0xFFFFFFFF;
	(pc) =	sbr.abs _section_cstart, $3  }
0xcf: {  	[dreg:$0x1] =	wrdreg $0xFFFFFFFF  }
0xd0: {  	_ =	task.clear_ibuf [dreg:s22], $0x2FFFF;
	_ =	strace $0x9FFFFFFF  }
0xd1: {  	(tm) =	ssettm $0x7FFFFFFF  }
tec
execute0_lowered:
.L_overlay_start_1:
0x0: {  	(tag) =	ssettag $0x1  }
0x1: {  	s0 =	rddreg [dreg:$0x0]  }
0x2: {  	s1 =	rddreg [dreg:$0x1];
	s2 =	simm.s32 $0x0  }
0x3: {  	s4 =	srdreg.scid;
	s8 =	stileid.u32;
	s28 =	simm.s32 $0xA600  }
0x4: {  	s29 =	simm.s32 $0x2;
	s30 =	simm.s32 $0x0;
	[smem:$0x7FF] =	sst s2  }
0x5: {  	s3 =	sadd.s32 $0x5600, s0;
	s5 =	sadd.s32 $0x36800, s0;
	s7 =	sadd.s32 $0x2C800, s0  }
0x6: {  	s9 =	sand.u32 $0x1, s4;
	s6 =	sshll.u32 s8, $0x1;
	s10 =	smul.u32 $0x13800, s8  }
0x7: {  	s4 =	sadd.s32 $0x40800, s0;
	s0 =	sadd.s32 $0x7C800, s0;
	s18 =	sshll.u32 s8, $0x6  }
0x8: {  	s20 =	sadd.s32 $0x9C000, s1;
	s23 =	smul.u32 $0x5000, s8;
	p0 =	sne.s32 s8, $0x0  }
0x9: {  	_ =	strace $0x80000053;
	s11 =	ssub.s32 $0x2, s9;
	s14 =	smul.u32 $0x138800, s9  }
0xa: {  	s6 =	sor.u32 s9, s6;
	[dreg:$0x4] =	wrdreg s20;
	s15 =	smul.u32 $0x2800, s9  }
0xb: {  	s20 =	simm.s32 $0xA000;
	s12 =	sshrl.u32 s11, $0x1;
	s13 =	sshrl.u32 s10, $0x1  }
0xc: {  	s6 =	smul.u32 $0x2800, s6;
	s11 =	ssub.s32 s11, s12;
	s17 =	sadd.s32 s13, s1  }
0xd: {  	s10 =	sadd.s32 s10, s14;
	s22 =	sshrl.u32 s14, $0x4;
	s16 =	sadd.s32 s15, s23  }
0xe: {  	s23 =	simm.s32 $0xA200;
	[dreg:$0x3] =	wrdreg s17;
	s19 =	sshrl.u32 s6, $0x3  }
0xf: {  	s6 =	sor.u32 $0x1C03, s18;
	s10 =	sshrl.u32 s10, $0x4;
	s12 =	sadd.s32 s0, s22  }
0x10: {  	s11 =	smax.u32 s11, $0x1;
	s15 =	sor.u32 $0x400, s16;
	s17 =	sor.u32 $0x200, s16  }
0x11: {  	s18 =	sshrl.u32 s16, $0x3;
	s22 =	simm.s32 $0xA800;
	s21 =	sadd.s32 s5, s19  }
0x12: {  	s0 =	sadd.s32 s0, s10;
	s24 =	sadd.s32 $0x13800, s12;
	s25 =	sadd.s32 $0x4C0, s19  }
0x13: {  	s13 =	sadd.s32 s7, s19;
	s26 =	sshrl.u32 s15, $0x3;
	[dreg:$0x5] =	wrdreg s21  }
0x14: {  	s31 =	sshrl.u32 s17, $0x3;
	s18 =	sadd.s32 s18, s7;
	[dreg:$0x6] =	wrdreg s0  }
0x15: {  	s19 =	simm.s32 $0x3;
	[dreg:$0x7] =	wrdreg s24;
	s12 =	sadd.s32 s5, s25  }
0x16: {  	s13 =	sadd.s32 $0x480, s13;
	s14 =	sadd.s32 s7, s25;
	s15 =	sadd.s32 s26, s5  }
0x17: {  	s16 =	sadd.s32 s31, s7;
	s17 =	sadd.s32 s31, s5;
	s21 =	simm.s32 $0x200  }
0x18: {  	s24 =	simm.s32 $0x12800;
	s25 =	simm.s32 $0xA400;
	s26 =	simm.s32 $0x1  }
.LBB2_1:
0x19: {  	s0 =	rddreg [dreg:$0x3]  }
0x1a: {  	s31 =	sshrl.u32 s0, $0x3  }
0x1b: {  	[spmem:s31], [sflag:s6] =	dma.local [hbm:s4], $0x1380  }
0x1c: {  	_ =	swait.ge [sflag:s19], $0x1380  }
0x1d: {  	[sflag:s19] =	ssyncset.done $0x0;
	s0 =	rddreg [dreg:$0x4]  }
0x1e: {  	s5 =	simm.s32 @!p0 $0x3;
	[sflag:s19] =	ssyncadd.s32 $0xFFFFEC80;
	s0 =	sshrl.u32 @!p0 s0, $0x3  }
0x1f: {  	[spmem:s0], [sflag:s6] =	dma.local @!p0 [hbm:s4], $0x80  }
0x20: {  	_ =	swait.ge @!p0 [sflag:s5], $0x80  }
0x21: {  	[sflag:s5] =	ssyncset.done @!p0 $0x0  }
0x22: {  	s10 =	rddreg [dreg:$0x5];
	[sflag:s5] =	ssyncadd.s32 @!p0 $0xFFFFFF80  }
0x23: {  	[tilespmem:s20], [sflag:$0x3] =	stream.linear.gather [hbm4b:s10+s2], $0x200, $0x38;
	[tilespmem:$0x1A800] =	vst v63  }
0x24: {  	_ =	swait.ge [sflag:s19], $0x200  }
0x25: {  	[sflag:s19] =	ssyncset.done $0x0  }
0x26: {  	[sflag:s19] =	ssyncadd.s32 $0xFFFFFE00  }
0x27: {  	[tilespmem:s22], [sflag:$0x1] =	stream.indirect.gather [hbm4b:s3+s21], $0x40, s20, s21, $0xb8;
	[tilespmem:$0x1A800] =	vst v63  }
0x28: {  	s7 =	sadd.s32 $0x0, s17;
	[bflag:$0x0] =	sbarrier.arrive $0xFFFF  }
0x29: {  	[tilespmem:s23], [sflag:$0x3] =	stream.linear.gather [hbm4b:s7+s2], $0x200, $0x38;
	[tilespmem:$0x1A800] =	vst v63  }
0x2a: {  	_ =	swait.ge [sflag:s19], $0x200  }
0x2b: {  	[sflag:s19] =	ssyncset.done $0x0  }
0x2c: {  	[sflag:s19] =	ssyncadd.s32 $0xFFFFFE00  }
0x2d: {  	[tilespmem:s24], [sflag:$0x2] =	stream.indirect.gather [hbm4b:s3+s21], $0x40, s23, s21, $0xb8;
	[tilespmem:$0x1A800] =	vst v63  }
0x2e: {  	s8 =	sadd.s32 $0x0, s18  }
0x2f: {  	[tilespmem:s25], [sflag:$0x3] =	stream.linear.gather [hbm4b:s8+s2], $0x200, $0x38;
	[tilespmem:$0x1A800] =	vst v63  }
0x30: {  	_ =	swait.ge [sflag:s19], $0x200  }
0x31: {  	[sflag:s19] =	ssyncset.done $0x0  }
0x32: {  	[sflag:s19] =	ssyncadd.s32 $0xFFFFFE00  }
0x33: {  	_ =	swait.ge [sflag:s26], $0x8000  }
0x34: {  	[sflag:s26] =	ssyncset.done $0x0  }
0x35: {  	[sflag:s26] =	ssyncadd.s32 $0xFFFF8000  }
0x36: {  	[spmem:s1] =	stream.indirect.scatter.add.bf16 [tilespmem:s22], [sflag:$0x3], $0x40, s25, s21, $0xb8;
	[tilespmem:$0x1A800] =	vst v63  }
0x37: {  	_ =	swait.ge [sflag:s19], $0x8000  }
0x38: {  	[sflag:s19] =	ssyncset.done $0x0  }
0x39: {  	s9 =	sadd.s32 $0x0, s15;
	[sflag:s19] =	ssyncadd.s32 $0xFFFF8000  }
0x3a: {  	[tilespmem:s20], [sflag:$0x3] =	stream.linear.gather [hbm4b:s9+s2], $0x200, $0x38;
	[tilespmem:$0x1A800] =	vst v63  }
0x3b: {  	_ =	swait.ge [sflag:s19], $0x200  }
0x3c: {  	[sflag:s19] =	ssyncset.done $0x0  }
0x3d: {  	[sflag:s19] =	ssyncadd.s32 $0xFFFFFE00  }
0x3e: {  	[tilespmem:s22], [sflag:$0x1] =	stream.indirect.gather [hbm4b:s3+s21], $0x40, s20, s21, $0xb8;
	[tilespmem:$0x1A800] =	vst v63  }
0x3f: {  	s10 =	sadd.s32 $0x0, s16  }
0x40: {  	[tilespmem:s28], [sflag:$0x3] =	stream.linear.gather [hbm4b:s10+s2], $0x200, $0x38;
	[tilespmem:$0x1A800] =	vst v63  }
0x41: {  	_ =	swait.ge [sflag:s19], $0x200  }
0x42: {  	[sflag:s19] =	ssyncset.done $0x0  }
0x43: {  	[sflag:s19] =	ssyncadd.s32 $0xFFFFFE00  }
0x44: {  	_ =	swait.ge [sflag:s29], $0x8000  }
0x45: {  	[sflag:s29] =	ssyncset.done $0x0  }
0x46: {  	[sflag:s29] =	ssyncadd.s32 $0xFFFF8000  }
0x47: {  	[spmem:s1] =	stream.indirect.scatter.add.bf16 [tilespmem:s24], [sflag:$0x3], $0x40, s28, s21, $0xb8;
	[tilespmem:$0x1A800] =	vst v63  }
0x48: {  	_ =	swait.ge [sflag:s19], $0x8000  }
0x49: {  	s5 =	simm.s32 $0x80;
	s7 =	simm.s32 $0x100;
	[sflag:s19] =	ssyncset.done $0x0  }
.LBB2_2:
0x4a: {  	s9 =	sadd.s32 s5, s17  }
0x4b: {  	[sflag:s19] =	ssyncadd.s32 $0xFFFF8000;
	s10 =	smov.u32 s7;
	s8 =	sadd.s32 $0x80, s7  }
0x4c: {  	[tilespmem:s23], [sflag:$0x3] =	stream.linear.gather [hbm4b:s9+s2], $0x200, $0x38;
	[tilespmem:$0x1A800] =	vst v63  }
0x4d: {  	p1 =	sne.s32 s7, $0x400;
	_ =	swait.ge [sflag:s19], $0x200  }
0x4e: {  	[sflag:s19] =	ssyncset.done $0x0  }
0x4f: {  	[sflag:s19] =	ssyncadd.s32 $0xFFFFFE00  }
0x50: {  	[tilespmem:s24], [sflag:$0x2] =	stream.indirect.gather [hbm4b:s3+s21], $0x40, s23, s21, $0xb8;
	[tilespmem:$0x1A800] =	vst v63  }
0x51: {  	s7 =	sadd.s32 s5, s18  }
0x52: {  	[tilespmem:s25], [sflag:$0x3] =	stream.linear.gather [hbm4b:s7+s2], $0x200, $0x38;
	[tilespmem:$0x1A800] =	vst v63  }
0x53: {  	_ =	swait.ge [sflag:s19], $0x200  }
0x54: {  	[sflag:s19] =	ssyncset.done $0x0  }
0x55: {  	[sflag:s19] =	ssyncadd.s32 $0xFFFFFE00  }
0x56: {  	_ =	swait.ge [sflag:s26], $0x8000  }
0x57: {  	[sflag:s26] =	ssyncset.done $0x0  }
0x58: {  	[sflag:s26] =	ssyncadd.s32 $0xFFFF8000  }
0x59: {  	[spmem:s1] =	stream.indirect.scatter.add.bf16 [tilespmem:s22], [sflag:$0x3], $0x40, s25, s21, $0xb8;
	[tilespmem:$0x1A800] =	vst v63  }
0x5a: {  	_ =	swait.ge [sflag:s19], $0x8000  }
0x5b: {  	[sflag:s19] =	ssyncset.done $0x0  }
0x5c: {  	s7 =	sadd.s32 s5, s15;
	[sflag:s19] =	ssyncadd.s32 $0xFFFF8000  }
0x5d: {  	[tilespmem:s20], [sflag:$0x3] =	stream.linear.gather [hbm4b:s7+s2], $0x200, $0x38;
	[tilespmem:$0x1A800] =	vst v63  }
0x5e: {  	_ =	swait.ge [sflag:s19], $0x200  }
0x5f: {  	[sflag:s19] =	ssyncset.done $0x0  }
0x60: {  	[sflag:s19] =	ssyncadd.s32 $0xFFFFFE00  }
0x61: {  	[tilespmem:s22], [sflag:$0x1] =	stream.indirect.gather [hbm4b:s3+s21], $0x40, s20, s21, $0xb8;
	[tilespmem:$0x1A800] =	vst v63  }
0x62: {  	s7 =	sadd.s32 s5, s16;
	s5 =	smov.u32 s10  }
0x63: {  	[tilespmem:s28], [sflag:$0x3] =	stream.linear.gather [hbm4b:s7+s2], $0x200, $0x38;
	[tilespmem:$0x1A800] =	vst v63  }
0x64: {  	_ =	swait.ge [sflag:s19], $0x200  }
0x65: {  	[sflag:s19] =	ssyncset.done $0x0  }
0x66: {  	[sflag:s19] =	ssyncadd.s32 $0xFFFFFE00  }
0x67: {  	_ =	swait.ge [sflag:s29], $0x8000  }
.Ltmp0:
0x68: {  	[sflag:s29] =	ssyncset.done $0x0;
	(pc) =	sbr.rel @p1 .LBB2_2-.Ltmp0, $4  }
0x69: {  	[sflag:s29] =	ssyncadd.s32 $0xFFFF8000  }
0x6a: {  	[spmem:s1] =	stream.indirect.scatter.add.bf16 [tilespmem:s24], [sflag:$0x3], $0x40, s28, s21, $0xb8;
	[tilespmem:$0x1A800] =	vst v63  }
0x6b: {  	_ =	swait.ge [sflag:s19], $0x8000  }
0x6c: {  	s7 =	smov.u32 s8;
	[sflag:s19] =	ssyncset.done $0x0  }
0x6d: {  	s7 =	sadd.s32 s5, s17;
	[sflag:s19] =	ssyncadd.s32 $0xFFFF8000  }
0x6e: {  	[tilespmem:s23], [sflag:$0x3] =	stream.linear.gather [hbm4b:s7+s2], $0x200, $0x38;
	[tilespmem:$0x1A800] =	vst v63  }
0x6f: {  	_ =	swait.ge [sflag:s19], $0x200  }
0x70: {  	[sflag:s19] =	ssyncset.done $0x0  }
0x71: {  	[sflag:s19] =	ssyncadd.s32 $0xFFFFFE00  }
0x72: {  	[tilespmem:s24], [sflag:$0x2] =	stream.indirect.gather [hbm4b:s3+s21], $0x40, s23, s21, $0xb8;
	[tilespmem:$0x1A800] =	vst v63  }
0x73: {  	s10 =	sadd.s32 s5, s18  }
0x74: {  	[tilespmem:s25], [sflag:$0x3] =	stream.linear.gather [hbm4b:s10+s2], $0x200, $0x38;
	[tilespmem:$0x1A800] =	vst v63  }
0x75: {  	_ =	swait.ge [sflag:s19], $0x200  }
0x76: {  	[sflag:s19] =	ssyncset.done $0x0  }
0x77: {  	[sflag:s19] =	ssyncadd.s32 $0xFFFFFE00  }
0x78: {  	_ =	swait.ge [sflag:s26], $0x8000  }
0x79: {  	[sflag:s26] =	ssyncset.done $0x0  }
0x7a: {  	[sflag:s26] =	ssyncadd.s32 $0xFFFF8000  }
0x7b: {  	[spmem:s1] =	stream.indirect.scatter.add.bf16 [tilespmem:s22], [sflag:$0x3], $0x40, s25, s21, $0xb8;
	[tilespmem:$0x1A800] =	vst v63  }
0x7c: {  	_ =	swait.ge [sflag:s19], $0x8000  }
0x7d: {  	[sflag:s19] =	ssyncset.done $0x0  }
0x7e: {  	s8 =	sadd.s32 s5, s15;
	[sflag:s19] =	ssyncadd.s32 $0xFFFF8000  }
0x7f: {  	[tilespmem:s20], [sflag:$0x3] =	stream.linear.gather [hbm4b:s8+s2], $0x200, $0x38;
	[tilespmem:$0x1A800] =	vst v63  }
0x80: {  	_ =	swait.ge [sflag:s19], $0x200  }
0x81: {  	[sflag:s19] =	ssyncset.done $0x0  }
0x82: {  	[sflag:s19] =	ssyncadd.s32 $0xFFFFFE00  }
0x83: {  	[tilespmem:s22], [sflag:$0x1] =	stream.indirect.gather [hbm4b:s3+s21], $0x40, s20, s21, $0xb8;
	[tilespmem:$0x1A800] =	vst v63  }
0x84: {  	s9 =	sadd.s32 s5, s16  }
0x85: {  	[tilespmem:s28], [sflag:$0x3] =	stream.linear.gather [hbm4b:s9+s2], $0x200, $0x38;
	[tilespmem:$0x1A800] =	vst v63  }
0x86: {  	_ =	swait.ge [sflag:s19], $0x200  }
0x87: {  	[sflag:s19] =	ssyncset.done $0x0  }
0x88: {  	[sflag:s19] =	ssyncadd.s32 $0xFFFFFE00  }
0x89: {  	_ =	swait.ge [sflag:s29], $0x8000  }
0x8a: {  	[sflag:s29] =	ssyncset.done $0x0  }
0x8b: {  	[sflag:s29] =	ssyncadd.s32 $0xFFFF8000  }
0x8c: {  	[spmem:s1] =	stream.indirect.scatter.add.bf16 [tilespmem:s24], [sflag:$0x3], $0x40, s28, s21, $0xb8;
	[tilespmem:$0x1A800] =	vst v63  }
0x8d: {  	_ =	swait.ge [sflag:s19], $0x8000  }
0x8e: {  	[sflag:s19] =	ssyncset.done $0x0  }
0x8f: {  	[sflag:s19] =	ssyncadd.s32 $0xFFFF8000  }
0x90: {  	[tilespmem:s23], [sflag:$0x3] =	stream.linear.gather [hbm4b:s12+s2], $0x200, $0x38;
	[tilespmem:$0x1A800] =	vst v63  }
0x91: {  	_ =	swait.ge [sflag:s19], $0x200  }
0x92: {  	[sflag:s19] =	ssyncset.done $0x0  }
0x93: {  	[sflag:s19] =	ssyncadd.s32 $0xFFFFFE00  }
0x94: {  	[tilespmem:s24], [sflag:$0x2] =	stream.indirect.gather [hbm4b:s3+s21], $0x40, s23, s21, $0xb8;
	[tilespmem:$0x1A800] =	vst v63  }
0x95: {  	_ = 	snop  }
0x96: {  	[tilespmem:s25], [sflag:$0x3] =	stream.linear.gather [hbm4b:s13+s2], $0x200, $0x38;
	[tilespmem:$0x1A800] =	vst v63  }
0x97: {  	_ =	swait.ge [sflag:s19], $0x200  }
0x98: {  	[sflag:s19] =	ssyncset.done $0x0  }
0x99: {  	[sflag:s19] =	ssyncadd.s32 $0xFFFFFE00  }
0x9a: {  	_ =	swait.ge [sflag:s26], $0x8000  }
0x9b: {  	[sflag:s26] =	ssyncset.done $0x0  }
0x9c: {  	[sflag:s26] =	ssyncadd.s32 $0xFFFF8000  }
0x9d: {  	[spmem:s1] =	stream.indirect.scatter.add.bf16 [tilespmem:s22], [sflag:$0x3], $0x40, s25, s21, $0xb8;
	[tilespmem:$0x1A800] =	vst v63  }
0x9e: {  	_ =	swait.ge [sflag:s19], $0x8000  }
0x9f: {  	[sflag:s19] =	ssyncset.done $0x0  }
0xa0: {  	[sflag:s19] =	ssyncadd.s32 $0xFFFF8000  }
0xa1: {  	[tilespmem:s28], [sflag:$0x3] =	stream.linear.gather [hbm4b:s14+s2], $0x200, $0x38;
	[tilespmem:$0x1A800] =	vst v63  }
0xa2: {  	_ =	swait.ge [sflag:s19], $0x200  }
0xa3: {  	[sflag:s19] =	ssyncset.done $0x0  }
0xa4: {  	[sflag:s19] =	ssyncadd.s32 $0xFFFFFE00  }
0xa5: {  	_ =	swait.ge [sflag:s29], $0x8000  }
0xa6: {  	[sflag:s29] =	ssyncset.done $0x0  }
0xa7: {  	[sflag:s29] =	ssyncadd.s32 $0xFFFF8000  }
0xa8: {  	[spmem:s1] =	stream.indirect.scatter.add.bf16 [tilespmem:s24], [sflag:$0x3], $0x40, s28, s21, $0xb8;
	[tilespmem:$0x1A800] =	vst v63  }
0xa9: {  	_ =	swait.ge [sflag:s19], $0x8000  }
0xaa: {  	[sflag:s19] =	ssyncset.done $0x0  }
0xab: {  	[sflag:s19] =	ssyncadd.s32 $0xFFFF8000  }
0xac: {  	[bflag:$0x0] =	sbarrier.arrive $0xFFFF  }
0xad: {  	s10 =	rddreg [dreg:$0x6]  }
0xae: {  	[hbm:s10], [sflag:s6] =	dma.local [spmem:s31], $0x1380  }
0xaf: {  	_ =	swait.ge [sflag:s19], $0x1380  }
0xb0: {  	s30 =	sadd.s32 $0x1, s30;
	[sflag:s19] =	ssyncset.done $0x0  }
0xb1: {  	p1 =	sne.s32 s30, s11;
	s5 =	rddreg [dreg:$0x7];
	[sflag:s19] =	ssyncadd.s32 $0xFFFFEC80  }
0xb2: {  	[hbm:s5], [sflag:s6] =	dma.local @!p0 [spmem:s0], $0x80  }
.Ltmp1:
0xb3: {  	_ = 	snop;
	(pc) =	sbr.rel @p1 .LBB2_1-.Ltmp1, $4  }
0xb4: {  	s0 =	simm.s32 @!p0 $0x3  }
0xb5: {  	_ =	swait.ge @!p0 [sflag:s0], $0x80  }
0xb6: {  	[sflag:s0] =	ssyncset.done @!p0 $0x0  }
0xb7: {  	[sflag:s0] =	ssyncadd.s32 @!p0 $0xFFFFFF80  }
0xb8: {  	_ =	sfence.sel $0x180000  }
0xb9: {  	[bflag:$0x0] =	sbarrier.arrive $0xFFFF  }
0xba: {  	_ =	strace $0x90000053  }
0xbb: {  	[bflag:$0x2] =	sbarrier.arrive $0xFFFF  }
0xbc: {  	s0 =	rddreg [dreg:$0x2]  }
0xbd: {  	s0 =	sadd.s32 @!p0 $0x100000, s0  }
0xbe: {  	[sflag:s0] =	ssyncadd.tile.s32 @!p0 $0x1;
	_ =	shalt  }
.Lfunc_end2:
_tile_overlayer_lowered:
.L_overlay_start_2:
0xbf: {  	(tag) =	ssettag $0x2  }
0xc0: {  	s0 =	rddreg [dreg:$0x0];
	s2 =	stileid.u32  }
0xc1: {  	s1 =	rddreg [dreg:$0x1];
	p0 =	sne.s32 s2, $0x0  }
0xc2: {  	s3 =	rddreg [dreg:$0x2];
	[bflag:$0x3] =	sbarrier.arrive $0xFFFF;
	s2 =	simm.s32 @!p0 $0x1C03  }
0xc3: {  	[timem:s3], [sflag:s2] =	dma.local @!p0 [hbm:s0], s1  }
0xc4: {  	s0 =	simm.s32 @!p0 $0x3  }
0xc5: {  	_ =	swait.ge @!p0 [sflag:s0], s1  }
0xc6: {  	s1 =	ssub.s32 @!p0 $0x0, s1;
	[sflag:s0] =	ssyncset.done @!p0 $0x0  }
0xc7: {  	[sflag:s0] =	ssyncadd.s32 @!p0 s1  }
0xc8: {  	[bflag:$0x3] =	sbarrier.arrive $0xFFFF  }
0xc9: {  	_ =	shalt  }

// kernel: kernel.23.cloned.1.call-start
scs
__scs_entry_jumppad:
0x0: {  	(pc) =	sbr.rel $0x88, $3  }
0x1: {  	(tag) =	ssettag $0x0;
	lr =	simm.s32 $0x1  }
0x2: {  	[smem:$0x3F80] =	sst lr;
	_ =	strace $0xD0000000  }
0x3: {  	_ = 	snop  }
0x4: {  	_ = 	snop  }
0x5: {  	_ = 	snop  }
0x6: {  	_ = 	snop  }
0x7: {  	_ = 	snop  }
__scs_overlays_trampoline_lowered:
0x8: {  	[smem:$0x3F8F] =	sst s0  }
0x9: {  	[smem:$0x3F90] =	sst s1  }
0xa: {  	[smem:$0x3F91] =	sst s2  }
0xb: {  	[smem:$0x3F92] =	sst s3  }
0xc: {  	[smem:$0x3F93] =	sst s4  }
0xd: {  	[smem:$0x3F94] =	sst s5  }
0xe: {  	[smem:$0x3F95] =	sst s6  }
0xf: {  	[smem:$0x3F96] =	sst s7  }
0x10: {  	[smem:$0x3F97] =	sst s8  }
0x11: {  	[smem:$0x3F98] =	sst s9;
	s0 =	simm.s32 @!p0 $0x0  }
0x12: {  	s1 =	sld [smem:$0x3F7E];
	s0 =	simm.s32 @p0 $0x1  }
0x13: {  	[smem:$0x3F99] =	sst s0;
	s0 =	simm.s32 @!p1 $0x0  }
0x14: {  	s2 =	sld [smem:$0x3F7D];
	s0 =	simm.s32 @p1 $0x1  }
0x15: {  	[smem:$0x3F9A] =	sst s0;
	s0 =	simm.s32 @!p2 $0x0  }
0x16: {  	s3 =	sld [smem:$0x3FDB];
	s0 =	simm.s32 @p2 $0x1  }
0x17: {  	s4 =	simm.s32 $0x1BF5;
	[smem:$0x3F9C] =	sst s0  }
0x18: {  	s0 =	sld [smem:$0x3F7F];
	_ =	swait.ge [sflag:s4], $0x0  }
0x19: {  	s7 =	sld [smem:$0x3F80]  }
0x1a: {  	s8 =	sadd.s32 $0xFFFFE003, lr  }
0x1b: {  	s9 =	sadd.s32 $0xFFFFFEF7, lr;
	s5 =	simm.s32 $0xFFFFFFFF;
	p2 =	slt.u32 s8, $0xFFFFF086  }
0x1c: {  	p1 =	slt.u32 s9, $0xF7A;
	s5 =	simm.s32 @!p2 $0x0  }
0x1d: {  	s5 =	simm.s32 @p1 $0x1;
	p0 =	seq.s32 s7, s2  }
0x1e: {  	s7 =	smul.u32 @!p0 $0xF7A, s2;
	p2 =	seq.s32 @!p0 s5, $0x0  }
0x1f: {  	s9 =	smul.u32 $0xF7A, s1;
	s8 =	simm.s32 @!p0 $0x1BF5;
	p2 =	por !p2, p0  }
0x20: {  	[sflag:s8] =	ssyncset.s32 @!p0 $0xFFFFF086;
	s6 =	sadd.s32 @!p0 s3, s7;
	s7 =	simm.s32 @!p0 $0x108  }
0x21: {  	s3 =	sadd.s32 s3, s9;
	s6 =	sadd.s32 @!p0 $0x88, s6;
	s7 =	simm.s32 @p2 $0x1082  }
0x22: {  	[simem:s7], [sflag:s8] =	dma.local @!p0 [hbm:s6], $0xF7A  }
0x23: {  	s9 =	sor.u32 $0xD0000000, s2;
	s6 =	simm.s32 $0x108;
	_ =	swait.ge @!p0 [sflag:s8], $0x0  }
0x24: {  	s3 =	sadd.s32 $0x88, s3;
	s6 =	simm.s32 @!p1 $0x1082;
	[sflag:s4] =	ssyncset.s32 $0xFFFFF086  }
0x25: {  	[simem:s6], [sflag:s4] =	dma.local [hbm:s3], $0xF7A  }
0x26: {  	[smem:$0x3F80] =	sst s1;
	(tag) =	ssettag s2;
	_ =	strace s9  }
0x27: {  	s1 =	sld [smem:$0x3F90]  }
0x28: {  	s2 =	sld [smem:$0x3F91]  }
0x29: {  	s4 =	sld [smem:$0x3F93]  }
0x2a: {  	p0 =	seq.s32 s5, $0x0;
	s5 =	sld [smem:$0x3F94]  }
0x2b: {  	s6 =	sld [smem:$0x3F95]  }
0x2c: {  	s7 =	sld [smem:$0x3F96]  }
0x2d: {  	s3 =	simm.s32 $0x108;
	s8 =	sld [smem:$0x3F97]  }
0x2e: {  	s3 =	simm.s32 @!p0 $0x1082;
	s9 =	sld [smem:$0x3F98]  }
0x2f: {  	lr =	sadd.s32 s0, s3;
	s0 =	sld [smem:$0x3F8F]  }
0x30: {  	s3 =	sld [smem:$0x3F92]  }
0x31: {  	[smem:$0x3F9B] =	sst s10  }
0x32: {  	s10 =	sld [smem:$0x3F99];
	_ =	sdelay $0x3  }
0x33: {  	p0 =	seq.s32 s10, $0x1;
	s10 =	sld [smem:$0x3F9B];
	_ =	sdelay $0x3  }
0x34: {  	[smem:$0x3F9B] =	sst s10  }
0x35: {  	s10 =	sld [smem:$0x3F9A];
	_ =	sdelay $0x3  }
0x36: {  	p1 =	seq.s32 s10, $0x1;
	s10 =	sld [smem:$0x3F9B];
	_ =	sdelay $0x3  }
0x37: {  	[smem:$0x3F9B] =	sst s10  }
0x38: {  	s10 =	sld [smem:$0x3F9C]  }
0x39: {  	_ = 	snop;
	(pc) =	sbr.ind lr, $3  }
0x3a: {  	_ = 	snop  }
0x3b: {  	_ = 	snop  }
0x3c: {  	p2 =	seq.s32 s10, $0x1;
	s10 =	sld [smem:$0x3F9B]  }
0x3d: {  	_ =	shalt  }
0x3e: {  	_ =	shalt  }
0x3f: {  	_ =	shalt  }
0x40: {  	_ =	shalt  }
0x41: {  	_ =	shalt  }
0x42: {  	_ =	shalt  }
0x43: {  	_ =	shalt  }
0x44: {  	_ =	shalt  }
0x45: {  	_ =	shalt  }
0x46: {  	_ =	shalt  }
0x47: {  	_ =	shalt  }
0x48: {  	_ =	shalt  }
0x49: {  	_ =	shalt  }
0x4a: {  	_ =	shalt  }
0x4b: {  	_ =	shalt  }
0x4c: {  	_ =	shalt  }
0x4d: {  	_ =	shalt  }
0x4e: {  	_ =	shalt  }
0x4f: {  	_ =	shalt  }
0x50: {  	_ =	shalt  }
0x51: {  	_ =	shalt  }
0x52: {  	_ =	shalt  }
0x53: {  	_ =	shalt  }
0x54: {  	_ =	shalt  }
0x55: {  	_ =	shalt  }
0x56: {  	_ =	shalt  }
0x57: {  	_ =	shalt  }
0x58: {  	_ =	shalt  }
0x59: {  	_ =	shalt  }
0x5a: {  	_ =	shalt  }
0x5b: {  	_ =	shalt  }
0x5c: {  	_ =	shalt  }
0x5d: {  	_ =	shalt  }
0x5e: {  	_ =	shalt  }
0x5f: {  	_ =	shalt  }
0x60: {  	_ =	shalt  }
0x61: {  	_ =	shalt  }
0x62: {  	_ =	shalt  }
0x63: {  	_ =	shalt  }
0x64: {  	_ =	shalt  }
0x65: {  	_ =	shalt  }
0x66: {  	_ =	shalt  }
0x67: {  	_ =	shalt  }
0x68: {  	_ =	shalt  }
0x69: {  	_ =	shalt  }
0x6a: {  	_ =	shalt  }
0x6b: {  	_ =	shalt  }
0x6c: {  	_ =	shalt  }
0x6d: {  	_ =	shalt  }
0x6e: {  	_ =	shalt  }
0x6f: {  	_ =	shalt  }
0x70: {  	_ =	shalt  }
0x71: {  	_ =	shalt  }
0x72: {  	_ =	shalt  }
0x73: {  	_ =	shalt  }
0x74: {  	_ =	shalt  }
0x75: {  	_ =	shalt  }
0x76: {  	_ =	shalt  }
0x77: {  	_ =	shalt  }
0x78: {  	_ =	shalt  }
0x79: {  	_ =	shalt  }
0x7a: {  	_ =	shalt  }
0x7b: {  	_ =	shalt  }
0x7c: {  	_ =	shalt  }
0x7d: {  	_ =	shalt  }
0x7e: {  	_ =	shalt  }
0x7f: {  	_ =	shalt  }
0x80: {  	_ =	shalt  }
0x81: {  	_ =	shalt  }
0x82: {  	_ =	shalt  }
0x83: {  	_ =	shalt  }
0x84: {  	_ =	shalt  }
0x85: {  	_ =	shalt  }
0x86: {  	_ =	shalt  }
0x87: {  	_ =	shalt  }
.Lfunc_end0:
.L_simem_size_0:
called_computation.3_lowered:
.L_overlay_start_0:
0x88: {  	s2 =	sld [smem:$0x3FD9]  }
0x89: {  	s3 =	sld [smem:$0x3FFE];
	_ =	sdelay $0x1  }
0x8a: {  	s1 =	srdreg.scid  }
0x8b: {  	s0 =	sand.u32 $0x1, s1  }
0x8c: {  	s17 =	sshll.u32 s0, $0xA;
	s2 =	sadd.s32 s3, s2  }
0x8d: {  	s2 =	sadd.s32 s2, s17  }
0x8e: {  	[smem:$0x3FA7] =	sst s2  }
0x8f: {  	_ = 	snop  }
0x90: {  	(tm) =	ssettm $0x1  }
0x91: {  	s18 =	sld [smem:$0x3FFB];
	_ =	sdelay $0x3  }
0x92: {  	_ =	strace s18  }
0x93: {  	s2 =	sld [smem:$0x3FFC];
	_ =	sdelay $0x3  }
0x94: {  	_ =	strace s2  }
0x95: {  	s2 =	sld [smem:$0x3FFD];
	_ =	sdelay $0x3  }
0x96: {  	_ =	strace s2  }
0x97: {  	_ =	strace $0x8FFFFFFF  }
0x98: {  	s19 =	sld [smem:$0x3FDB];
	_ =	sdelay $0x1  }
0x99: {  	s20 =	simm.s32 $_scs_section_size  }
0x9a: {  	s4 =	simm.s32 $_size__tile_overlayer_lowered;
	s5 =	simm.s32 $_tile_overlayer_lowered  }
0x9b: {  	s6 =	simm.s32 $0x1BFF;
	s21 =	sshll.u32 s5, $0x1;
	s3 =	sadd.s32 s20, s19  }
0x9c: {  	s22 =	simm.s32 $0x0;
	s4 =	sshll.u32 s4, $0x1;
	s5 =	sadd.s32 s21, s3  }
0x9d: {  	[timem:s22], [sflag:s6] =	dma.local [hbm:s5], s4  }
0x9e: {  	_ =	swait.ge [sflag:s6], s4  }
0x9f: {  	s4 =	ssub.s32 $0x0, s4;
	[sflag:s6] =	ssyncset.done $0x0  }
0xa0: {  	[sflag:s6] =	ssyncadd.s32 s4;
	_ =	sdelay $0x1  }
0xa1: {  	s23 =	simm.s32 $0x1B8B  }
0xa2: {  	_ =	swait.ge [sflag:s23], $0x1  }
0xa3: {  	[sflag:s23] =	ssyncset.done $0x0  }
0xa4: {  	[sflag:s23] =	ssyncadd.s32 $0xFFFFFFFF  }
0xa5: {  	s4 =	sld [smem:$0x0]  }
0xa6: {  	s5 =	sand.u32 $0xFFFFFFFE, s1  }
0xa7: {  	p0 =	sne.s32 s1, s5  }
0xa8: {  	s5 =	sshll.u32 @p0 s5, $0xE  }
0xa9: {  	s5 =	sadd.s32 @p0 $0x11B8D, s5;
	s6 =	sshll.u32 @p0 s4, $0x11  }
0xaa: {  	s5 =	sor.u32 @p0 s6, s5  }
0xab: {  	[sflag:s5] =	ssyncadd.remote.s32 @p0 $0x1;
	_ =	sdelay $0x1  }
0xac: {  	s5 =	simm.s32 @p0 $0x1B8D  }
0xad: {  	_ =	swait.eq @p0 [sflag:s5], $0x1  }
0xae: {  	[sflag:s5] =	ssyncadd.s32 @p0 $0xFFFFFFFF  }
0xaf: {  	s6 =	sshll.u32 @!p0 s1, $0xE  }
0xb0: {  	s6 =	sor.u32 @!p0 $0x4000, s6;
	s5 =	simm.s32 @!p0 $0x1B8D  }
0xb1: {  	s4 =	sshll.u32 @!p0 s4, $0x11;
	s6 =	sadd.s32 @!p0 $0x11B8D, s6;
	_ =	swait.eq @!p0 [sflag:s5], $0x1  }
0xb2: {  	s4 =	sor.u32 @!p0 s4, s6;
	[sflag:s5] =	ssyncadd.s32 @!p0 $0xFFFFFFFF  }
0xb3: {  	s25 =	simm.s32 $0x1B8E;
	s24 =	sld [smem:$0x3FFE];
	[sflag:s4] =	ssyncadd.remote.s32 @!p0 $0x1  }
0xb4: {  	s26 =	simm.s32 $execute0_lowered;
	[smem:$0x3FD2] =	sst s25  }
0xb5: {  	s5 =	sshll.u32 s26, $0x1;
	_ =	strace $0x80000049;
	[dreg:$0x1] =	wrdreg $0xFFFFFFFF  }
0xb6: {  	s28 =	simm.s32 $_size_execute0_lowered;
	s3 =	sadd.s32 s3, s5;
	[dreg:$0x0] =	wrdreg $0x0  }
0xb7: {  	s5 =	sshll.u32 s28, $0x1;
	[dreg:$0x2] =	wrdreg s3  }
0xb8: {  	[dreg:$0x3] =	wrdreg s5  }
0xb9: {  	[dreg:$0x4] =	wrdreg $0xC0  }
0xba: {  	_ =	task [dreg:s22], $0x5FFFF  }
0xbb: {  	[dreg:$0x1] =	wrdreg $0xFFFFFFFF  }
0xbc: {  	[dreg:$0x0] =	wrdreg $0x60  }
0xbd: {  	[dreg:$0x2] =	wrdreg s24  }
0xbe: {  	[dreg:$0x3] =	wrdreg $0x0  }
0xbf: {  	[dreg:$0x4] =	wrdreg $0xA  }
0xc0: {  	_ =	task.clear_ibuf [dreg:s22], $0x5FFFF;
	_ =	strace $0x90000049  }
0xc1: {  	s29 =	simm.s32 $0xA;
	_ =	strace $0x8000004B  }
0xc2: {  	_ =	swait.ge [sflag:s29], $0x1  }
0xc3: {  	[sflag:s29] =	ssyncadd.s32 $0xFFFFFFFF  }
0xc4: {  	_ =	strace $0x9000004B  }
0xc5: {  	_ =	sfence  }
0xc6: {  	s30 =	sld [smem:$0x0];
	_ =	sdelay $0x2  }
0xc7: {  	s31 =	sshll.u32 s1, $0xD;
	s1 =	sshrl.u32 s1, $0x2  }
0xc8: {  	s4 =	sand.u32 $0x4000, s31;
	s1 =	sadd.s32 s1, s30  }
0xc9: {  	s0 =	sor.u32 s4, s0;
	s1 =	sshll.u32 s1, $0x11  }
0xca: {  	s0 =	sor.u32 s1, s0  }
0xcb: {  	s0 =	sadd.s32 $0x8F2B, s0  }
0xcc: {  	[sflag:s0] =	ssyncadd.remote.s32 $0x1  }
0xcd: {  	_ =	sfence.sel $0xFFFF  }
0xce: {  	[dreg:$0x0] =	wrdreg $0xFFFFFFFF;
	(pc) =	sbr.abs _section_cstart, $3  }
0xcf: {  	[dreg:$0x1] =	wrdreg $0xFFFFFFFF  }
0xd0: {  	_ =	task.clear_ibuf [dreg:s22], $0x2FFFF;
	_ =	strace $0x9FFFFFFF  }
0xd1: {  	(tm) =	ssettm $0x7FFFFFFF  }
tec
execute0_lowered:
.L_overlay_start_1:
0x0: {  	(tag) =	ssettag $0x1  }
0x1: {  	s0 =	rddreg [dreg:$0x0]  }
0x2: {  	s1 =	rddreg [dreg:$0x1];
	s2 =	simm.s32 $0x0  }
0x3: {  	s4 =	srdreg.scid;
	s8 =	stileid.u32;
	s28 =	simm.s32 $0xA600  }
0x4: {  	s29 =	simm.s32 $0x2;
	s30 =	simm.s32 $0x0;
	[smem:$0x7FF] =	sst s2  }
0x5: {  	s3 =	sadd.s32 $0x41C00, s0;
	s5 =	sadd.s32 $0x36800, s0;
	s7 =	sadd.s32 $0x2C800, s0  }
0x6: {  	s9 =	sand.u32 $0x1, s4;
	s6 =	sshll.u32 s8, $0x1;
	s10 =	smul.u32 $0x13800, s8  }
0x7: {  	s4 =	sadd.s32 $0x40800, s0;
	s0 =	sadd.s32 $0x55600, s0;
	s18 =	sshll.u32 s8, $0x6  }
0x8: {  	s20 =	sadd.s32 $0x9C000, s1;
	s23 =	smul.u32 $0x5000, s8;
	p0 =	sne.s32 s8, $0x0  }
0x9: {  	_ =	strace $0x8000004A;
	s11 =	ssub.s32 $0x2, s9;
	s14 =	smul.u32 $0x138800, s9  }
0xa: {  	s6 =	sor.u32 s9, s6;
	[dreg:$0x4] =	wrdreg s20;
	s15 =	smul.u32 $0x2800, s9  }
0xb: {  	s20 =	simm.s32 $0xA000;
	s12 =	sshrl.u32 s11, $0x1;
	s13 =	sshrl.u32 s10, $0x1  }
0xc: {  	s6 =	smul.u32 $0x2800, s6;
	s11 =	ssub.s32 s11, s12;
	s17 =	sadd.s32 s13, s1  }
0xd: {  	s10 =	sadd.s32 s10, s14;
	s22 =	sshrl.u32 s14, $0x4;
	s16 =	sadd.s32 s15, s23  }
0xe: {  	s23 =	simm.s32 $0xA200;
	[dreg:$0x3] =	wrdreg s17;
	s19 =	sshrl.u32 s6, $0x3  }
0xf: {  	s6 =	sor.u32 $0x1C03, s18;
	s10 =	sshrl.u32 s10, $0x4;
	s12 =	sadd.s32 s0, s22  }
0x10: {  	s11 =	smax.u32 s11, $0x1;
	s15 =	sor.u32 $0x400, s16;
	s17 =	sor.u32 $0x200, s16  }
0x11: {  	s18 =	sshrl.u32 s16, $0x3;
	s22 =	simm.s32 $0xA800;
	s21 =	sadd.s32 s5, s19  }
0x12: {  	s0 =	sadd.s32 s0, s10;
	s24 =	sadd.s32 $0x13800, s12;
	s25 =	sadd.s32 $0x4C0, s19  }
0x13: {  	s13 =	sadd.s32 s7, s19;
	s26 =	sshrl.u32 s15, $0x3;
	[dreg:$0x5] =	wrdreg s21  }
0x14: {  	s31 =	sshrl.u32 s17, $0x3;
	s18 =	sadd.s32 s18, s7;
	[dreg:$0x6] =	wrdreg s0  }
0x15: {  	s19 =	simm.s32 $0x3;
	[dreg:$0x7] =	wrdreg s24;
	s12 =	sadd.s32 s5, s25  }
0x16: {  	s13 =	sadd.s32 $0x480, s13;
	s14 =	sadd.s32 s7, s25;
	s15 =	sadd.s32 s26, s5  }
0x17: {  	s16 =	sadd.s32 s31, s7;
	s17 =	sadd.s32 s31, s5;
	s21 =	simm.s32 $0x200  }
0x18: {  	s24 =	simm.s32 $0x12800;
	s25 =	simm.s32 $0xA400;
	s26 =	simm.s32 $0x1  }
.LBB2_1:
0x19: {  	s0 =	rddreg [dreg:$0x3]  }
0x1a: {  	s31 =	sshrl.u32 s0, $0x3  }
0x1b: {  	[spmem:s31], [sflag:s6] =	dma.local [hbm:s4], $0x1380  }
0x1c: {  	_ =	swait.ge [sflag:s19], $0x1380  }
0x1d: {  	[sflag:s19] =	ssyncset.done $0x0;
	s0 =	rddreg [dreg:$0x4]  }
0x1e: {  	s5 =	simm.s32 @!p0 $0x3;
	[sflag:s19] =	ssyncadd.s32 $0xFFFFEC80;
	s0 =	sshrl.u32 @!p0 s0, $0x3  }
0x1f: {  	[spmem:s0], [sflag:s6] =	dma.local @!p0 [hbm:s4], $0x80  }
0x20: {  	_ =	swait.ge @!p0 [sflag:s5], $0x80  }
0x21: {  	[sflag:s5] =	ssyncset.done @!p0 $0x0  }
0x22: {  	s10 =	rddreg [dreg:$0x5];
	[sflag:s5] =	ssyncadd.s32 @!p0 $0xFFFFFF80  }
0x23: {  	[tilespmem:s20], [sflag:$0x3] =	stream.linear.gather [hbm4b:s10+s2], $0x200, $0x38;
	[tilespmem:$0x1A800] =	vst v63  }
0x24: {  	_ =	swait.ge [sflag:s19], $0x200  }
0x25: {  	[sflag:s19] =	ssyncset.done $0x0  }
0x26: {  	[sflag:s19] =	ssyncadd.s32 $0xFFFFFE00  }
0x27: {  	[tilespmem:s22], [sflag:$0x1] =	stream.indirect.gather [hbm4b:s3+s21], $0x40, s20, s21, $0xb8;
	[tilespmem:$0x1A800] =	vst v63  }
0x28: {  	s7 =	sadd.s32 $0x0, s17;
	[bflag:$0x0] =	sbarrier.arrive $0xFFFF  }
0x29: {  	[tilespmem:s23], [sflag:$0x3] =	stream.linear.gather [hbm4b:s7+s2], $0x200, $0x38;
	[tilespmem:$0x1A800] =	vst v63  }
0x2a: {  	_ =	swait.ge [sflag:s19], $0x200  }
0x2b: {  	[sflag:s19] =	ssyncset.done $0x0  }
0x2c: {  	[sflag:s19] =	ssyncadd.s32 $0xFFFFFE00  }
0x2d: {  	[tilespmem:s24], [sflag:$0x2] =	stream.indirect.gather [hbm4b:s3+s21], $0x40, s23, s21, $0xb8;
	[tilespmem:$0x1A800] =	vst v63  }
0x2e: {  	s8 =	sadd.s32 $0x0, s18  }
0x2f: {  	[tilespmem:s25], [sflag:$0x3] =	stream.linear.gather [hbm4b:s8+s2], $0x200, $0x38;
	[tilespmem:$0x1A800] =	vst v63  }
0x30: {  	_ =	swait.ge [sflag:s19], $0x200  }
0x31: {  	[sflag:s19] =	ssyncset.done $0x0  }
0x32: {  	[sflag:s19] =	ssyncadd.s32 $0xFFFFFE00  }
0x33: {  	_ =	swait.ge [sflag:s26], $0x8000  }
0x34: {  	[sflag:s26] =	ssyncset.done $0x0  }
0x35: {  	[sflag:s26] =	ssyncadd.s32 $0xFFFF8000  }
0x36: {  	[spmem:s1] =	stream.indirect.scatter.add.bf16 [tilespmem:s22], [sflag:$0x3], $0x40, s25, s21, $0xb8;
	[tilespmem:$0x1A800] =	vst v63  }
0x37: {  	_ =	swait.ge [sflag:s19], $0x8000  }
0x38: {  	[sflag:s19] =	ssyncset.done $0x0  }
0x39: {  	s9 =	sadd.s32 $0x0, s15;
	[sflag:s19] =	ssyncadd.s32 $0xFFFF8000  }
0x3a: {  	[tilespmem:s20], [sflag:$0x3] =	stream.linear.gather [hbm4b:s9+s2], $0x200, $0x38;
	[tilespmem:$0x1A800] =	vst v63  }
0x3b: {  	_ =	swait.ge [sflag:s19], $0x200  }
0x3c: {  	[sflag:s19] =	ssyncset.done $0x0  }
0x3d: {  	[sflag:s19] =	ssyncadd.s32 $0xFFFFFE00  }
0x3e: {  	[tilespmem:s22], [sflag:$0x1] =	stream.indirect.gather [hbm4b:s3+s21], $0x40, s20, s21, $0xb8;
	[tilespmem:$0x1A800] =	vst v63  }
0x3f: {  	s10 =	sadd.s32 $0x0, s16  }
0x40: {  	[tilespmem:s28], [sflag:$0x3] =	stream.linear.gather [hbm4b:s10+s2], $0x200, $0x38;
	[tilespmem:$0x1A800] =	vst v63  }
0x41: {  	_ =	swait.ge [sflag:s19], $0x200  }
0x42: {  	[sflag:s19] =	ssyncset.done $0x0  }
0x43: {  	[sflag:s19] =	ssyncadd.s32 $0xFFFFFE00  }
0x44: {  	_ =	swait.ge [sflag:s29], $0x8000  }
0x45: {  	[sflag:s29] =	ssyncset.done $0x0  }
0x46: {  	[sflag:s29] =	ssyncadd.s32 $0xFFFF8000  }
0x47: {  	[spmem:s1] =	stream.indirect.scatter.add.bf16 [tilespmem:s24], [sflag:$0x3], $0x40, s28, s21, $0xb8;
	[tilespmem:$0x1A800] =	vst v63  }
0x48: {  	_ =	swait.ge [sflag:s19], $0x8000  }
0x49: {  	s5 =	simm.s32 $0x80;
	s7 =	simm.s32 $0x100;
	[sflag:s19] =	ssyncset.done $0x0  }
.LBB2_2:
0x4a: {  	s9 =	sadd.s32 s5, s17  }
0x4b: {  	[sflag:s19] =	ssyncadd.s32 $0xFFFF8000;
	s10 =	smov.u32 s7;
	s8 =	sadd.s32 $0x80, s7  }
0x4c: {  	[tilespmem:s23], [sflag:$0x3] =	stream.linear.gather [hbm4b:s9+s2], $0x200, $0x38;
	[tilespmem:$0x1A800] =	vst v63  }
0x4d: {  	p1 =	sne.s32 s7, $0x400;
	_ =	swait.ge [sflag:s19], $0x200  }
0x4e: {  	[sflag:s19] =	ssyncset.done $0x0  }
0x4f: {  	[sflag:s19] =	ssyncadd.s32 $0xFFFFFE00  }
0x50: {  	[tilespmem:s24], [sflag:$0x2] =	stream.indirect.gather [hbm4b:s3+s21], $0x40, s23, s21, $0xb8;
	[tilespmem:$0x1A800] =	vst v63  }
0x51: {  	s7 =	sadd.s32 s5, s18  }
0x52: {  	[tilespmem:s25], [sflag:$0x3] =	stream.linear.gather [hbm4b:s7+s2], $0x200, $0x38;
	[tilespmem:$0x1A800] =	vst v63  }
0x53: {  	_ =	swait.ge [sflag:s19], $0x200  }
0x54: {  	[sflag:s19] =	ssyncset.done $0x0  }
0x55: {  	[sflag:s19] =	ssyncadd.s32 $0xFFFFFE00  }
0x56: {  	_ =	swait.ge [sflag:s26], $0x8000  }
0x57: {  	[sflag:s26] =	ssyncset.done $0x0  }
0x58: {  	[sflag:s26] =	ssyncadd.s32 $0xFFFF8000  }
0x59: {  	[spmem:s1] =	stream.indirect.scatter.add.bf16 [tilespmem:s22], [sflag:$0x3], $0x40, s25, s21, $0xb8;
	[tilespmem:$0x1A800] =	vst v63  }
0x5a: {  	_ =	swait.ge [sflag:s19], $0x8000  }
0x5b: {  	[sflag:s19] =	ssyncset.done $0x0  }
0x5c: {  	s7 =	sadd.s32 s5, s15;
	[sflag:s19] =	ssyncadd.s32 $0xFFFF8000  }
0x5d: {  	[tilespmem:s20], [sflag:$0x3] =	stream.linear.gather [hbm4b:s7+s2], $0x200, $0x38;
	[tilespmem:$0x1A800] =	vst v63  }
0x5e: {  	_ =	swait.ge [sflag:s19], $0x200  }
0x5f: {  	[sflag:s19] =	ssyncset.done $0x0  }
0x60: {  	[sflag:s19] =	ssyncadd.s32 $0xFFFFFE00  }
0x61: {  	[tilespmem:s22], [sflag:$0x1] =	stream.indirect.gather [hbm4b:s3+s21], $0x40, s20, s21, $0xb8;
	[tilespmem:$0x1A800] =	vst v63  }
0x62: {  	s7 =	sadd.s32 s5, s16;
	s5 =	smov.u32 s10  }
0x63: {  	[tilespmem:s28], [sflag:$0x3] =	stream.linear.gather [hbm4b:s7+s2], $0x200, $0x38;
	[tilespmem:$0x1A800] =	vst v63  }
0x64: {  	_ =	swait.ge [sflag:s19], $0x200  }
0x65: {  	[sflag:s19] =	ssyncset.done $0x0  }
0x66: {  	[sflag:s19] =	ssyncadd.s32 $0xFFFFFE00  }
0x67: {  	_ =	swait.ge [sflag:s29], $0x8000  }
.Ltmp0:
0x68: {  	[sflag:s29] =	ssyncset.done $0x0;
	(pc) =	sbr.rel @p1 .LBB2_2-.Ltmp0, $4  }
0x69: {  	[sflag:s29] =	ssyncadd.s32 $0xFFFF8000  }
0x6a: {  	[spmem:s1] =	stream.indirect.scatter.add.bf16 [tilespmem:s24], [sflag:$0x3], $0x40, s28, s21, $0xb8;
	[tilespmem:$0x1A800] =	vst v63  }
0x6b: {  	_ =	swait.ge [sflag:s19], $0x8000  }
0x6c: {  	s7 =	smov.u32 s8;
	[sflag:s19] =	ssyncset.done $0x0  }
0x6d: {  	s7 =	sadd.s32 s5, s17;
	[sflag:s19] =	ssyncadd.s32 $0xFFFF8000  }
0x6e: {  	[tilespmem:s23], [sflag:$0x3] =	stream.linear.gather [hbm4b:s7+s2], $0x200, $0x38;
	[tilespmem:$0x1A800] =	vst v63  }
0x6f: {  	_ =	swait.ge [sflag:s19], $0x200  }
0x70: {  	[sflag:s19] =	ssyncset.done $0x0  }
0x71: {  	[sflag:s19] =	ssyncadd.s32 $0xFFFFFE00  }
0x72: {  	[tilespmem:s24], [sflag:$0x2] =	stream.indirect.gather [hbm4b:s3+s21], $0x40, s23, s21, $0xb8;
	[tilespmem:$0x1A800] =	vst v63  }
0x73: {  	s10 =	sadd.s32 s5, s18  }
0x74: {  	[tilespmem:s25], [sflag:$0x3] =	stream.linear.gather [hbm4b:s10+s2], $0x200, $0x38;
	[tilespmem:$0x1A800] =	vst v63  }
0x75: {  	_ =	swait.ge [sflag:s19], $0x200  }
0x76: {  	[sflag:s19] =	ssyncset.done $0x0  }
0x77: {  	[sflag:s19] =	ssyncadd.s32 $0xFFFFFE00  }
0x78: {  	_ =	swait.ge [sflag:s26], $0x8000  }
0x79: {  	[sflag:s26] =	ssyncset.done $0x0  }
0x7a: {  	[sflag:s26] =	ssyncadd.s32 $0xFFFF8000  }
0x7b: {  	[spmem:s1] =	stream.indirect.scatter.add.bf16 [tilespmem:s22], [sflag:$0x3], $0x40, s25, s21, $0xb8;
	[tilespmem:$0x1A800] =	vst v63  }
0x7c: {  	_ =	swait.ge [sflag:s19], $0x8000  }
0x7d: {  	[sflag:s19] =	ssyncset.done $0x0  }
0x7e: {  	s8 =	sadd.s32 s5, s15;
	[sflag:s19] =	ssyncadd.s32 $0xFFFF8000  }
0x7f: {  	[tilespmem:s20], [sflag:$0x3] =	stream.linear.gather [hbm4b:s8+s2], $0x200, $0x38;
	[tilespmem:$0x1A800] =	vst v63  }
0x80: {  	_ =	swait.ge [sflag:s19], $0x200  }
0x81: {  	[sflag:s19] =	ssyncset.done $0x0  }
0x82: {  	[sflag:s19] =	ssyncadd.s32 $0xFFFFFE00  }
0x83: {  	[tilespmem:s22], [sflag:$0x1] =	stream.indirect.gather [hbm4b:s3+s21], $0x40, s20, s21, $0xb8;
	[tilespmem:$0x1A800] =	vst v63  }
0x84: {  	s9 =	sadd.s32 s5, s16  }
0x85: {  	[tilespmem:s28], [sflag:$0x3] =	stream.linear.gather [hbm4b:s9+s2], $0x200, $0x38;
	[tilespmem:$0x1A800] =	vst v63  }
0x86: {  	_ =	swait.ge [sflag:s19], $0x200  }
0x87: {  	[sflag:s19] =	ssyncset.done $0x0  }
0x88: {  	[sflag:s19] =	ssyncadd.s32 $0xFFFFFE00  }
0x89: {  	_ =	swait.ge [sflag:s29], $0x8000  }
0x8a: {  	[sflag:s29] =	ssyncset.done $0x0  }
0x8b: {  	[sflag:s29] =	ssyncadd.s32 $0xFFFF8000  }
0x8c: {  	[spmem:s1] =	stream.indirect.scatter.add.bf16 [tilespmem:s24], [sflag:$0x3], $0x40, s28, s21, $0xb8;
	[tilespmem:$0x1A800] =	vst v63  }
0x8d: {  	_ =	swait.ge [sflag:s19], $0x8000  }
0x8e: {  	[sflag:s19] =	ssyncset.done $0x0  }
0x8f: {  	[sflag:s19] =	ssyncadd.s32 $0xFFFF8000  }
0x90: {  	[tilespmem:s23], [sflag:$0x3] =	stream.linear.gather [hbm4b:s12+s2], $0x200, $0x38;
	[tilespmem:$0x1A800] =	vst v63  }
0x91: {  	_ =	swait.ge [sflag:s19], $0x200  }
0x92: {  	[sflag:s19] =	ssyncset.done $0x0  }
0x93: {  	[sflag:s19] =	ssyncadd.s32 $0xFFFFFE00  }
0x94: {  	[tilespmem:s24], [sflag:$0x2] =	stream.indirect.gather [hbm4b:s3+s21], $0x40, s23, s21, $0xb8;
	[tilespmem:$0x1A800] =	vst v63  }
0x95: {  	_ = 	snop  }
0x96: {  	[tilespmem:s25], [sflag:$0x3] =	stream.linear.gather [hbm4b:s13+s2], $0x200, $0x38;
	[tilespmem:$0x1A800] =	vst v63  }
0x97: {  	_ =	swait.ge [sflag:s19], $0x200  }
0x98: {  	[sflag:s19] =	ssyncset.done $0x0  }
0x99: {  	[sflag:s19] =	ssyncadd.s32 $0xFFFFFE00  }
0x9a: {  	_ =	swait.ge [sflag:s26], $0x8000  }
0x9b: {  	[sflag:s26] =	ssyncset.done $0x0  }
0x9c: {  	[sflag:s26] =	ssyncadd.s32 $0xFFFF8000  }
0x9d: {  	[spmem:s1] =	stream.indirect.scatter.add.bf16 [tilespmem:s22], [sflag:$0x3], $0x40, s25, s21, $0xb8;
	[tilespmem:$0x1A800] =	vst v63  }
0x9e: {  	_ =	swait.ge [sflag:s19], $0x8000  }
0x9f: {  	[sflag:s19] =	ssyncset.done $0x0  }
0xa0: {  	[sflag:s19] =	ssyncadd.s32 $0xFFFF8000  }
0xa1: {  	[tilespmem:s28], [sflag:$0x3] =	stream.linear.gather [hbm4b:s14+s2], $0x200, $0x38;
	[tilespmem:$0x1A800] =	vst v63  }
0xa2: {  	_ =	swait.ge [sflag:s19], $0x200  }
0xa3: {  	[sflag:s19] =	ssyncset.done $0x0  }
0xa4: {  	[sflag:s19] =	ssyncadd.s32 $0xFFFFFE00  }
0xa5: {  	_ =	swait.ge [sflag:s29], $0x8000  }
0xa6: {  	[sflag:s29] =	ssyncset.done $0x0  }
0xa7: {  	[sflag:s29] =	ssyncadd.s32 $0xFFFF8000  }
0xa8: {  	[spmem:s1] =	stream.indirect.scatter.add.bf16 [tilespmem:s24], [sflag:$0x3], $0x40, s28, s21, $0xb8;
	[tilespmem:$0x1A800] =	vst v63  }
0xa9: {  	_ =	swait.ge [sflag:s19], $0x8000  }
0xaa: {  	[sflag:s19] =	ssyncset.done $0x0  }
0xab: {  	[sflag:s19] =	ssyncadd.s32 $0xFFFF8000  }
0xac: {  	[bflag:$0x0] =	sbarrier.arrive $0xFFFF  }
0xad: {  	s10 =	rddreg [dreg:$0x6]  }
0xae: {  	[hbm:s10], [sflag:s6] =	dma.local [spmem:s31], $0x1380  }
0xaf: {  	_ =	swait.ge [sflag:s19], $0x1380  }
0xb0: {  	s30 =	sadd.s32 $0x1, s30;
	[sflag:s19] =	ssyncset.done $0x0  }
0xb1: {  	p1 =	sne.s32 s30, s11;
	s5 =	rddreg [dreg:$0x7];
	[sflag:s19] =	ssyncadd.s32 $0xFFFFEC80  }
0xb2: {  	[hbm:s5], [sflag:s6] =	dma.local @!p0 [spmem:s0], $0x80  }
.Ltmp1:
0xb3: {  	_ = 	snop;
	(pc) =	sbr.rel @p1 .LBB2_1-.Ltmp1, $4  }
0xb4: {  	s0 =	simm.s32 @!p0 $0x3  }
0xb5: {  	_ =	swait.ge @!p0 [sflag:s0], $0x80  }
0xb6: {  	[sflag:s0] =	ssyncset.done @!p0 $0x0  }
0xb7: {  	[sflag:s0] =	ssyncadd.s32 @!p0 $0xFFFFFF80  }
0xb8: {  	_ =	sfence.sel $0x180000  }
0xb9: {  	[bflag:$0x0] =	sbarrier.arrive $0xFFFF  }
0xba: {  	_ =	strace $0x9000004A  }
0xbb: {  	[bflag:$0x2] =	sbarrier.arrive $0xFFFF  }
0xbc: {  	s0 =	rddreg [dreg:$0x2]  }
0xbd: {  	s0 =	sadd.s32 @!p0 $0x100000, s0  }
0xbe: {  	[sflag:s0] =	ssyncadd.tile.s32 @!p0 $0x1;
	_ =	shalt  }
.Lfunc_end2:
_tile_overlayer_lowered:
.L_overlay_start_2:
0xbf: {  	(tag) =	ssettag $0x2  }
0xc0: {  	s0 =	rddreg [dreg:$0x0];
	s2 =	stileid.u32  }
0xc1: {  	s1 =	rddreg [dreg:$0x1];
	p0 =	sne.s32 s2, $0x0  }
0xc2: {  	s3 =	rddreg [dreg:$0x2];
	[bflag:$0x3] =	sbarrier.arrive $0xFFFF;
	s2 =	simm.s32 @!p0 $0x1C03  }
0xc3: {  	[timem:s3], [sflag:s2] =	dma.local @!p0 [hbm:s0], s1  }
0xc4: {  	s0 =	simm.s32 @!p0 $0x3  }
0xc5: {  	_ =	swait.ge @!p0 [sflag:s0], s1  }
0xc6: {  	s1 =	ssub.s32 @!p0 $0x0, s1;
	[sflag:s0] =	ssyncset.done @!p0 $0x0  }
0xc7: {  	[sflag:s0] =	ssyncadd.s32 @!p0 s1  }
0xc8: {  	[bflag:$0x3] =	sbarrier.arrive $0xFFFF  }
0xc9: {  	_ =	shalt  }

// kernel: kernel.26.cloned.1.call-start
scs
__scs_entry_jumppad:
0x0: {  	(pc) =	sbr.rel $0x88, $3  }
0x1: {  	(tag) =	ssettag $0x0;
	lr =	simm.s32 $0x1  }
0x2: {  	[smem:$0x3F80] =	sst lr;
	_ =	strace $0xD0000000  }
0x3: {  	_ = 	snop  }
0x4: {  	_ = 	snop  }
0x5: {  	_ = 	snop  }
0x6: {  	_ = 	snop  }
0x7: {  	_ = 	snop  }
__scs_overlays_trampoline_lowered:
0x8: {  	[smem:$0x3F8F] =	sst s0  }
0x9: {  	[smem:$0x3F90] =	sst s1  }
0xa: {  	[smem:$0x3F91] =	sst s2  }
0xb: {  	[smem:$0x3F92] =	sst s3  }
0xc: {  	[smem:$0x3F93] =	sst s4  }
0xd: {  	[smem:$0x3F94] =	sst s5  }
0xe: {  	[smem:$0x3F95] =	sst s6  }
0xf: {  	[smem:$0x3F96] =	sst s7  }
0x10: {  	[smem:$0x3F97] =	sst s8  }
0x11: {  	[smem:$0x3F98] =	sst s9;
	s0 =	simm.s32 @!p0 $0x0  }
0x12: {  	s1 =	sld [smem:$0x3F7E];
	s0 =	simm.s32 @p0 $0x1  }
0x13: {  	[smem:$0x3F99] =	sst s0;
	s0 =	simm.s32 @!p1 $0x0  }
0x14: {  	s2 =	sld [smem:$0x3F7D];
	s0 =	simm.s32 @p1 $0x1  }
0x15: {  	[smem:$0x3F9A] =	sst s0;
	s0 =	simm.s32 @!p2 $0x0  }
0x16: {  	s3 =	sld [smem:$0x3FDB];
	s0 =	simm.s32 @p2 $0x1  }
0x17: {  	s4 =	simm.s32 $0x1BF5;
	[smem:$0x3F9C] =	sst s0  }
0x18: {  	s0 =	sld [smem:$0x3F7F];
	_ =	swait.ge [sflag:s4], $0x0  }
0x19: {  	s7 =	sld [smem:$0x3F80]  }
0x1a: {  	s8 =	sadd.s32 $0xFFFFE003, lr  }
0x1b: {  	s9 =	sadd.s32 $0xFFFFFEF7, lr;
	s5 =	simm.s32 $0xFFFFFFFF;
	p2 =	slt.u32 s8, $0xFFFFF086  }
0x1c: {  	p1 =	slt.u32 s9, $0xF7A;
	s5 =	simm.s32 @!p2 $0x0  }
0x1d: {  	s5 =	simm.s32 @p1 $0x1;
	p0 =	seq.s32 s7, s2  }
0x1e: {  	s7 =	smul.u32 @!p0 $0xF7A, s2;
	p2 =	seq.s32 @!p0 s5, $0x0  }
0x1f: {  	s9 =	smul.u32 $0xF7A, s1;
	s8 =	simm.s32 @!p0 $0x1BF5;
	p2 =	por !p2, p0  }
0x20: {  	[sflag:s8] =	ssyncset.s32 @!p0 $0xFFFFF086;
	s6 =	sadd.s32 @!p0 s3, s7;
	s7 =	simm.s32 @!p0 $0x108  }
0x21: {  	s3 =	sadd.s32 s3, s9;
	s6 =	sadd.s32 @!p0 $0x88, s6;
	s7 =	simm.s32 @p2 $0x1082  }
0x22: {  	[simem:s7], [sflag:s8] =	dma.local @!p0 [hbm:s6], $0xF7A  }
0x23: {  	s9 =	sor.u32 $0xD0000000, s2;
	s6 =	simm.s32 $0x108;
	_ =	swait.ge @!p0 [sflag:s8], $0x0  }
0x24: {  	s3 =	sadd.s32 $0x88, s3;
	s6 =	simm.s32 @!p1 $0x1082;
	[sflag:s4] =	ssyncset.s32 $0xFFFFF086  }
0x25: {  	[simem:s6], [sflag:s4] =	dma.local [hbm:s3], $0xF7A  }
0x26: {  	[smem:$0x3F80] =	sst s1;
	(tag) =	ssettag s2;
	_ =	strace s9  }
0x27: {  	s1 =	sld [smem:$0x3F90]  }
0x28: {  	s2 =	sld [smem:$0x3F91]  }
0x29: {  	s4 =	sld [smem:$0x3F93]  }
0x2a: {  	p0 =	seq.s32 s5, $0x0;
	s5 =	sld [smem:$0x3F94]  }
0x2b: {  	s6 =	sld [smem:$0x3F95]  }
0x2c: {  	s7 =	sld [smem:$0x3F96]  }
0x2d: {  	s3 =	simm.s32 $0x108;
	s8 =	sld [smem:$0x3F97]  }
0x2e: {  	s3 =	simm.s32 @!p0 $0x1082;
	s9 =	sld [smem:$0x3F98]  }
0x2f: {  	lr =	sadd.s32 s0, s3;
	s0 =	sld [smem:$0x3F8F]  }
0x30: {  	s3 =	sld [smem:$0x3F92]  }
0x31: {  	[smem:$0x3F9B] =	sst s10  }
0x32: {  	s10 =	sld [smem:$0x3F99];
	_ =	sdelay $0x3  }
0x33: {  	p0 =	seq.s32 s10, $0x1;
	s10 =	sld [smem:$0x3F9B];
	_ =	sdelay $0x3  }
0x34: {  	[smem:$0x3F9B] =	sst s10  }
0x35: {  	s10 =	sld [smem:$0x3F9A];
	_ =	sdelay $0x3  }
0x36: {  	p1 =	seq.s32 s10, $0x1;
	s10 =	sld [smem:$0x3F9B];
	_ =	sdelay $0x3  }
0x37: {  	[smem:$0x3F9B] =	sst s10  }
0x38: {  	s10 =	sld [smem:$0x3F9C]  }
0x39: {  	_ = 	snop;
	(pc) =	sbr.ind lr, $3  }
0x3a: {  	_ = 	snop  }
0x3b: {  	_ = 	snop  }
0x3c: {  	p2 =	seq.s32 s10, $0x1;
	s10 =	sld [smem:$0x3F9B]  }
0x3d: {  	_ =	shalt  }
0x3e: {  	_ =	shalt  }
0x3f: {  	_ =	shalt  }
0x40: {  	_ =	shalt  }
0x41: {  	_ =	shalt  }
0x42: {  	_ =	shalt  }
0x43: {  	_ =	shalt  }
0x44: {  	_ =	shalt  }
0x45: {  	_ =	shalt  }
0x46: {  	_ =	shalt  }
0x47: {  	_ =	shalt  }
0x48: {  	_ =	shalt  }
0x49: {  	_ =	shalt  }
0x4a: {  	_ =	shalt  }
0x4b: {  	_ =	shalt  }
0x4c: {  	_ =	shalt  }
0x4d: {  	_ =	shalt  }
0x4e: {  	_ =	shalt  }
0x4f: {  	_ =	shalt  }
0x50: {  	_ =	shalt  }
0x51: {  	_ =	shalt  }
0x52: {  	_ =	shalt  }
0x53: {  	_ =	shalt  }
0x54: {  	_ =	shalt  }
0x55: {  	_ =	shalt  }
0x56: {  	_ =	shalt  }
0x57: {  	_ =	shalt  }
0x58: {  	_ =	shalt  }
0x59: {  	_ =	shalt  }
0x5a: {  	_ =	shalt  }
0x5b: {  	_ =	shalt  }
0x5c: {  	_ =	shalt  }
0x5d: {  	_ =	shalt  }
0x5e: {  	_ =	shalt  }
0x5f: {  	_ =	shalt  }
0x60: {  	_ =	shalt  }
0x61: {  	_ =	shalt  }
0x62: {  	_ =	shalt  }
0x63: {  	_ =	shalt  }
0x64: {  	_ =	shalt  }
0x65: {  	_ =	shalt  }
0x66: {  	_ =	shalt  }
0x67: {  	_ =	shalt  }
0x68: {  	_ =	shalt  }
0x69: {  	_ =	shalt  }
0x6a: {  	_ =	shalt  }
0x6b: {  	_ =	shalt  }
0x6c: {  	_ =	shalt  }
0x6d: {  	_ =	shalt  }
0x6e: {  	_ =	shalt  }
0x6f: {  	_ =	shalt  }
0x70: {  	_ =	shalt  }
0x71: {  	_ =	shalt  }
0x72: {  	_ =	shalt  }
0x73: {  	_ =	shalt  }
0x74: {  	_ =	shalt  }
0x75: {  	_ =	shalt  }
0x76: {  	_ =	shalt  }
0x77: {  	_ =	shalt  }
0x78: {  	_ =	shalt  }
0x79: {  	_ =	shalt  }
0x7a: {  	_ =	shalt  }
0x7b: {  	_ =	shalt  }
0x7c: {  	_ =	shalt  }
0x7d: {  	_ =	shalt  }
0x7e: {  	_ =	shalt  }
0x7f: {  	_ =	shalt  }
0x80: {  	_ =	shalt  }
0x81: {  	_ =	shalt  }
0x82: {  	_ =	shalt  }
0x83: {  	_ =	shalt  }
0x84: {  	_ =	shalt  }
0x85: {  	_ =	shalt  }
0x86: {  	_ =	shalt  }
0x87: {  	_ =	shalt  }
.Lfunc_end0:
.L_simem_size_0:
called_computation.4_lowered:
.L_overlay_start_0:
0x88: {  	s2 =	sld [smem:$0x3FD9]  }
0x89: {  	s3 =	sld [smem:$0x3FFE];
	_ =	sdelay $0x1  }
0x8a: {  	s1 =	srdreg.scid  }
0x8b: {  	s0 =	sand.u32 $0x1, s1  }
0x8c: {  	s17 =	sshll.u32 s0, $0xA;
	s2 =	sadd.s32 s3, s2  }
0x8d: {  	s2 =	sadd.s32 s2, s17  }
0x8e: {  	[smem:$0x3FA7] =	sst s2  }
0x8f: {  	_ = 	snop  }
0x90: {  	(tm) =	ssettm $0x1  }
0x91: {  	s18 =	sld [smem:$0x3FFB];
	_ =	sdelay $0x3  }
0x92: {  	_ =	strace s18  }
0x93: {  	s2 =	sld [smem:$0x3FFC];
	_ =	sdelay $0x3  }
0x94: {  	_ =	strace s2  }
0x95: {  	s2 =	sld [smem:$0x3FFD];
	_ =	sdelay $0x3  }
0x96: {  	_ =	strace s2  }
0x97: {  	_ =	strace $0x8FFFFFFF  }
0x98: {  	s19 =	sld [smem:$0x3FDB];
	_ =	sdelay $0x1  }
0x99: {  	s20 =	simm.s32 $_scs_section_size  }
0x9a: {  	s4 =	simm.s32 $_size__tile_overlayer_lowered;
	s5 =	simm.s32 $_tile_overlayer_lowered  }
0x9b: {  	s6 =	simm.s32 $0x1BFF;
	s21 =	sshll.u32 s5, $0x1;
	s3 =	sadd.s32 s20, s19  }
0x9c: {  	s22 =	simm.s32 $0x0;
	s4 =	sshll.u32 s4, $0x1;
	s5 =	sadd.s32 s21, s3  }
0x9d: {  	[timem:s22], [sflag:s6] =	dma.local [hbm:s5], s4  }
0x9e: {  	_ =	swait.ge [sflag:s6], s4  }
0x9f: {  	s4 =	ssub.s32 $0x0, s4;
	[sflag:s6] =	ssyncset.done $0x0  }
0xa0: {  	[sflag:s6] =	ssyncadd.s32 s4;
	_ =	sdelay $0x1  }
0xa1: {  	s23 =	simm.s32 $0x1B8B  }
0xa2: {  	_ =	swait.ge [sflag:s23], $0x1  }
0xa3: {  	[sflag:s23] =	ssyncset.done $0x0  }
0xa4: {  	[sflag:s23] =	ssyncadd.s32 $0xFFFFFFFF  }
0xa5: {  	s4 =	sld [smem:$0x0]  }
0xa6: {  	s5 =	sand.u32 $0xFFFFFFFE, s1  }
0xa7: {  	p0 =	sne.s32 s1, s5  }
0xa8: {  	s5 =	sshll.u32 @p0 s5, $0xE  }
0xa9: {  	s5 =	sadd.s32 @p0 $0x11B8D, s5;
	s6 =	sshll.u32 @p0 s4, $0x11  }
0xaa: {  	s5 =	sor.u32 @p0 s6, s5  }
0xab: {  	[sflag:s5] =	ssyncadd.remote.s32 @p0 $0x1;
	_ =	sdelay $0x1  }
0xac: {  	s5 =	simm.s32 @p0 $0x1B8D  }
0xad: {  	_ =	swait.eq @p0 [sflag:s5], $0x1  }
0xae: {  	[sflag:s5] =	ssyncadd.s32 @p0 $0xFFFFFFFF  }
0xaf: {  	s6 =	sshll.u32 @!p0 s1, $0xE  }
0xb0: {  	s6 =	sor.u32 @!p0 $0x4000, s6;
	s5 =	simm.s32 @!p0 $0x1B8D  }
0xb1: {  	s4 =	sshll.u32 @!p0 s4, $0x11;
	s6 =	sadd.s32 @!p0 $0x11B8D, s6;
	_ =	swait.eq @!p0 [sflag:s5], $0x1  }
0xb2: {  	s4 =	sor.u32 @!p0 s4, s6;
	[sflag:s5] =	ssyncadd.s32 @!p0 $0xFFFFFFFF  }
0xb3: {  	s25 =	simm.s32 $0x1B8E;
	s24 =	sld [smem:$0x3FFE];
	[sflag:s4] =	ssyncadd.remote.s32 @!p0 $0x1  }
0xb4: {  	s26 =	simm.s32 $execute0_lowered;
	[smem:$0x3FD2] =	sst s25  }
0xb5: {  	s5 =	sshll.u32 s26, $0x1;
	_ =	strace $0x8000004F;
	[dreg:$0x1] =	wrdreg $0xFFFFFFFF  }
0xb6: {  	s28 =	simm.s32 $_size_execute0_lowered;
	s3 =	sadd.s32 s3, s5;
	[dreg:$0x0] =	wrdreg $0x0  }
0xb7: {  	s5 =	sshll.u32 s28, $0x1;
	[dreg:$0x2] =	wrdreg s3  }
0xb8: {  	[dreg:$0x3] =	wrdreg s5  }
0xb9: {  	[dreg:$0x4] =	wrdreg $0xC0  }
0xba: {  	_ =	task [dreg:s22], $0x5FFFF  }
0xbb: {  	[dreg:$0x1] =	wrdreg $0xFFFFFFFF  }
0xbc: {  	[dreg:$0x0] =	wrdreg $0x60  }
0xbd: {  	[dreg:$0x2] =	wrdreg s24  }
0xbe: {  	[dreg:$0x3] =	wrdreg $0x0  }
0xbf: {  	[dreg:$0x4] =	wrdreg $0xA  }
0xc0: {  	_ =	task.clear_ibuf [dreg:s22], $0x5FFFF;
	_ =	strace $0x9000004F  }
0xc1: {  	s29 =	simm.s32 $0xA;
	_ =	strace $0x80000051  }
0xc2: {  	_ =	swait.ge [sflag:s29], $0x1  }
0xc3: {  	[sflag:s29] =	ssyncadd.s32 $0xFFFFFFFF  }
0xc4: {  	_ =	strace $0x90000051  }
0xc5: {  	_ =	sfence  }
0xc6: {  	s30 =	sld [smem:$0x0];
	_ =	sdelay $0x2  }
0xc7: {  	s31 =	sshll.u32 s1, $0xD;
	s1 =	sshrl.u32 s1, $0x2  }
0xc8: {  	s4 =	sand.u32 $0x4000, s31;
	s1 =	sadd.s32 s1, s30  }
0xc9: {  	s0 =	sor.u32 s4, s0;
	s1 =	sshll.u32 s1, $0x11  }
0xca: {  	s0 =	sor.u32 s1, s0  }
0xcb: {  	s0 =	sadd.s32 $0x8F2B, s0  }
0xcc: {  	[sflag:s0] =	ssyncadd.remote.s32 $0x1  }
0xcd: {  	_ =	sfence.sel $0xFFFF  }
0xce: {  	[dreg:$0x0] =	wrdreg $0xFFFFFFFF;
	(pc) =	sbr.abs _section_cstart, $3  }
0xcf: {  	[dreg:$0x1] =	wrdreg $0xFFFFFFFF  }
0xd0: {  	_ =	task.clear_ibuf [dreg:s22], $0x2FFFF;
	_ =	strace $0x9FFFFFFF  }
0xd1: {  	(tm) =	ssettm $0x7FFFFFFF  }
tec
execute0_lowered:
.L_overlay_start_1:
0x0: {  	(tag) =	ssettag $0x1  }
0x1: {  	s0 =	rddreg [dreg:$0x0]  }
0x2: {  	s1 =	rddreg [dreg:$0x1];
	s2 =	simm.s32 $0x0  }
0x3: {  	s4 =	srdreg.scid;
	s8 =	stileid.u32;
	s28 =	simm.s32 $0xA600  }
0x4: {  	s29 =	simm.s32 $0x2;
	s30 =	simm.s32 $0x0;
	[smem:$0x7FF] =	sst s2  }
0x5: {  	s3 =	sadd.s32 $0x41C00, s0;
	s5 =	sadd.s32 $0x36800, s0;
	s7 =	sadd.s32 $0x2C800, s0  }
0x6: {  	s9 =	sand.u32 $0x1, s4;
	s6 =	sshll.u32 s8, $0x1;
	s10 =	smul.u32 $0x13800, s8  }
0x7: {  	s4 =	sadd.s32 $0x40800, s0;
	s0 =	sadd.s32 $0x55600, s0;
	s18 =	sshll.u32 s8, $0x6  }
0x8: {  	s20 =	sadd.s32 $0x9C000, s1;
	s23 =	smul.u32 $0x5000, s8;
	p0 =	sne.s32 s8, $0x0  }
0x9: {  	_ =	strace $0x80000050;
	s11 =	ssub.s32 $0x2, s9;
	s14 =	smul.u32 $0x138800, s9  }
0xa: {  	s6 =	sor.u32 s9, s6;
	[dreg:$0x4] =	wrdreg s20;
	s15 =	smul.u32 $0x2800, s9  }
0xb: {  	s20 =	simm.s32 $0xA000;
	s12 =	sshrl.u32 s11, $0x1;
	s13 =	sshrl.u32 s10, $0x1  }
0xc: {  	s6 =	smul.u32 $0x2800, s6;
	s11 =	ssub.s32 s11, s12;
	s17 =	sadd.s32 s13, s1  }
0xd: {  	s10 =	sadd.s32 s10, s14;
	s22 =	sshrl.u32 s14, $0x4;
	s16 =	sadd.s32 s15, s23  }
0xe: {  	s23 =	simm.s32 $0xA200;
	[dreg:$0x3] =	wrdreg s17;
	s19 =	sshrl.u32 s6, $0x3  }
0xf: {  	s6 =	sor.u32 $0x1C03, s18;
	s10 =	sshrl.u32 s10, $0x4;
	s12 =	sadd.s32 s0, s22  }
0x10: {  	s11 =	smax.u32 s11, $0x1;
	s15 =	sor.u32 $0x400, s16;
	s17 =	sor.u32 $0x200, s16  }
0x11: {  	s18 =	sshrl.u32 s16, $0x3;
	s22 =	simm.s32 $0xA800;
	s21 =	sadd.s32 s5, s19  }
0x12: {  	s0 =	sadd.s32 s0, s10;
	s24 =	sadd.s32 $0x13800, s12;
	s25 =	sadd.s32 $0x4C0, s19  }
0x13: {  	s13 =	sadd.s32 s7, s19;
	s26 =	sshrl.u32 s15, $0x3;
	[dreg:$0x5] =	wrdreg s21  }
0x14: {  	s31 =	sshrl.u32 s17, $0x3;
	s18 =	sadd.s32 s18, s7;
	[dreg:$0x6] =	wrdreg s0  }
0x15: {  	s19 =	simm.s32 $0x3;
	[dreg:$0x7] =	wrdreg s24;
	s12 =	sadd.s32 s5, s25  }
0x16: {  	s13 =	sadd.s32 $0x480, s13;
	s14 =	sadd.s32 s7, s25;
	s15 =	sadd.s32 s26, s5  }
0x17: {  	s16 =	sadd.s32 s31, s7;
	s17 =	sadd.s32 s31, s5;
	s21 =	simm.s32 $0x200  }
0x18: {  	s24 =	simm.s32 $0x12800;
	s25 =	simm.s32 $0xA400;
	s26 =	simm.s32 $0x1  }
.LBB2_1:
0x19: {  	s0 =	rddreg [dreg:$0x3]  }
0x1a: {  	s31 =	sshrl.u32 s0, $0x3  }
0x1b: {  	[spmem:s31], [sflag:s6] =	dma.local [hbm:s4], $0x1380  }
0x1c: {  	_ =	swait.ge [sflag:s19], $0x1380  }
0x1d: {  	[sflag:s19] =	ssyncset.done $0x0;
	s0 =	rddreg [dreg:$0x4]  }
0x1e: {  	s5 =	simm.s32 @!p0 $0x3;
	[sflag:s19] =	ssyncadd.s32 $0xFFFFEC80;
	s0 =	sshrl.u32 @!p0 s0, $0x3  }
0x1f: {  	[spmem:s0], [sflag:s6] =	dma.local @!p0 [hbm:s4], $0x80  }
0x20: {  	_ =	swait.ge @!p0 [sflag:s5], $0x80  }
0x21: {  	[sflag:s5] =	ssyncset.done @!p0 $0x0  }
0x22: {  	s10 =	rddreg [dreg:$0x5];
	[sflag:s5] =	ssyncadd.s32 @!p0 $0xFFFFFF80  }
0x23: {  	[tilespmem:s20], [sflag:$0x3] =	stream.linear.gather [hbm4b:s10+s2], $0x200, $0x38;
	[tilespmem:$0x1A800] =	vst v63  }
0x24: {  	_ =	swait.ge [sflag:s19], $0x200  }
0x25: {  	[sflag:s19] =	ssyncset.done $0x0  }
0x26: {  	[sflag:s19] =	ssyncadd.s32 $0xFFFFFE00  }
0x27: {  	[tilespmem:s22], [sflag:$0x1] =	stream.indirect.gather [hbm4b:s3+s21], $0x40, s20, s21, $0xb8;
	[tilespmem:$0x1A800] =	vst v63  }
0x28: {  	s7 =	sadd.s32 $0x0, s17;
	[bflag:$0x0] =	sbarrier.arrive $0xFFFF  }
0x29: {  	[tilespmem:s23], [sflag:$0x3] =	stream.linear.gather [hbm4b:s7+s2], $0x200, $0x38;
	[tilespmem:$0x1A800] =	vst v63  }
0x2a: {  	_ =	swait.ge [sflag:s19], $0x200  }
0x2b: {  	[sflag:s19] =	ssyncset.done $0x0  }
0x2c: {  	[sflag:s19] =	ssyncadd.s32 $0xFFFFFE00  }
0x2d: {  	[tilespmem:s24], [sflag:$0x2] =	stream.indirect.gather [hbm4b:s3+s21], $0x40, s23, s21, $0xb8;
	[tilespmem:$0x1A800] =	vst v63  }
0x2e: {  	s8 =	sadd.s32 $0x0, s18  }
0x2f: {  	[tilespmem:s25], [sflag:$0x3] =	stream.linear.gather [hbm4b:s8+s2], $0x200, $0x38;
	[tilespmem:$0x1A800] =	vst v63  }
0x30: {  	_ =	swait.ge [sflag:s19], $0x200  }
0x31: {  	[sflag:s19] =	ssyncset.done $0x0  }
0x32: {  	[sflag:s19] =	ssyncadd.s32 $0xFFFFFE00  }
0x33: {  	_ =	swait.ge [sflag:s26], $0x8000  }
0x34: {  	[sflag:s26] =	ssyncset.done $0x0  }
0x35: {  	[sflag:s26] =	ssyncadd.s32 $0xFFFF8000  }
0x36: {  	[spmem:s1] =	stream.indirect.scatter.add.bf16 [tilespmem:s22], [sflag:$0x3], $0x40, s25, s21, $0xb8;
	[tilespmem:$0x1A800] =	vst v63  }
0x37: {  	_ =	swait.ge [sflag:s19], $0x8000  }
0x38: {  	[sflag:s19] =	ssyncset.done $0x0  }
0x39: {  	s9 =	sadd.s32 $0x0, s15;
	[sflag:s19] =	ssyncadd.s32 $0xFFFF8000  }
0x3a: {  	[tilespmem:s20], [sflag:$0x3] =	stream.linear.gather [hbm4b:s9+s2], $0x200, $0x38;
	[tilespmem:$0x1A800] =	vst v63  }
0x3b: {  	_ =	swait.ge [sflag:s19], $0x200  }
0x3c: {  	[sflag:s19] =	ssyncset.done $0x0  }
0x3d: {  	[sflag:s19] =	ssyncadd.s32 $0xFFFFFE00  }
0x3e: {  	[tilespmem:s22], [sflag:$0x1] =	stream.indirect.gather [hbm4b:s3+s21], $0x40, s20, s21, $0xb8;
	[tilespmem:$0x1A800] =	vst v63  }
0x3f: {  	s10 =	sadd.s32 $0x0, s16  }
0x40: {  	[tilespmem:s28], [sflag:$0x3] =	stream.linear.gather [hbm4b:s10+s2], $0x200, $0x38;
	[tilespmem:$0x1A800] =	vst v63  }
0x41: {  	_ =	swait.ge [sflag:s19], $0x200  }
0x42: {  	[sflag:s19] =	ssyncset.done $0x0  }
0x43: {  	[sflag:s19] =	ssyncadd.s32 $0xFFFFFE00  }
0x44: {  	_ =	swait.ge [sflag:s29], $0x8000  }
0x45: {  	[sflag:s29] =	ssyncset.done $0x0  }
0x46: {  	[sflag:s29] =	ssyncadd.s32 $0xFFFF8000  }
0x47: {  	[spmem:s1] =	stream.indirect.scatter.add.bf16 [tilespmem:s24], [sflag:$0x3], $0x40, s28, s21, $0xb8;
	[tilespmem:$0x1A800] =	vst v63  }
0x48: {  	_ =	swait.ge [sflag:s19], $0x8000  }
0x49: {  	s5 =	simm.s32 $0x80;
	s7 =	simm.s32 $0x100;
	[sflag:s19] =	ssyncset.done $0x0  }
.LBB2_2:
0x4a: {  	s9 =	sadd.s32 s5, s17  }
0x4b: {  	[sflag:s19] =	ssyncadd.s32 $0xFFFF8000;
	s10 =	smov.u32 s7;
	s8 =	sadd.s32 $0x80, s7  }
0x4c: {  	[tilespmem:s23], [sflag:$0x3] =	stream.linear.gather [hbm4b:s9+s2], $0x200, $0x38;
	[tilespmem:$0x1A800] =	vst v63  }
0x4d: {  	p1 =	sne.s32 s7, $0x400;
	_ =	swait.ge [sflag:s19], $0x200  }
0x4e: {  	[sflag:s19] =	ssyncset.done $0x0  }
0x4f: {  	[sflag:s19] =	ssyncadd.s32 $0xFFFFFE00  }
0x50: {  	[tilespmem:s24], [sflag:$0x2] =	stream.indirect.gather [hbm4b:s3+s21], $0x40, s23, s21, $0xb8;
	[tilespmem:$0x1A800] =	vst v63  }
0x51: {  	s7 =	sadd.s32 s5, s18  }
0x52: {  	[tilespmem:s25], [sflag:$0x3] =	stream.linear.gather [hbm4b:s7+s2], $0x200, $0x38;
	[tilespmem:$0x1A800] =	vst v63  }
0x53: {  	_ =	swait.ge [sflag:s19], $0x200  }
0x54: {  	[sflag:s19] =	ssyncset.done $0x0  }
0x55: {  	[sflag:s19] =	ssyncadd.s32 $0xFFFFFE00  }
0x56: {  	_ =	swait.ge [sflag:s26], $0x8000  }
0x57: {  	[sflag:s26] =	ssyncset.done $0x0  }
0x58: {  	[sflag:s26] =	ssyncadd.s32 $0xFFFF8000  }
0x59: {  	[spmem:s1] =	stream.indirect.scatter.add.bf16 [tilespmem:s22], [sflag:$0x3], $0x40, s25, s21, $0xb8;
	[tilespmem:$0x1A800] =	vst v63  }
0x5a: {  	_ =	swait.ge [sflag:s19], $0x8000  }
0x5b: {  	[sflag:s19] =	ssyncset.done $0x0  }
0x5c: {  	s7 =	sadd.s32 s5, s15;
	[sflag:s19] =	ssyncadd.s32 $0xFFFF8000  }
0x5d: {  	[tilespmem:s20], [sflag:$0x3] =	stream.linear.gather [hbm4b:s7+s2], $0x200, $0x38;
	[tilespmem:$0x1A800] =	vst v63  }
0x5e: {  	_ =	swait.ge [sflag:s19], $0x200  }
0x5f: {  	[sflag:s19] =	ssyncset.done $0x0  }
0x60: {  	[sflag:s19] =	ssyncadd.s32 $0xFFFFFE00  }
0x61: {  	[tilespmem:s22], [sflag:$0x1] =	stream.indirect.gather [hbm4b:s3+s21], $0x40, s20, s21, $0xb8;
	[tilespmem:$0x1A800] =	vst v63  }
0x62: {  	s7 =	sadd.s32 s5, s16;
	s5 =	smov.u32 s10  }
0x63: {  	[tilespmem:s28], [sflag:$0x3] =	stream.linear.gather [hbm4b:s7+s2], $0x200, $0x38;
	[tilespmem:$0x1A800] =	vst v63  }
0x64: {  	_ =	swait.ge [sflag:s19], $0x200  }
0x65: {  	[sflag:s19] =	ssyncset.done $0x0  }
0x66: {  	[sflag:s19] =	ssyncadd.s32 $0xFFFFFE00  }
0x67: {  	_ =	swait.ge [sflag:s29], $0x8000  }
.Ltmp0:
0x68: {  	[sflag:s29] =	ssyncset.done $0x0;
	(pc) =	sbr.rel @p1 .LBB2_2-.Ltmp0, $4  }
0x69: {  	[sflag:s29] =	ssyncadd.s32 $0xFFFF8000  }
0x6a: {  	[spmem:s1] =	stream.indirect.scatter.add.bf16 [tilespmem:s24], [sflag:$0x3], $0x40, s28, s21, $0xb8;
	[tilespmem:$0x1A800] =	vst v63  }
0x6b: {  	_ =	swait.ge [sflag:s19], $0x8000  }
0x6c: {  	s7 =	smov.u32 s8;
	[sflag:s19] =	ssyncset.done $0x0  }
0x6d: {  	s7 =	sadd.s32 s5, s17;
	[sflag:s19] =	ssyncadd.s32 $0xFFFF8000  }
0x6e: {  	[tilespmem:s23], [sflag:$0x3] =	stream.linear.gather [hbm4b:s7+s2], $0x200, $0x38;
	[tilespmem:$0x1A800] =	vst v63  }
0x6f: {  	_ =	swait.ge [sflag:s19], $0x200  }
0x70: {  	[sflag:s19] =	ssyncset.done $0x0  }
0x71: {  	[sflag:s19] =	ssyncadd.s32 $0xFFFFFE00  }
0x72: {  	[tilespmem:s24], [sflag:$0x2] =	stream.indirect.gather [hbm4b:s3+s21], $0x40, s23, s21, $0xb8;
	[tilespmem:$0x1A800] =	vst v63  }
0x73: {  	s10 =	sadd.s32 s5, s18  }
0x74: {  	[tilespmem:s25], [sflag:$0x3] =	stream.linear.gather [hbm4b:s10+s2], $0x200, $0x38;
	[tilespmem:$0x1A800] =	vst v63  }
0x75: {  	_ =	swait.ge [sflag:s19], $0x200  }
0x76: {  	[sflag:s19] =	ssyncset.done $0x0  }
0x77: {  	[sflag:s19] =	ssyncadd.s32 $0xFFFFFE00  }
0x78: {  	_ =	swait.ge [sflag:s26], $0x8000  }
0x79: {  	[sflag:s26] =	ssyncset.done $0x0  }
0x7a: {  	[sflag:s26] =	ssyncadd.s32 $0xFFFF8000  }
0x7b: {  	[spmem:s1] =	stream.indirect.scatter.add.bf16 [tilespmem:s22], [sflag:$0x3], $0x40, s25, s21, $0xb8;
	[tilespmem:$0x1A800] =	vst v63  }
0x7c: {  	_ =	swait.ge [sflag:s19], $0x8000  }
0x7d: {  	[sflag:s19] =	ssyncset.done $0x0  }
0x7e: {  	s8 =	sadd.s32 s5, s15;
	[sflag:s19] =	ssyncadd.s32 $0xFFFF8000  }
0x7f: {  	[tilespmem:s20], [sflag:$0x3] =	stream.linear.gather [hbm4b:s8+s2], $0x200, $0x38;
	[tilespmem:$0x1A800] =	vst v63  }
0x80: {  	_ =	swait.ge [sflag:s19], $0x200  }
0x81: {  	[sflag:s19] =	ssyncset.done $0x0  }
0x82: {  	[sflag:s19] =	ssyncadd.s32 $0xFFFFFE00  }
0x83: {  	[tilespmem:s22], [sflag:$0x1] =	stream.indirect.gather [hbm4b:s3+s21], $0x40, s20, s21, $0xb8;
	[tilespmem:$0x1A800] =	vst v63  }
0x84: {  	s9 =	sadd.s32 s5, s16  }
0x85: {  	[tilespmem:s28], [sflag:$0x3] =	stream.linear.gather [hbm4b:s9+s2], $0x200, $0x38;
	[tilespmem:$0x1A800] =	vst v63  }
0x86: {  	_ =	swait.ge [sflag:s19], $0x200  }
0x87: {  	[sflag:s19] =	ssyncset.done $0x0  }
0x88: {  	[sflag:s19] =	ssyncadd.s32 $0xFFFFFE00  }
0x89: {  	_ =	swait.ge [sflag:s29], $0x8000  }
0x8a: {  	[sflag:s29] =	ssyncset.done $0x0  }
0x8b: {  	[sflag:s29] =	ssyncadd.s32 $0xFFFF8000  }
0x8c: {  	[spmem:s1] =	stream.indirect.scatter.add.bf16 [tilespmem:s24], [sflag:$0x3], $0x40, s28, s21, $0xb8;
	[tilespmem:$0x1A800] =	vst v63  }
0x8d: {  	_ =	swait.ge [sflag:s19], $0x8000  }
0x8e: {  	[sflag:s19] =	ssyncset.done $0x0  }
0x8f: {  	[sflag:s19] =	ssyncadd.s32 $0xFFFF8000  }
0x90: {  	[tilespmem:s23], [sflag:$0x3] =	stream.linear.gather [hbm4b:s12+s2], $0x200, $0x38;
	[tilespmem:$0x1A800] =	vst v63  }
0x91: {  	_ =	swait.ge [sflag:s19], $0x200  }
0x92: {  	[sflag:s19] =	ssyncset.done $0x0  }
0x93: {  	[sflag:s19] =	ssyncadd.s32 $0xFFFFFE00  }
0x94: {  	[tilespmem:s24], [sflag:$0x2] =	stream.indirect.gather [hbm4b:s3+s21], $0x40, s23, s21, $0xb8;
	[tilespmem:$0x1A800] =	vst v63  }
0x95: {  	_ = 	snop  }
0x96: {  	[tilespmem:s25], [sflag:$0x3] =	stream.linear.gather [hbm4b:s13+s2], $0x200, $0x38;
	[tilespmem:$0x1A800] =	vst v63  }
0x97: {  	_ =	swait.ge [sflag:s19], $0x200  }
0x98: {  	[sflag:s19] =	ssyncset.done $0x0  }
0x99: {  	[sflag:s19] =	ssyncadd.s32 $0xFFFFFE00  }
0x9a: {  	_ =	swait.ge [sflag:s26], $0x8000  }
0x9b: {  	[sflag:s26] =	ssyncset.done $0x0  }
0x9c: {  	[sflag:s26] =	ssyncadd.s32 $0xFFFF8000  }
0x9d: {  	[spmem:s1] =	stream.indirect.scatter.add.bf16 [tilespmem:s22], [sflag:$0x3], $0x40, s25, s21, $0xb8;
	[tilespmem:$0x1A800] =	vst v63  }
0x9e: {  	_ =	swait.ge [sflag:s19], $0x8000  }
0x9f: {  	[sflag:s19] =	ssyncset.done $0x0  }
0xa0: {  	[sflag:s19] =	ssyncadd.s32 $0xFFFF8000  }
0xa1: {  	[tilespmem:s28], [sflag:$0x3] =	stream.linear.gather [hbm4b:s14+s2], $0x200, $0x38;
	[tilespmem:$0x1A800] =	vst v63  }
0xa2: {  	_ =	swait.ge [sflag:s19], $0x200  }
0xa3: {  	[sflag:s19] =	ssyncset.done $0x0  }
0xa4: {  	[sflag:s19] =	ssyncadd.s32 $0xFFFFFE00  }
0xa5: {  	_ =	swait.ge [sflag:s29], $0x8000  }
0xa6: {  	[sflag:s29] =	ssyncset.done $0x0  }
0xa7: {  	[sflag:s29] =	ssyncadd.s32 $0xFFFF8000  }
0xa8: {  	[spmem:s1] =	stream.indirect.scatter.add.bf16 [tilespmem:s24], [sflag:$0x3], $0x40, s28, s21, $0xb8;
	[tilespmem:$0x1A800] =	vst v63  }
0xa9: {  	_ =	swait.ge [sflag:s19], $0x8000  }
0xaa: {  	[sflag:s19] =	ssyncset.done $0x0  }
0xab: {  	[sflag:s19] =	ssyncadd.s32 $0xFFFF8000  }
0xac: {  	[bflag:$0x0] =	sbarrier.arrive $0xFFFF  }
0xad: {  	s10 =	rddreg [dreg:$0x6]  }
0xae: {  	[hbm:s10], [sflag:s6] =	dma.local [spmem:s31], $0x1380  }
0xaf: {  	_ =	swait.ge [sflag:s19], $0x1380  }
0xb0: {  	s30 =	sadd.s32 $0x1, s30;
	[sflag:s19] =	ssyncset.done $0x0  }
0xb1: {  	p1 =	sne.s32 s30, s11;
	s5 =	rddreg [dreg:$0x7];
	[sflag:s19] =	ssyncadd.s32 $0xFFFFEC80  }
0xb2: {  	[hbm:s5], [sflag:s6] =	dma.local @!p0 [spmem:s0], $0x80  }
.Ltmp1:
0xb3: {  	_ = 	snop;
	(pc) =	sbr.rel @p1 .LBB2_1-.Ltmp1, $4  }
0xb4: {  	s0 =	simm.s32 @!p0 $0x3  }
0xb5: {  	_ =	swait.ge @!p0 [sflag:s0], $0x80  }
0xb6: {  	[sflag:s0] =	ssyncset.done @!p0 $0x0  }
0xb7: {  	[sflag:s0] =	ssyncadd.s32 @!p0 $0xFFFFFF80  }
0xb8: {  	_ =	sfence.sel $0x180000  }
0xb9: {  	[bflag:$0x0] =	sbarrier.arrive $0xFFFF  }
0xba: {  	_ =	strace $0x90000050  }
0xbb: {  	[bflag:$0x2] =	sbarrier.arrive $0xFFFF  }
0xbc: {  	s0 =	rddreg [dreg:$0x2]  }
0xbd: {  	s0 =	sadd.s32 @!p0 $0x100000, s0  }
0xbe: {  	[sflag:s0] =	ssyncadd.tile.s32 @!p0 $0x1;
	_ =	shalt  }
.Lfunc_end2:
_tile_overlayer_lowered:
.L_overlay_start_2:
0xbf: {  	(tag) =	ssettag $0x2  }
0xc0: {  	s0 =	rddreg [dreg:$0x0];
	s2 =	stileid.u32  }
0xc1: {  	s1 =	rddreg [dreg:$0x1];
	p0 =	sne.s32 s2, $0x0  }
0xc2: {  	s3 =	rddreg [dreg:$0x2];
	[bflag:$0x3] =	sbarrier.arrive $0xFFFF;
	s2 =	simm.s32 @!p0 $0x1C03  }
0xc3: {  	[timem:s3], [sflag:s2] =	dma.local @!p0 [hbm:s0], s1  }
0xc4: {  	s0 =	simm.s32 @!p0 $0x3  }
0xc5: {  	_ =	swait.ge @!p0 [sflag:s0], s1  }
0xc6: {  	s1 =	ssub.s32 @!p0 $0x0, s1;
	[sflag:s0] =	ssyncset.done @!p0 $0x0  }
0xc7: {  	[sflag:s0] =	ssyncadd.s32 @!p0 s1  }
0xc8: {  	[bflag:$0x3] =	sbarrier.arrive $0xFFFF  }
0xc9: {  	_ =	shalt  }

</sc_bundles>
